<compile_context>
chip_gen: v7x
topology: tpu7x:2x2x1
jax: 0.10.2.dev20260603
libtpu: 0.0.44.dev20260713+nightly
codegen_flags: <defaults>
</compile_context>

<pallas_src>
import functools

import jax
import jax.numpy as jnp
from jax import lax
from jax.experimental import pallas as pl
from jax.experimental.pallas import tpu as pltpu
from jax.experimental.pallas import tpu_sc as plsc

N = 50000
E = 800000
D = 128
PADW = 8
PACK = D // PADW
EP = E // PACK
HALF = PACK // 8

NC, NS = 2, 16
NW = NC * NS
CHUNK = 1000
GRPE = PACK * CHUNK

EDGE_SPLIT = (416000, 384000)

BN = 2000


def _sc_gather(pos_pad, srcs, dsts, base_edge, nedges):
    mesh = plsc.VectorSubcoreMesh(
        core_axis_name="c", subcore_axis_name="s",
        num_cores=NC, num_subcores=NS)

    epw = nedges // NW
    nchunk = epw // CHUNK
    ep_h = nedges * PADW // D

    @functools.partial(
        pl.kernel,
        out_type=(
            jax.ShapeDtypeStruct((ep_h, D), jnp.float32),
            jax.ShapeDtypeStruct((ep_h, D), jnp.float32),
        ),
        mesh=mesh,
        compiler_params=pltpu.CompilerParams(use_tc_tiling_on_sc=False),
        scratch_types=[
            pltpu.VMEM((epw,), jnp.int32),
            pltpu.VMEM((epw,), jnp.int32),
            pltpu.VMEM((CHUNK, PADW), jnp.float32),
            pltpu.VMEM((CHUNK, PADW), jnp.float32),
            pltpu.VMEM((CHUNK, PADW), jnp.float32),
            pltpu.VMEM((CHUNK, PADW), jnp.float32),
            pltpu.SemaphoreType.DMA,
            pltpu.SemaphoreType.DMA,
            pltpu.SemaphoreType.DMA,
            pltpu.SemaphoreType.DMA,
        ],
    )
    def gather_k(pos_hbm, src_hbm, dst_hbm, sout_hbm, rout_hbm,
                 sidx, didx, sb0, rb0, sb1, rb1, gs0, gr0, gs1, gr1):
        wid = lax.axis_index("s") * NC + lax.axis_index("c")
        base = base_edge + wid * epw

        def scatter(i, sb, rb):
            off = base + i * CHUNK
            loc = off - base_edge
            grp = loc // (PACK * CHUNK)
            lane = PADW * ((loc // CHUNK) % PACK)
            row = grp * CHUNK
            pltpu.sync_copy(
                sb, sout_hbm.at[pl.ds(row, CHUNK), pl.ds(lane, PADW)])
            pltpu.sync_copy(
                rb, rout_hbm.at[pl.ds(row, CHUNK), pl.ds(lane, PADW)])

        def fire(i, sb, rb, gs, gr):
            idx_s = sidx.at[pl.ds(i * CHUNK, CHUNK)]
            idx_d = didx.at[pl.ds(i * CHUNK, CHUNK)]
            cs = pltpu.async_copy(pos_hbm.at[idx_s], sb, gs)
            cr = pltpu.async_copy(pos_hbm.at[idx_d], rb, gr)
            return cs, cr

        def drain(sb, rb, gs, gr):
            pltpu.make_async_copy(pos_hbm.at[pl.ds(0, CHUNK)], sb, gs).wait()
            pltpu.make_async_copy(pos_hbm.at[pl.ds(0, CHUNK)], rb, gr).wait()

        pltpu.sync_copy(src_hbm.at[pl.ds(base, epw)], sidx)
        pltpu.sync_copy(dst_hbm.at[pl.ds(base, epw)], didx)
        fire(0, sb0, rb0, gs0, gr0)

        def body(t, carry):
            i = 2 * t
            drain(sb0, rb0, gs0, gr0)
            fire(i + 1, sb1, rb1, gs1, gr1)
            scatter(i, sb0, rb0)
            drain(sb1, rb1, gs1, gr1)
            fire(i + 2, sb0, rb0, gs0, gr0)
            scatter(i + 1, sb1, rb1)
            return carry

        if nchunk % 2:
            lax.fori_loop(0, (nchunk - 1) // 2, body, 0)
            drain(sb0, rb0, gs0, gr0)
            scatter(nchunk - 1, sb0, rb0)
        else:
            lax.fori_loop(0, (nchunk - 2) // 2, body, 0)
            drain(sb0, rb0, gs0, gr0)
            fire(nchunk - 1, sb1, rb1, gs1, gr1)
            scatter(nchunk - 2, sb0, rb0)
            drain(sb1, rb1, gs1, gr1)
            scatter(nchunk - 1, sb1, rb1)

    return gather_k(pos_pad, srcs, dsts)


def _edge_body(s_ref, r_ref, sdiag_ref, w1big_ref, rnorm_ref, b1t_ref,
               w2_ref, b2_ref, out_ref):
    f32 = jnp.float32
    dpk = r_ref[...] - s_ref[...]
    nsq = jnp.dot(dpk * dpk, sdiag_ref[...], preferred_element_type=f32)
    norm = jnp.sqrt(nsq)
    for half in range(HALF):
        lo = 8 * D * half
        hh = (jnp.dot(dpk, w1big_ref[:, lo:lo + 8 * D],
                      preferred_element_type=f32)
              + jnp.dot(norm, rnorm_ref[:, lo:lo + 8 * D],
                        preferred_element_type=f32)
              + b1t_ref[:, lo:lo + 8 * D])
        hh = hh * jax.nn.sigmoid(hh)
        for j in range(8):
            out_ref[0, pl.ds(CHUNK * (8 * half + j), CHUNK), :] = (
                jnp.dot(hh[:, D * j:D * (j + 1)], w2_ref[...],
                        preferred_element_type=f32) + b2_ref[...])


def _edge_mlp(send, recv, sdiag, w1big, rnorm, b1t, w2, b2,
              nedges, goff, alias=None):
    grid = nedges // GRPE
    full = lambda i: (0, 0)
    in_specs = [
        pl.BlockSpec((CHUNK, D), lambda i: (i, 0)),
        pl.BlockSpec((CHUNK, D), lambda i: (i, 0)),
        pl.BlockSpec((D, D), full),
        pl.BlockSpec((D, PACK * D), full),
        pl.BlockSpec((D, PACK * D), full),
        pl.BlockSpec((1, PACK * D), full),
        pl.BlockSpec((D, D), full),
        pl.BlockSpec((1, D), full),
    ]
    args = [send, recv, sdiag, w1big, rnorm, b1t, w2, b2]
    aliases = {}
    body = _edge_body
    if alias is not None:
        in_specs.append(pl.BlockSpec(memory_space=pl.ANY))
        args.append(alias)
        aliases = {8: 0}

        def body(*refs):
            _edge_body(*refs[:8], refs[-1])

    return pl.pallas_call(
        body,
        grid=(grid,),
        in_specs=in_specs,
        out_specs=pl.BlockSpec((1, GRPE, D), lambda i: (0, i + goff, 0)),
        out_shape=jax.ShapeDtypeStruct((1, E, D), jnp.float32),
        input_output_aliases=aliases,
    )(*args)


def _node_body(st_ref, ps_ref, ti_ref, co_ref,
               ftw1_ref, ftb1_ref, ftw2_ref, ftb2_ref,
               fcw1_ref, fcb1_ref, fcw2_ref, fcb2_ref,
               ws_ref, wp_ref, b01t_ref,
               w02_ref, b02_ref, w12_ref, b12_ref,
               ex0w_ref, ex0b_ref, ex1w_ref, ex1b_ref, g_ref,
               v0_ref, v1_ref):
    f32 = jnp.float32
    th = jnp.dot(ti_ref[...], ftw1_ref[...], preferred_element_type=f32) + ftb1_ref[...]
    th = th * jax.nn.sigmoid(th)
    tenc = jnp.dot(th, ftw2_ref[...], preferred_element_type=f32) + ftb2_ref[...]
    ch = jnp.dot(co_ref[...], fcw1_ref[...], preferred_element_type=f32) + fcb1_ref[...]
    ch = ch * jax.nn.sigmoid(ch)
    cenc = jnp.dot(ch, fcw2_ref[...], preferred_element_type=f32) + fcb2_ref[...]
    tc_sum = tenc + cenc

    st = st_ref[0]
    ps = ps_ref[0]
    h = (jnp.dot(st, ws_ref[...], preferred_element_type=f32)
         + jnp.dot(ps, wp_ref[...], preferred_element_type=f32)
         + b01t_ref[...])
    h = h * jax.nn.sigmoid(h)
    v0 = (jnp.dot(h[:, :D], w02_ref[...], preferred_element_type=f32)
          + b02_ref[...] + tc_sum)
    v1 = (jnp.dot(h[:, D:], w12_ref[...], preferred_element_type=f32)
          + b12_ref[...] + tc_sum)

    g0 = jnp.tanh(g_ref[0, 0])
    g1 = jnp.tanh(g_ref[0, 1])
    e0 = jnp.dot(v1, ex0w_ref[...], preferred_element_type=f32) + ex0b_ref[...]
    e0 = e0 * jax.nn.sigmoid(e0)
    e1 = jnp.dot(v0, ex1w_ref[...], preferred_element_type=f32) + ex1b_ref[...]
    e1 = e1 * jax.nn.sigmoid(e1)
    v0_ref[0] = v0 + g0 * e0
    v1_ref[0] = v1 + g1 * e1


def _node_mlp(st, ps, ti, co, ftw1, ftb1, ftw2, ftb2, fcw1, fcb1, fcw2, fcb2,
              ws, wp, b01t, w02, b02, w12, b12,
              ex0w, ex0b, ex1w, ex1b, g):
    grid = N // BN
    full = lambda i: (0, 0)
    TD, CD = ti.shape[1], co.shape[1]
    out_sds = jax.ShapeDtypeStruct((1, N, D), jnp.float32)
    return pl.pallas_call(
        _node_body,
        grid=(grid,),
        in_specs=[
            pl.BlockSpec((1, BN, 2), lambda i: (0, i, 0)),
            pl.BlockSpec((1, BN, 3), lambda i: (0, i, 0)),
            pl.BlockSpec((1, TD), full),
            pl.BlockSpec((1, CD), full),
            pl.BlockSpec((TD, D), full),
            pl.BlockSpec((1, D), full),
            pl.BlockSpec((D, D), full),
            pl.BlockSpec((1, D), full),
            pl.BlockSpec((CD, D), full),
            pl.BlockSpec((1, D), full),
            pl.BlockSpec((D, D), full),
            pl.BlockSpec((1, D), full),
            pl.BlockSpec((2, 2 * D), full),
            pl.BlockSpec((3, 2 * D), full),
            pl.BlockSpec((1, 2 * D), full),
            pl.BlockSpec((D, D), full),
            pl.BlockSpec((1, D), full),
            pl.BlockSpec((D, D), full),
            pl.BlockSpec((1, D), full),
            pl.BlockSpec((D, D), full),
            pl.BlockSpec((1, D), full),
            pl.BlockSpec((D, D), full),
            pl.BlockSpec((1, D), full),
            pl.BlockSpec((1, 2), full),
        ],
        out_specs=[
            pl.BlockSpec((1, BN, D), lambda i: (0, i, 0)),
            pl.BlockSpec((1, BN, D), lambda i: (0, i, 0)),
        ],
        out_shape=[out_sds, out_sds],
    )(st, ps, ti, co, ftw1, ftb1, ftw2, ftb2, fcw1, fcb1, fcw2, fcb2,
      ws, wp, b01t, w02, b02, w12, b12, ex0w, ex0b, ex1w, ex1b, g)


def kernel(node_pos, state_in, time_i, conditions, edges,
           fv0_w1, fv0_b1, fv0_w2, fv0_b2,
           fv1_w1, fv1_b1, fv1_w2, fv1_b2,
           ft_w1, ft_b1, ft_w2, ft_b2,
           fc_w1, fc_b1, fc_w2, fc_b2,
           fe_w1, fe_b1, fe_w2, fe_b2,
           ex0_w, ex0_b, ex1_w, ex1_b, g0, g1):
    f32 = jnp.float32
    pos = node_pos[0]
    pos_pad = jnp.pad(pos, ((0, 0), (0, PADW - 3)))
    srcs = edges[0, :, 0]
    dsts = edges[0, :, 1]

    w1eff = jnp.concatenate(
        [fe_w1[0:3] - fe_w1[3:6], jnp.zeros((PADW - 3, D), f32)], axis=0)
    eyep = jnp.eye(PACK, dtype=f32)
    sdiag = jnp.kron(eyep, jnp.ones((PADW, PADW), f32))
    w1big = jnp.kron(eyep, w1eff)
    rnorm = jnp.kron(eyep, jnp.broadcast_to(fe_w1[6:7] / PADW,
                                            (PADW, D)))
    b1t = jnp.tile(fe_b1.reshape(1, D), (1, PACK))
    ew = (sdiag, w1big, rnorm, b1t, fe_w2, fe_b2.reshape(1, D))

    ea, eb = EDGE_SPLIT
    send_a, recv_a = _sc_gather(pos_pad, srcs, dsts, 0, ea)
    send_b, recv_b = _sc_gather(pos_pad, srcs, dsts, ea, eb)
    eenc_a = _edge_mlp(send_a, recv_a, *ew, ea, 0)
    eenc = _edge_mlp(send_b, recv_b, *ew, eb, ea // GRPE, alias=eenc_a)

    z1 = jnp.zeros((1, D), f32)
    ws = jnp.concatenate(
        [jnp.concatenate([fv0_w1[0:1], z1], axis=1),
         jnp.concatenate([z1, fv1_w1[0:1]], axis=1)], axis=0)
    wp = jnp.concatenate([fv0_w1[1:4], fv1_w1[1:4]], axis=1)
    b01t = jnp.concatenate(
        [fv0_b1.reshape(1, D), fv1_b1.reshape(1, D)], axis=1)
    g = jnp.stack([g0[0], g1[0]]).reshape(1, 2)
    v0e, v1e = _node_mlp(
        state_in, node_pos, time_i, conditions,
        ft_w1, ft_b1.reshape(1, D), ft_w2, ft_b2.reshape(1, D),
        fc_w1, fc_b1.reshape(1, D), fc_w2, fc_b2.reshape(1, D),
        ws, wp, b01t,
        fv0_w2, fv0_b2.reshape(1, D), fv1_w2, fv1_b2.reshape(1, D),
        ex0_w, ex0_b.reshape(1, D), ex1_w, ex1_b.reshape(1, D), g)

    return (v0e, v1e, eenc)

# --- scband reference (transcript-rebuilt; emitter-appended) ---
"""Pipeline reference for scband-model-39298950758417 (READ-ONLY COPY).

The authoritative reference and input builder live on the scoring server;
editing this copy changes nothing except your own understanding.
"""

import jax, jax.numpy as jnp
import numpy as np


def _mlp(x, w1, b1, w2, b2):
    return jax.nn.silu(x @ w1 + b1) @ w2 + b2


def setup_inputs() -> dict:
    N, E, D, SP, NF, TD, CD, H = 50000, 800000, 128, 3, 2, 11, 12, 128
    ks = list(jax.random.split(jax.random.key(0), 64))

    def nk():
        return ks.pop()

    def lin(i, o):
        w = jax.random.normal(nk(), (i, o), jnp.float32) * (1.0 / np.sqrt(i))
        b = jnp.zeros((o,), jnp.float32)
        return w, b

    inp = {}
    inp["node_pos"] = jax.random.uniform(nk(), (1, N, SP), jnp.float32)
    inp["state_in"] = jax.random.normal(nk(), (1, N, NF), jnp.float32)
    inp["time_i"] = jax.random.normal(nk(), (1, TD), jnp.float32)
    inp["conditions"] = jax.random.normal(nk(), (1, CD), jnp.float32)
    inp["edges"] = jax.random.randint(nk(), (1, E, 2), 0, N, jnp.int32)
    # per-field state MLPs: (1+space) -> H -> D, no layernorm
    for i in range(NF):
        w1, b1 = lin(1 + SP, H)
        w2, b2 = lin(H, D)
        inp[f"fv{i}_w1"], inp[f"fv{i}_b1"] = w1, b1
        inp[f"fv{i}_w2"], inp[f"fv{i}_b2"] = w2, b2
    inp["ft_w1"], inp["ft_b1"] = lin(TD, H)
    inp["ft_w2"], inp["ft_b2"] = lin(H, D)
    inp["fc_w1"], inp["fc_b1"] = lin(CD, H)
    inp["fc_w2"], inp["fc_b2"] = lin(H, D)
    inp["fe_w1"], inp["fe_b1"] = lin(2 * SP + 1, H)
    inp["fe_w2"], inp["fe_b2"] = lin(H, D)
    inp["ex0_w"], inp["ex0_b"] = lin(D, D)
    inp["ex1_w"], inp["ex1_b"] = lin(D, D)
    inp["g0"] = jnp.zeros((1,), jnp.float32)
    inp["g1"] = jnp.zeros((1,), jnp.float32)
    return inp


def reference(node_pos, state_in, time_i, conditions, edges,
              fv0_w1, fv0_b1, fv0_w2, fv0_b2,
              fv1_w1, fv1_b1, fv1_w2, fv1_b2,
              ft_w1, ft_b1, ft_w2, ft_b2,
              fc_w1, fc_b1, fc_w2, fc_b2,
              fe_w1, fe_b1, fe_w2, fe_b2,
              ex0_w, ex0_b, ex1_w, ex1_b, g0, g1):
    time_enc = _mlp(time_i, ft_w1, ft_b1, ft_w2, ft_b2)
    cond_enc = _mlp(conditions, fc_w1, fc_b1, fc_w2, fc_b2)
    V0 = _mlp(jnp.concatenate([state_in[..., 0:1], node_pos], -1), fv0_w1, fv0_b1, fv0_w2, fv0_b2) + time_enc[:, None, :] + cond_enc[:, None, :]
    V1 = _mlp(jnp.concatenate([state_in[..., 1:2], node_pos], -1), fv1_w1, fv1_b1, fv1_w2, fv1_b2) + time_enc[:, None, :] + cond_enc[:, None, :]
    # gated field exchange
    V0e = V0 + jnp.tanh(g0) * jax.nn.silu(V1 @ ex0_w + ex0_b)
    V1e = V1 + jnp.tanh(g1) * jax.nn.silu(V0 @ ex1_w + ex1_b)
    # edge info: gather sender/receiver positions
    sp = node_pos.shape[-1]
    idx_s = jnp.broadcast_to(edges[..., 0:1], edges.shape[:-1] + (sp,))
    idx_r = jnp.broadcast_to(edges[..., 1:2], edges.shape[:-1] + (sp,))
    senders = jnp.take_along_axis(node_pos, idx_s, axis=1)
    receivers = jnp.take_along_axis(node_pos, idx_r, axis=1)
    d = receivers - senders
    norm = jnp.sqrt((d ** 2).sum(-1, keepdims=True))
    Ein = jnp.concatenate([d, -d, norm], -1)
    Eenc = _mlp(Ein, fe_w1, fe_b1, fe_w2, fe_b2)
    return (V0e, V1e, Eenc)

if __name__ == "__main__":
    import jax
    _d = setup_inputs()
    print(jax.jit(kernel)(*tuple(_d.values())))

</pallas_src>

<mosaic_0001>
#map = affine_map<(d0, d1) -> (0, 0)>
#map1 = affine_map<(d0, d1) -> (0)>
module attributes {stable_mosaic.version = 14 : i64} {
  func.func @gather_k(%arg0: i32, %arg1: i32, %arg2: memref<50000x8xf32, #tpu.memory_space<hbm>>, %arg3: memref<800000xi32, #tpu.memory_space<hbm>>, %arg4: memref<800000xi32, #tpu.memory_space<hbm>>, %arg5: memref<26000x128xf32, #tpu.memory_space<hbm>>, %arg6: memref<26000x128xf32, #tpu.memory_space<hbm>>, %arg7: memref<13000xi32, #tpu.memory_space<vmem>>, %arg8: memref<13000xi32, #tpu.memory_space<vmem>>, %arg9: memref<1000x8xf32, #tpu.memory_space<vmem>>, %arg10: memref<1000x8xf32, #tpu.memory_space<vmem>>, %arg11: memref<1000x8xf32, #tpu.memory_space<vmem>>, %arg12: memref<1000x8xf32, #tpu.memory_space<vmem>>, %arg13: memref<!tpu.dma_semaphore, #tpu.memory_space<semaphore_mem>>, %arg14: memref<!tpu.dma_semaphore, #tpu.memory_space<semaphore_mem>>, %arg15: memref<!tpu.dma_semaphore, #tpu.memory_space<semaphore_mem>>, %arg16: memref<!tpu.dma_semaphore, #tpu.memory_space<semaphore_mem>>) attributes {dimension_semantics = [#tpu.dimension_semantics<core_parallel>, #tpu.dimension_semantics<subcore_parallel>], iteration_bounds = array<i64: 2, 16>, scalar_prefetch = 0 : i64, scratch_operands = 10 : i64, tpu.core_type = #tpu.core_type<sc_vector_subcore>, window_params = [{transform_indices = #map}, {transform_indices = #map1}, {transform_indices = #map1}, {transform_indices = #map}, {transform_indices = #map}]} {
    %mul3A = arith.constant 2 : i32
    %mul3A_0 = arith.muli %arg1, %mul3A : i32
    %add3A = arith.addi %mul3A_0, %arg0 : i32
    %mul3A_1 = arith.constant 13000 : i32
    %mul3A_2 = arith.muli %add3A, %mul3A_1 : i32
    %add3A_3 = arith.constant 0 : i32
    %add3A_4 = arith.addi %add3A_3, %mul3A_2 : i32
    "tpu.region"() ({
      %run_scoped3A = tpu.sem_alloc : memref<!tpu.dma_semaphore, #tpu.memory_space<semaphore_mem>>
      %dma_start3A_92 = tpu.memref_slice %arg3[%add3A_4] : memref<800000xi32, #tpu.memory_space<hbm>> -> memref<13000xi32, #tpu.memory_space<hbm>>
      %dma_start3A_93 = tpu.memref_slice %arg3[%add3A_4] : memref<800000xi32, #tpu.memory_space<hbm>> -> memref<13000xi32, #tpu.memory_space<hbm>>
      tpu.enqueue_dma source(%dma_start3A_93 : memref<13000xi32, #tpu.memory_space<hbm>>) target(%arg7 : memref<13000xi32, #tpu.memory_space<vmem>>) target_semaphore(%run_scoped3A : memref<!tpu.dma_semaphore, #tpu.memory_space<semaphore_mem>>)
      %dma_wait3A_94 = tpu.memref_slice %arg3[%add3A_4] : memref<800000xi32, #tpu.memory_space<hbm>> -> memref<13000xi32, #tpu.memory_space<hbm>>
      %dma_wait3A_95 = tpu.memref_slice %arg3[%add3A_4] : memref<800000xi32, #tpu.memory_space<hbm>> -> memref<13000xi32, #tpu.memory_space<hbm>>
      tpu.wait_dma2 semaphore(%run_scoped3A : memref<!tpu.dma_semaphore, #tpu.memory_space<semaphore_mem>>) src(%dma_wait3A_95 : memref<13000xi32, #tpu.memory_space<hbm>>) dst(%arg7 : memref<13000xi32, #tpu.memory_space<vmem>>)
      tpu.yield
    }) : () -> ()
    "tpu.region"() ({
      %run_scoped3A = tpu.sem_alloc : memref<!tpu.dma_semaphore, #tpu.memory_space<semaphore_mem>>
      %dma_start3A_92 = tpu.memref_slice %arg4[%add3A_4] : memref<800000xi32, #tpu.memory_space<hbm>> -> memref<13000xi32, #tpu.memory_space<hbm>>
      %dma_start3A_93 = tpu.memref_slice %arg4[%add3A_4] : memref<800000xi32, #tpu.memory_space<hbm>> -> memref<13000xi32, #tpu.memory_space<hbm>>
      tpu.enqueue_dma source(%dma_start3A_93 : memref<13000xi32, #tpu.memory_space<hbm>>) target(%arg8 : memref<13000xi32, #tpu.memory_space<vmem>>) target_semaphore(%run_scoped3A : memref<!tpu.dma_semaphore, #tpu.memory_space<semaphore_mem>>)
      %dma_wait3A_94 = tpu.memref_slice %arg4[%add3A_4] : memref<800000xi32, #tpu.memory_space<hbm>> -> memref<13000xi32, #tpu.memory_space<hbm>>
      %dma_wait3A_95 = tpu.memref_slice %arg4[%add3A_4] : memref<800000xi32, #tpu.memory_space<hbm>> -> memref<13000xi32, #tpu.memory_space<hbm>>
      tpu.wait_dma2 semaphore(%run_scoped3A : memref<!tpu.dma_semaphore, #tpu.memory_space<semaphore_mem>>) src(%dma_wait3A_95 : memref<13000xi32, #tpu.memory_space<hbm>>) dst(%arg8 : memref<13000xi32, #tpu.memory_space<vmem>>)
      tpu.yield
    }) : () -> ()
    %dma_start3A = arith.constant 0 : i32
    %dma_start3A_5 = tpu.memref_slice %arg7[%dma_start3A] : memref<13000xi32, #tpu.memory_space<vmem>> -> memref<1000xi32, #tpu.memory_space<vmem>>
    %dma_start3A_6 = arith.constant 0 : i32
    %dma_start3A_7 = arith.constant 0 : i32
    %dma_start3A_8 = tpu.memref_slice %arg2[%dma_start3A_6, %dma_start3A_7] : memref<50000x8xf32, #tpu.memory_space<hbm>> -> memref<50000x8xf32, #tpu.memory_space<hbm>>
    tpu.enqueue_indirect_dma source(%dma_start3A_8 : memref<50000x8xf32, #tpu.memory_space<hbm>>) target(%arg9 : memref<1000x8xf32, #tpu.memory_space<vmem>>) offsets(%dma_start3A_5 : memref<1000xi32, #tpu.memory_space<vmem>>) semaphore(%arg13 : memref<!tpu.dma_semaphore, #tpu.memory_space<semaphore_mem>>)
    %dma_start3A_9 = arith.constant 0 : i32
    %dma_start3A_10 = tpu.memref_slice %arg8[%dma_start3A_9] : memref<13000xi32, #tpu.memory_space<vmem>> -> memref<1000xi32, #tpu.memory_space<vmem>>
    %dma_start3A_11 = arith.constant 0 : i32
    %dma_start3A_12 = arith.constant 0 : i32
    %dma_start3A_13 = tpu.memref_slice %arg2[%dma_start3A_11, %dma_start3A_12] : memref<50000x8xf32, #tpu.memory_space<hbm>> -> memref<50000x8xf32, #tpu.memory_space<hbm>>
    tpu.enqueue_indirect_dma source(%dma_start3A_13 : memref<50000x8xf32, #tpu.memory_space<hbm>>) target(%arg10 : memref<1000x8xf32, #tpu.memory_space<vmem>>) offsets(%dma_start3A_10 : memref<1000xi32, #tpu.memory_space<vmem>>) semaphore(%arg14 : memref<!tpu.dma_semaphore, #tpu.memory_space<semaphore_mem>>)
    %scan3A = arith.constant 0 : i32
    %scan3A_14 = arith.constant 0 : i32
    %scan3A_15 = arith.constant 6 : i32
    %scan3A_16 = arith.addi %scan3A_14, %scan3A_15 : i32
    %scan3A_17 = arith.constant 1 : i32
    scf.for %scan3A_92 = %scan3A_14 to %scan3A_16 step %scan3A_17  : i32 {
      %mul3A_93 = arith.constant 2 : i32
      %mul3A_94 = arith.muli %mul3A_93, %scan3A_92 : i32
      %dma_wait3A_95 = arith.constant 0 : i32
      %dma_wait3A_96 = arith.constant 0 : i32
      %dma_wait3A_97 = tpu.memref_slice %arg2[%dma_wait3A_95, %dma_wait3A_96] : memref<50000x8xf32, #tpu.memory_space<hbm>> -> memref<1000x8xf32, #tpu.memory_space<hbm>>
      %dma_wait3A_98 = arith.constant 0 : i32
      %dma_wait3A_99 = arith.constant 0 : i32
      %dma_wait3A_100 = tpu.memref_slice %arg2[%dma_wait3A_98, %dma_wait3A_99] : memref<50000x8xf32, #tpu.memory_space<hbm>> -> memref<1000x8xf32, #tpu.memory_space<hbm>>
      tpu.wait_dma2 semaphore(%arg13 : memref<!tpu.dma_semaphore, #tpu.memory_space<semaphore_mem>>) src(%dma_wait3A_100 : memref<1000x8xf32, #tpu.memory_space<hbm>>) dst(%arg9 : memref<1000x8xf32, #tpu.memory_space<vmem>>)
      %dma_wait3A_101 = arith.constant 0 : i32
      %dma_wait3A_102 = arith.constant 0 : i32
      %dma_wait3A_103 = tpu.memref_slice %arg2[%dma_wait3A_101, %dma_wait3A_102] : memref<50000x8xf32, #tpu.memory_space<hbm>> -> memref<1000x8xf32, #tpu.memory_space<hbm>>
      %dma_wait3A_104 = arith.constant 0 : i32
      %dma_wait3A_105 = arith.constant 0 : i32
      %dma_wait3A_106 = tpu.memref_slice %arg2[%dma_wait3A_104, %dma_wait3A_105] : memref<50000x8xf32, #tpu.memory_space<hbm>> -> memref<1000x8xf32, #tpu.memory_space<hbm>>
      tpu.wait_dma2 semaphore(%arg14 : memref<!tpu.dma_semaphore, #tpu.memory_space<semaphore_mem>>) src(%dma_wait3A_106 : memref<1000x8xf32, #tpu.memory_space<hbm>>) dst(%arg10 : memref<1000x8xf32, #tpu.memory_space<vmem>>)
      %add3A_107 = arith.constant 1 : i32
      %add3A_108 = arith.addi %mul3A_94, %add3A_107 : i32
      %mul3A_109 = arith.constant 1000 : i32
      %mul3A_110 = arith.muli %add3A_108, %mul3A_109 : i32
      %mul3A_111 = arith.constant 1000 : i32
      %mul3A_112 = arith.muli %add3A_108, %mul3A_111 : i32
      %dma_start3A_113 = tpu.memref_slice %arg7[%mul3A_110] : memref<13000xi32, #tpu.memory_space<vmem>> -> memref<1000xi32, #tpu.memory_space<vmem>>
      %dma_start3A_114 = arith.constant 0 : i32
      %dma_start3A_115 = arith.constant 0 : i32
      %dma_start3A_116 = tpu.memref_slice %arg2[%dma_start3A_114, %dma_start3A_115] : memref<50000x8xf32, #tpu.memory_space<hbm>> -> memref<50000x8xf32, #tpu.memory_space<hbm>>
      tpu.enqueue_indirect_dma source(%dma_start3A_116 : memref<50000x8xf32, #tpu.memory_space<hbm>>) target(%arg11 : memref<1000x8xf32, #tpu.memory_space<vmem>>) offsets(%dma_start3A_113 : memref<1000xi32, #tpu.memory_space<vmem>>) semaphore(%arg15 : memref<!tpu.dma_semaphore, #tpu.memory_space<semaphore_mem>>)
      %dma_start3A_117 = tpu.memref_slice %arg8[%mul3A_112] : memref<13000xi32, #tpu.memory_space<vmem>> -> memref<1000xi32, #tpu.memory_space<vmem>>
      %dma_start3A_118 = arith.constant 0 : i32
      %dma_start3A_119 = arith.constant 0 : i32
      %dma_start3A_120 = tpu.memref_slice %arg2[%dma_start3A_118, %dma_start3A_119] : memref<50000x8xf32, #tpu.memory_space<hbm>> -> memref<50000x8xf32, #tpu.memory_space<hbm>>
      tpu.enqueue_indirect_dma source(%dma_start3A_120 : memref<50000x8xf32, #tpu.memory_space<hbm>>) target(%arg12 : memref<1000x8xf32, #tpu.memory_space<vmem>>) offsets(%dma_start3A_117 : memref<1000xi32, #tpu.memory_space<vmem>>) semaphore(%arg16 : memref<!tpu.dma_semaphore, #tpu.memory_space<semaphore_mem>>)
      %mul3A_121 = arith.constant 1000 : i32
      %mul3A_122 = arith.muli %mul3A_94, %mul3A_121 : i32
      %add3A_123 = arith.addi %add3A_4, %mul3A_122 : i32
      %sub3A_124 = arith.constant 0 : i32
      %sub3A_125 = arith.subi %add3A_123, %sub3A_124 : i32
      %jit3A_126 = arith.constant 16000 : i32
      %div3A_127 = arith.divsi %sub3A_125, %jit3A_126 : i32
      %sign3A_128 = arith.constant 0 : i32
      %sign3A_129 = arith.cmpi sgt, %sub3A_125, %sign3A_128 : i32
      %sign3A_130 = arith.extui %sign3A_129 : i1 to i32
      %sign3A_131 = arith.constant 0 : i32
      %sign3A_132 = arith.cmpi slt, %sub3A_125, %sign3A_131 : i32
      %sign3A_133 = arith.extui %sign3A_132 : i1 to i32
      %sign3A_134 = arith.subi %sign3A_130, %sign3A_133 : i32
      %sign3A_135 = arith.constant 0 : i32
      %sign3A_136 = arith.cmpi sgt, %jit3A_126, %sign3A_135 : i32
      %sign3A_137 = arith.extui %sign3A_136 : i1 to i32
      %sign3A_138 = arith.constant 0 : i32
      %sign3A_139 = arith.cmpi slt, %jit3A_126, %sign3A_138 : i32
      %sign3A_140 = arith.extui %sign3A_139 : i1 to i32
      %sign3A_141 = arith.subi %sign3A_137, %sign3A_140 : i32
      %ne3A_142 = arith.cmpi ne, %sign3A_134, %sign3A_141 : i32
      %rem3A_143 = arith.remsi %sub3A_125, %jit3A_126 : i32
      %ne3A_144 = arith.constant 0 : i32
      %ne3A_145 = arith.cmpi ne, %rem3A_143, %ne3A_144 : i32
      %and3A_146 = arith.andi %ne3A_142, %ne3A_145 : i1
      %sub3A_147 = arith.constant 1 : i32
      %sub3A_148 = arith.subi %div3A_127, %sub3A_147 : i32
      %select_n3A_149 = arith.select %and3A_146, %sub3A_148, %div3A_127 : i32
      %jit3A_150 = arith.constant 1000 : i32
      %div3A_151 = arith.divsi %sub3A_125, %jit3A_150 : i32
      %sign3A_152 = arith.constant 0 : i32
      %sign3A_153 = arith.cmpi sgt, %sub3A_125, %sign3A_152 : i32
      %sign3A_154 = arith.extui %sign3A_153 : i1 to i32
      %sign3A_155 = arith.constant 0 : i32
      %sign3A_156 = arith.cmpi slt, %sub3A_125, %sign3A_155 : i32
      %sign3A_157 = arith.extui %sign3A_156 : i1 to i32
      %sign3A_158 = arith.subi %sign3A_154, %sign3A_157 : i32
      %sign3A_159 = arith.constant 0 : i32
      %sign3A_160 = arith.cmpi sgt, %jit3A_150, %sign3A_159 : i32
      %sign3A_161 = arith.extui %sign3A_160 : i1 to i32
      %sign3A_162 = arith.constant 0 : i32
      %sign3A_163 = arith.cmpi slt, %jit3A_150, %sign3A_162 : i32
      %sign3A_164 = arith.extui %sign3A_163 : i1 to i32
      %sign3A_165 = arith.subi %sign3A_161, %sign3A_164 : i32
      %ne3A_166 = arith.cmpi ne, %sign3A_158, %sign3A_165 : i32
      %rem3A_167 = arith.remsi %sub3A_125, %jit3A_150 : i32
      %ne3A_168 = arith.constant 0 : i32
      %ne3A_169 = arith.cmpi ne, %rem3A_167, %ne3A_168 : i32
      %and3A_170 = arith.andi %ne3A_166, %ne3A_169 : i1
      %sub3A_171 = arith.constant 1 : i32
      %sub3A_172 = arith.subi %div3A_151, %sub3A_171 : i32
      %select_n3A_173 = arith.select %and3A_170, %sub3A_172, %div3A_151 : i32
      %jit3A_174 = arith.constant 16 : i32
      %eq3A_175 = arith.constant 0 : i32
      %eq3A_176 = arith.cmpi eq, %jit3A_174, %eq3A_175 : i32
      %jit3A_177 = arith.constant 1 : i32
      %select_n3A_178 = arith.select %eq3A_176, %jit3A_177, %jit3A_174 : i32
      %rem3A_179 = arith.remsi %select_n3A_173, %select_n3A_178 : i32
      %ne3A_180 = arith.constant 0 : i32
      %ne3A_181 = arith.cmpi ne, %rem3A_179, %ne3A_180 : i32
      %lt3A_182 = arith.constant 0 : i32
      %lt3A_183 = arith.cmpi slt, %rem3A_179, %lt3A_182 : i32
      %lt3A_184 = arith.constant 0 : i32
      %lt3A_185 = arith.cmpi slt, %select_n3A_178, %lt3A_184 : i32
      %ne3A_186 = arith.xori %lt3A_183, %lt3A_185 : i1
      %and3A_187 = arith.andi %ne3A_186, %ne3A_181 : i1
      %add3A_188 = arith.addi %rem3A_179, %select_n3A_178 : i32
      %select_n3A_189 = arith.select %and3A_187, %add3A_188, %rem3A_179 : i32
      %mul3A_190 = arith.constant 8 : i32
      %mul3A_191 = arith.muli %mul3A_190, %select_n3A_189 : i32
      %mul3A_192 = arith.constant 1000 : i32
      %mul3A_193 = arith.muli %select_n3A_149, %mul3A_192 : i32
      "tpu.region"() ({
        %run_scoped3A = tpu.sem_alloc : memref<!tpu.dma_semaphore, #tpu.memory_space<semaphore_mem>>
        %dma_start3A_295 = tpu.memref_slice %arg5[%mul3A_193, %mul3A_191] : memref<26000x128xf32, #tpu.memory_space<hbm>> -> memref<1000x8xf32, #tpu.memory_space<hbm>>
        %dma_start3A_296 = tpu.memref_slice %arg5[%mul3A_193, %mul3A_191] : memref<26000x128xf32, #tpu.memory_space<hbm>> -> memref<1000x8xf32, #tpu.memory_space<hbm>>
        tpu.enqueue_dma source(%arg9 : memref<1000x8xf32, #tpu.memory_space<vmem>>) target(%dma_start3A_296 : memref<1000x8xf32, #tpu.memory_space<hbm>>) target_semaphore(%run_scoped3A : memref<!tpu.dma_semaphore, #tpu.memory_space<semaphore_mem>>)
        %dma_wait3A_297 = tpu.memref_slice %arg5[%mul3A_193, %mul3A_191] : memref<26000x128xf32, #tpu.memory_space<hbm>> -> memref<1000x8xf32, #tpu.memory_space<hbm>>
        %dma_wait3A_298 = tpu.memref_slice %arg5[%mul3A_193, %mul3A_191] : memref<26000x128xf32, #tpu.memory_space<hbm>> -> memref<1000x8xf32, #tpu.memory_space<hbm>>
        tpu.wait_dma2 semaphore(%run_scoped3A : memref<!tpu.dma_semaphore, #tpu.memory_space<semaphore_mem>>) src(%arg9 : memref<1000x8xf32, #tpu.memory_space<vmem>>) dst(%dma_wait3A_298 : memref<1000x8xf32, #tpu.memory_space<hbm>>)
        tpu.yield
      }) : () -> ()
      "tpu.region"() ({
        %run_scoped3A = tpu.sem_alloc : memref<!tpu.dma_semaphore, #tpu.memory_space<semaphore_mem>>
        %dma_start3A_295 = tpu.memref_slice %arg6[%mul3A_193, %mul3A_191] : memref<26000x128xf32, #tpu.memory_space<hbm>> -> memref<1000x8xf32, #tpu.memory_space<hbm>>
        %dma_start3A_296 = tpu.memref_slice %arg6[%mul3A_193, %mul3A_191] : memref<26000x128xf32, #tpu.memory_space<hbm>> -> memref<1000x8xf32, #tpu.memory_space<hbm>>
        tpu.enqueue_dma source(%arg10 : memref<1000x8xf32, #tpu.memory_space<vmem>>) target(%dma_start3A_296 : memref<1000x8xf32, #tpu.memory_space<hbm>>) target_semaphore(%run_scoped3A : memref<!tpu.dma_semaphore, #tpu.memory_space<semaphore_mem>>)
        %dma_wait3A_297 = tpu.memref_slice %arg6[%mul3A_193, %mul3A_191] : memref<26000x128xf32, #tpu.memory_space<hbm>> -> memref<1000x8xf32, #tpu.memory_space<hbm>>
        %dma_wait3A_298 = tpu.memref_slice %arg6[%mul3A_193, %mul3A_191] : memref<26000x128xf32, #tpu.memory_space<hbm>> -> memref<1000x8xf32, #tpu.memory_space<hbm>>
        tpu.wait_dma2 semaphore(%run_scoped3A : memref<!tpu.dma_semaphore, #tpu.memory_space<semaphore_mem>>) src(%arg10 : memref<1000x8xf32, #tpu.memory_space<vmem>>) dst(%dma_wait3A_298 : memref<1000x8xf32, #tpu.memory_space<hbm>>)
        tpu.yield
      }) : () -> ()
      %dma_wait3A_194 = arith.constant 0 : i32
      %dma_wait3A_195 = arith.constant 0 : i32
      %dma_wait3A_196 = tpu.memref_slice %arg2[%dma_wait3A_194, %dma_wait3A_195] : memref<50000x8xf32, #tpu.memory_space<hbm>> -> memref<1000x8xf32, #tpu.memory_space<hbm>>
      %dma_wait3A_197 = arith.constant 0 : i32
      %dma_wait3A_198 = arith.constant 0 : i32
      %dma_wait3A_199 = tpu.memref_slice %arg2[%dma_wait3A_197, %dma_wait3A_198] : memref<50000x8xf32, #tpu.memory_space<hbm>> -> memref<1000x8xf32, #tpu.memory_space<hbm>>
      tpu.wait_dma2 semaphore(%arg15 : memref<!tpu.dma_semaphore, #tpu.memory_space<semaphore_mem>>) src(%dma_wait3A_199 : memref<1000x8xf32, #tpu.memory_space<hbm>>) dst(%arg11 : memref<1000x8xf32, #tpu.memory_space<vmem>>)
      %dma_wait3A_200 = arith.constant 0 : i32
      %dma_wait3A_201 = arith.constant 0 : i32
      %dma_wait3A_202 = tpu.memref_slice %arg2[%dma_wait3A_200, %dma_wait3A_201] : memref<50000x8xf32, #tpu.memory_space<hbm>> -> memref<1000x8xf32, #tpu.memory_space<hbm>>
      %dma_wait3A_203 = arith.constant 0 : i32
      %dma_wait3A_204 = arith.constant 0 : i32
      %dma_wait3A_205 = tpu.memref_slice %arg2[%dma_wait3A_203, %dma_wait3A_204] : memref<50000x8xf32, #tpu.memory_space<hbm>> -> memref<1000x8xf32, #tpu.memory_space<hbm>>
      tpu.wait_dma2 semaphore(%arg16 : memref<!tpu.dma_semaphore, #tpu.memory_space<semaphore_mem>>) src(%dma_wait3A_205 : memref<1000x8xf32, #tpu.memory_space<hbm>>) dst(%arg12 : memref<1000x8xf32, #tpu.memory_space<vmem>>)
      %add3A_206 = arith.constant 2 : i32
      %add3A_207 = arith.addi %mul3A_94, %add3A_206 : i32
      %mul3A_208 = arith.constant 1000 : i32
      %mul3A_209 = arith.muli %add3A_207, %mul3A_208 : i32
      %mul3A_210 = arith.constant 1000 : i32
      %mul3A_211 = arith.muli %add3A_207, %mul3A_210 : i32
      %dma_start3A_212 = tpu.memref_slice %arg7[%mul3A_209] : memref<13000xi32, #tpu.memory_space<vmem>> -> memref<1000xi32, #tpu.memory_space<vmem>>
      %dma_start3A_213 = arith.constant 0 : i32
      %dma_start3A_214 = arith.constant 0 : i32
      %dma_start3A_215 = tpu.memref_slice %arg2[%dma_start3A_213, %dma_start3A_214] : memref<50000x8xf32, #tpu.memory_space<hbm>> -> memref<50000x8xf32, #tpu.memory_space<hbm>>
      tpu.enqueue_indirect_dma source(%dma_start3A_215 : memref<50000x8xf32, #tpu.memory_space<hbm>>) target(%arg9 : memref<1000x8xf32, #tpu.memory_space<vmem>>) offsets(%dma_start3A_212 : memref<1000xi32, #tpu.memory_space<vmem>>) semaphore(%arg13 : memref<!tpu.dma_semaphore, #tpu.memory_space<semaphore_mem>>)
      %dma_start3A_216 = tpu.memref_slice %arg8[%mul3A_211] : memref<13000xi32, #tpu.memory_space<vmem>> -> memref<1000xi32, #tpu.memory_space<vmem>>
      %dma_start3A_217 = arith.constant 0 : i32
      %dma_start3A_218 = arith.constant 0 : i32
      %dma_start3A_219 = tpu.memref_slice %arg2[%dma_start3A_217, %dma_start3A_218] : memref<50000x8xf32, #tpu.memory_space<hbm>> -> memref<50000x8xf32, #tpu.memory_space<hbm>>
      tpu.enqueue_indirect_dma source(%dma_start3A_219 : memref<50000x8xf32, #tpu.memory_space<hbm>>) target(%arg10 : memref<1000x8xf32, #tpu.memory_space<vmem>>) offsets(%dma_start3A_216 : memref<1000xi32, #tpu.memory_space<vmem>>) semaphore(%arg14 : memref<!tpu.dma_semaphore, #tpu.memory_space<semaphore_mem>>)
      %add3A_220 = arith.constant 1 : i32
      %add3A_221 = arith.addi %mul3A_94, %add3A_220 : i32
      %mul3A_222 = arith.constant 1000 : i32
      %mul3A_223 = arith.muli %add3A_221, %mul3A_222 : i32
      %add3A_224 = arith.addi %add3A_4, %mul3A_223 : i32
      %sub3A_225 = arith.constant 0 : i32
      %sub3A_226 = arith.subi %add3A_224, %sub3A_225 : i32
      %jit3A_227 = arith.constant 16000 : i32
      %div3A_228 = arith.divsi %sub3A_226, %jit3A_227 : i32
      %sign3A_229 = arith.constant 0 : i32
      %sign3A_230 = arith.cmpi sgt, %sub3A_226, %sign3A_229 : i32
      %sign3A_231 = arith.extui %sign3A_230 : i1 to i32
      %sign3A_232 = arith.constant 0 : i32
      %sign3A_233 = arith.cmpi slt, %sub3A_226, %sign3A_232 : i32
      %sign3A_234 = arith.extui %sign3A_233 : i1 to i32
      %sign3A_235 = arith.subi %sign3A_231, %sign3A_234 : i32
      %sign3A_236 = arith.constant 0 : i32
      %sign3A_237 = arith.cmpi sgt, %jit3A_227, %sign3A_236 : i32
      %sign3A_238 = arith.extui %sign3A_237 : i1 to i32
      %sign3A_239 = arith.constant 0 : i32
      %sign3A_240 = arith.cmpi slt, %jit3A_227, %sign3A_239 : i32
      %sign3A_241 = arith.extui %sign3A_240 : i1 to i32
      %sign3A_242 = arith.subi %sign3A_238, %sign3A_241 : i32
      %ne3A_243 = arith.cmpi ne, %sign3A_235, %sign3A_242 : i32
      %rem3A_244 = arith.remsi %sub3A_226, %jit3A_227 : i32
      %ne3A_245 = arith.constant 0 : i32
      %ne3A_246 = arith.cmpi ne, %rem3A_244, %ne3A_245 : i32
      %and3A_247 = arith.andi %ne3A_243, %ne3A_246 : i1
      %sub3A_248 = arith.constant 1 : i32
      %sub3A_249 = arith.subi %div3A_228, %sub3A_248 : i32
      %select_n3A_250 = arith.select %and3A_247, %sub3A_249, %div3A_228 : i32
      %jit3A_251 = arith.constant 1000 : i32
      %div3A_252 = arith.divsi %sub3A_226, %jit3A_251 : i32
      %sign3A_253 = arith.constant 0 : i32
      %sign3A_254 = arith.cmpi sgt, %sub3A_226, %sign3A_253 : i32
      %sign3A_255 = arith.extui %sign3A_254 : i1 to i32
      %sign3A_256 = arith.constant 0 : i32
      %sign3A_257 = arith.cmpi slt, %sub3A_226, %sign3A_256 : i32
      %sign3A_258 = arith.extui %sign3A_257 : i1 to i32
      %sign3A_259 = arith.subi %sign3A_255, %sign3A_258 : i32
      %sign3A_260 = arith.constant 0 : i32
      %sign3A_261 = arith.cmpi sgt, %jit3A_251, %sign3A_260 : i32
      %sign3A_262 = arith.extui %sign3A_261 : i1 to i32
      %sign3A_263 = arith.constant 0 : i32
      %sign3A_264 = arith.cmpi slt, %jit3A_251, %sign3A_263 : i32
      %sign3A_265 = arith.extui %sign3A_264 : i1 to i32
      %sign3A_266 = arith.subi %sign3A_262, %sign3A_265 : i32
      %ne3A_267 = arith.cmpi ne, %sign3A_259, %sign3A_266 : i32
      %rem3A_268 = arith.remsi %sub3A_226, %jit3A_251 : i32
      %ne3A_269 = arith.constant 0 : i32
      %ne3A_270 = arith.cmpi ne, %rem3A_268, %ne3A_269 : i32
      %and3A_271 = arith.andi %ne3A_267, %ne3A_270 : i1
      %sub3A_272 = arith.constant 1 : i32
      %sub3A_273 = arith.subi %div3A_252, %sub3A_272 : i32
      %select_n3A_274 = arith.select %and3A_271, %sub3A_273, %div3A_252 : i32
      %jit3A_275 = arith.constant 16 : i32
      %eq3A_276 = arith.constant 0 : i32
      %eq3A_277 = arith.cmpi eq, %jit3A_275, %eq3A_276 : i32
      %jit3A_278 = arith.constant 1 : i32
      %select_n3A_279 = arith.select %eq3A_277, %jit3A_278, %jit3A_275 : i32
      %rem3A_280 = arith.remsi %select_n3A_274, %select_n3A_279 : i32
      %ne3A_281 = arith.constant 0 : i32
      %ne3A_282 = arith.cmpi ne, %rem3A_280, %ne3A_281 : i32
      %lt3A_283 = arith.constant 0 : i32
      %lt3A_284 = arith.cmpi slt, %rem3A_280, %lt3A_283 : i32
      %lt3A_285 = arith.constant 0 : i32
      %lt3A_286 = arith.cmpi slt, %select_n3A_279, %lt3A_285 : i32
      %ne3A_287 = arith.xori %lt3A_284, %lt3A_286 : i1
      %and3A_288 = arith.andi %ne3A_287, %ne3A_282 : i1
      %add3A_289 = arith.addi %rem3A_280, %select_n3A_279 : i32
      %select_n3A_290 = arith.select %and3A_288, %add3A_289, %rem3A_280 : i32
      %mul3A_291 = arith.constant 8 : i32
      %mul3A_292 = arith.muli %mul3A_291, %select_n3A_290 : i32
      %mul3A_293 = arith.constant 1000 : i32
      %mul3A_294 = arith.muli %select_n3A_250, %mul3A_293 : i32
      "tpu.region"() ({
        %run_scoped3A = tpu.sem_alloc : memref<!tpu.dma_semaphore, #tpu.memory_space<semaphore_mem>>
        %dma_start3A_295 = tpu.memref_slice %arg5[%mul3A_294, %mul3A_292] : memref<26000x128xf32, #tpu.memory_space<hbm>> -> memref<1000x8xf32, #tpu.memory_space<hbm>>
        %dma_start3A_296 = tpu.memref_slice %arg5[%mul3A_294, %mul3A_292] : memref<26000x128xf32, #tpu.memory_space<hbm>> -> memref<1000x8xf32, #tpu.memory_space<hbm>>
        tpu.enqueue_dma source(%arg11 : memref<1000x8xf32, #tpu.memory_space<vmem>>) target(%dma_start3A_296 : memref<1000x8xf32, #tpu.memory_space<hbm>>) target_semaphore(%run_scoped3A : memref<!tpu.dma_semaphore, #tpu.memory_space<semaphore_mem>>)
        %dma_wait3A_297 = tpu.memref_slice %arg5[%mul3A_294, %mul3A_292] : memref<26000x128xf32, #tpu.memory_space<hbm>> -> memref<1000x8xf32, #tpu.memory_space<hbm>>
        %dma_wait3A_298 = tpu.memref_slice %arg5[%mul3A_294, %mul3A_292] : memref<26000x128xf32, #tpu.memory_space<hbm>> -> memref<1000x8xf32, #tpu.memory_space<hbm>>
        tpu.wait_dma2 semaphore(%run_scoped3A : memref<!tpu.dma_semaphore, #tpu.memory_space<semaphore_mem>>) src(%arg11 : memref<1000x8xf32, #tpu.memory_space<vmem>>) dst(%dma_wait3A_298 : memref<1000x8xf32, #tpu.memory_space<hbm>>)
        tpu.yield
      }) : () -> ()
      "tpu.region"() ({
        %run_scoped3A = tpu.sem_alloc : memref<!tpu.dma_semaphore, #tpu.memory_space<semaphore_mem>>
        %dma_start3A_295 = tpu.memref_slice %arg6[%mul3A_294, %mul3A_292] : memref<26000x128xf32, #tpu.memory_space<hbm>> -> memref<1000x8xf32, #tpu.memory_space<hbm>>
        %dma_start3A_296 = tpu.memref_slice %arg6[%mul3A_294, %mul3A_292] : memref<26000x128xf32, #tpu.memory_space<hbm>> -> memref<1000x8xf32, #tpu.memory_space<hbm>>
        tpu.enqueue_dma source(%arg12 : memref<1000x8xf32, #tpu.memory_space<vmem>>) target(%dma_start3A_296 : memref<1000x8xf32, #tpu.memory_space<hbm>>) target_semaphore(%run_scoped3A : memref<!tpu.dma_semaphore, #tpu.memory_space<semaphore_mem>>)
        %dma_wait3A_297 = tpu.memref_slice %arg6[%mul3A_294, %mul3A_292] : memref<26000x128xf32, #tpu.memory_space<hbm>> -> memref<1000x8xf32, #tpu.memory_space<hbm>>
        %dma_wait3A_298 = tpu.memref_slice %arg6[%mul3A_294, %mul3A_292] : memref<26000x128xf32, #tpu.memory_space<hbm>> -> memref<1000x8xf32, #tpu.memory_space<hbm>>
        tpu.wait_dma2 semaphore(%run_scoped3A : memref<!tpu.dma_semaphore, #tpu.memory_space<semaphore_mem>>) src(%arg12 : memref<1000x8xf32, #tpu.memory_space<vmem>>) dst(%dma_wait3A_298 : memref<1000x8xf32, #tpu.memory_space<hbm>>)
        tpu.yield
      }) : () -> ()
    }
    %scan3A_18 = arith.constant 6 : i32
    %dma_wait3A = arith.constant 0 : i32
    %dma_wait3A_19 = arith.constant 0 : i32
    %dma_wait3A_20 = tpu.memref_slice %arg2[%dma_wait3A, %dma_wait3A_19] : memref<50000x8xf32, #tpu.memory_space<hbm>> -> memref<1000x8xf32, #tpu.memory_space<hbm>>
    %dma_wait3A_21 = arith.constant 0 : i32
    %dma_wait3A_22 = arith.constant 0 : i32
    %dma_wait3A_23 = tpu.memref_slice %arg2[%dma_wait3A_21, %dma_wait3A_22] : memref<50000x8xf32, #tpu.memory_space<hbm>> -> memref<1000x8xf32, #tpu.memory_space<hbm>>
    tpu.wait_dma2 semaphore(%arg13 : memref<!tpu.dma_semaphore, #tpu.memory_space<semaphore_mem>>) src(%dma_wait3A_23 : memref<1000x8xf32, #tpu.memory_space<hbm>>) dst(%arg9 : memref<1000x8xf32, #tpu.memory_space<vmem>>)
    %dma_wait3A_24 = arith.constant 0 : i32
    %dma_wait3A_25 = arith.constant 0 : i32
    %dma_wait3A_26 = tpu.memref_slice %arg2[%dma_wait3A_24, %dma_wait3A_25] : memref<50000x8xf32, #tpu.memory_space<hbm>> -> memref<1000x8xf32, #tpu.memory_space<hbm>>
    %dma_wait3A_27 = arith.constant 0 : i32
    %dma_wait3A_28 = arith.constant 0 : i32
    %dma_wait3A_29 = tpu.memref_slice %arg2[%dma_wait3A_27, %dma_wait3A_28] : memref<50000x8xf32, #tpu.memory_space<hbm>> -> memref<1000x8xf32, #tpu.memory_space<hbm>>
    tpu.wait_dma2 semaphore(%arg14 : memref<!tpu.dma_semaphore, #tpu.memory_space<semaphore_mem>>) src(%dma_wait3A_29 : memref<1000x8xf32, #tpu.memory_space<hbm>>) dst(%arg10 : memref<1000x8xf32, #tpu.memory_space<vmem>>)
    %add3A_30 = arith.constant 12000 : i32
    %add3A_31 = arith.addi %add3A_4, %add3A_30 : i32
    %sub3A = arith.constant 0 : i32
    %sub3A_32 = arith.subi %add3A_31, %sub3A : i32
    %jit3A = arith.constant 16000 : i32
    %div3A = arith.divsi %sub3A_32, %jit3A : i32
    %sign3A = arith.constant 0 : i32
    %sign3A_33 = arith.cmpi sgt, %sub3A_32, %sign3A : i32
    %sign3A_34 = arith.extui %sign3A_33 : i1 to i32
    %sign3A_35 = arith.constant 0 : i32
    %sign3A_36 = arith.cmpi slt, %sub3A_32, %sign3A_35 : i32
    %sign3A_37 = arith.extui %sign3A_36 : i1 to i32
    %sign3A_38 = arith.subi %sign3A_34, %sign3A_37 : i32
    %sign3A_39 = arith.constant 0 : i32
    %sign3A_40 = arith.cmpi sgt, %jit3A, %sign3A_39 : i32
    %sign3A_41 = arith.extui %sign3A_40 : i1 to i32
    %sign3A_42 = arith.constant 0 : i32
    %sign3A_43 = arith.cmpi slt, %jit3A, %sign3A_42 : i32
    %sign3A_44 = arith.extui %sign3A_43 : i1 to i32
    %sign3A_45 = arith.subi %sign3A_41, %sign3A_44 : i32
    %ne3A = arith.cmpi ne, %sign3A_38, %sign3A_45 : i32
    %rem3A = arith.remsi %sub3A_32, %jit3A : i32
    %ne3A_46 = arith.constant 0 : i32
    %ne3A_47 = arith.cmpi ne, %rem3A, %ne3A_46 : i32
    %and3A = arith.andi %ne3A, %ne3A_47 : i1
    %sub3A_48 = arith.constant 1 : i32
    %sub3A_49 = arith.subi %div3A, %sub3A_48 : i32
    %select_n3A = arith.select %and3A, %sub3A_49, %div3A : i32
    %jit3A_50 = arith.constant 1000 : i32
    %div3A_51 = arith.divsi %sub3A_32, %jit3A_50 : i32
    %sign3A_52 = arith.constant 0 : i32
    %sign3A_53 = arith.cmpi sgt, %sub3A_32, %sign3A_52 : i32
    %sign3A_54 = arith.extui %sign3A_53 : i1 to i32
    %sign3A_55 = arith.constant 0 : i32
    %sign3A_56 = arith.cmpi slt, %sub3A_32, %sign3A_55 : i32
    %sign3A_57 = arith.extui %sign3A_56 : i1 to i32
    %sign3A_58 = arith.subi %sign3A_54, %sign3A_57 : i32
    %sign3A_59 = arith.constant 0 : i32
    %sign3A_60 = arith.cmpi sgt, %jit3A_50, %sign3A_59 : i32
    %sign3A_61 = arith.extui %sign3A_60 : i1 to i32
    %sign3A_62 = arith.constant 0 : i32
    %sign3A_63 = arith.cmpi slt, %jit3A_50, %sign3A_62 : i32
    %sign3A_64 = arith.extui %sign3A_63 : i1 to i32
    %sign3A_65 = arith.subi %sign3A_61, %sign3A_64 : i32
    %ne3A_66 = arith.cmpi ne, %sign3A_58, %sign3A_65 : i32
    %rem3A_67 = arith.remsi %sub3A_32, %jit3A_50 : i32
    %ne3A_68 = arith.constant 0 : i32
    %ne3A_69 = arith.cmpi ne, %rem3A_67, %ne3A_68 : i32
    %and3A_70 = arith.andi %ne3A_66, %ne3A_69 : i1
    %sub3A_71 = arith.constant 1 : i32
    %sub3A_72 = arith.subi %div3A_51, %sub3A_71 : i32
    %select_n3A_73 = arith.select %and3A_70, %sub3A_72, %div3A_51 : i32
    %jit3A_74 = arith.constant 16 : i32
    %eq3A = arith.constant 0 : i32
    %eq3A_75 = arith.cmpi eq, %jit3A_74, %eq3A : i32
    %jit3A_76 = arith.constant 1 : i32
    %select_n3A_77 = arith.select %eq3A_75, %jit3A_76, %jit3A_74 : i32
    %rem3A_78 = arith.remsi %select_n3A_73, %select_n3A_77 : i32
    %ne3A_79 = arith.constant 0 : i32
    %ne3A_80 = arith.cmpi ne, %rem3A_78, %ne3A_79 : i32
    %lt3A = arith.constant 0 : i32
    %lt3A_81 = arith.cmpi slt, %rem3A_78, %lt3A : i32
    %lt3A_82 = arith.constant 0 : i32
    %lt3A_83 = arith.cmpi slt, %select_n3A_77, %lt3A_82 : i32
    %ne3A_84 = arith.xori %lt3A_81, %lt3A_83 : i1
    %and3A_85 = arith.andi %ne3A_84, %ne3A_80 : i1
    %add3A_86 = arith.addi %rem3A_78, %select_n3A_77 : i32
    %select_n3A_87 = arith.select %and3A_85, %add3A_86, %rem3A_78 : i32
    %mul3A_88 = arith.constant 8 : i32
    %mul3A_89 = arith.muli %mul3A_88, %select_n3A_87 : i32
    %mul3A_90 = arith.constant 1000 : i32
    %mul3A_91 = arith.muli %select_n3A, %mul3A_90 : i32
    "tpu.region"() ({
      %run_scoped3A = tpu.sem_alloc : memref<!tpu.dma_semaphore, #tpu.memory_space<semaphore_mem>>
      %dma_start3A_92 = tpu.memref_slice %arg5[%mul3A_91, %mul3A_89] : memref<26000x128xf32, #tpu.memory_space<hbm>> -> memref<1000x8xf32, #tpu.memory_space<hbm>>
      %dma_start3A_93 = tpu.memref_slice %arg5[%mul3A_91, %mul3A_89] : memref<26000x128xf32, #tpu.memory_space<hbm>> -> memref<1000x8xf32, #tpu.memory_space<hbm>>
      tpu.enqueue_dma source(%arg9 : memref<1000x8xf32, #tpu.memory_space<vmem>>) target(%dma_start3A_93 : memref<1000x8xf32, #tpu.memory_space<hbm>>) target_semaphore(%run_scoped3A : memref<!tpu.dma_semaphore, #tpu.memory_space<semaphore_mem>>)
      %dma_wait3A_94 = tpu.memref_slice %arg5[%mul3A_91, %mul3A_89] : memref<26000x128xf32, #tpu.memory_space<hbm>> -> memref<1000x8xf32, #tpu.memory_space<hbm>>
      %dma_wait3A_95 = tpu.memref_slice %arg5[%mul3A_91, %mul3A_89] : memref<26000x128xf32, #tpu.memory_space<hbm>> -> memref<1000x8xf32, #tpu.memory_space<hbm>>
      tpu.wait_dma2 semaphore(%run_scoped3A : memref<!tpu.dma_semaphore, #tpu.memory_space<semaphore_mem>>) src(%arg9 : memref<1000x8xf32, #tpu.memory_space<vmem>>) dst(%dma_wait3A_95 : memref<1000x8xf32, #tpu.memory_space<hbm>>)
      tpu.yield
    }) : () -> ()
    "tpu.region"() ({
      %run_scoped3A = tpu.sem_alloc : memref<!tpu.dma_semaphore, #tpu.memory_space<semaphore_mem>>
      %dma_start3A_92 = tpu.memref_slice %arg6[%mul3A_91, %mul3A_89] : memref<26000x128xf32, #tpu.memory_space<hbm>> -> memref<1000x8xf32, #tpu.memory_space<hbm>>
      %dma_start3A_93 = tpu.memref_slice %arg6[%mul3A_91, %mul3A_89] : memref<26000x128xf32, #tpu.memory_space<hbm>> -> memref<1000x8xf32, #tpu.memory_space<hbm>>
      tpu.enqueue_dma source(%arg10 : memref<1000x8xf32, #tpu.memory_space<vmem>>) target(%dma_start3A_93 : memref<1000x8xf32, #tpu.memory_space<hbm>>) target_semaphore(%run_scoped3A : memref<!tpu.dma_semaphore, #tpu.memory_space<semaphore_mem>>)
      %dma_wait3A_94 = tpu.memref_slice %arg6[%mul3A_91, %mul3A_89] : memref<26000x128xf32, #tpu.memory_space<hbm>> -> memref<1000x8xf32, #tpu.memory_space<hbm>>
      %dma_wait3A_95 = tpu.memref_slice %arg6[%mul3A_91, %mul3A_89] : memref<26000x128xf32, #tpu.memory_space<hbm>> -> memref<1000x8xf32, #tpu.memory_space<hbm>>
      tpu.wait_dma2 semaphore(%run_scoped3A : memref<!tpu.dma_semaphore, #tpu.memory_space<semaphore_mem>>) src(%arg10 : memref<1000x8xf32, #tpu.memory_space<vmem>>) dst(%dma_wait3A_95 : memref<1000x8xf32, #tpu.memory_space<hbm>>)
      tpu.yield
    }) : () -> ()
    return
  }
}

#map = affine_map<(d0, d1) -> (0, 0)>
#map1 = affine_map<(d0, d1) -> (0)>
module attributes {stable_mosaic.version = 14 : i64} {
  func.func @gather_k(%arg0: i32, %arg1: i32, %arg2: memref<50000x8xf32, #tpu.memory_space<hbm>>, %arg3: memref<800000xi32, #tpu.memory_space<hbm>>, %arg4: memref<800000xi32, #tpu.memory_space<hbm>>, %arg5: memref<24000x128xf32, #tpu.memory_space<hbm>>, %arg6: memref<24000x128xf32, #tpu.memory_space<hbm>>, %arg7: memref<12000xi32, #tpu.memory_space<vmem>>, %arg8: memref<12000xi32, #tpu.memory_space<vmem>>, %arg9: memref<1000x8xf32, #tpu.memory_space<vmem>>, %arg10: memref<1000x8xf32, #tpu.memory_space<vmem>>, %arg11: memref<1000x8xf32, #tpu.memory_space<vmem>>, %arg12: memref<1000x8xf32, #tpu.memory_space<vmem>>, %arg13: memref<!tpu.dma_semaphore, #tpu.memory_space<semaphore_mem>>, %arg14: memref<!tpu.dma_semaphore, #tpu.memory_space<semaphore_mem>>, %arg15: memref<!tpu.dma_semaphore, #tpu.memory_space<semaphore_mem>>, %arg16: memref<!tpu.dma_semaphore, #tpu.memory_space<semaphore_mem>>) attributes {dimension_semantics = [#tpu.dimension_semantics<core_parallel>, #tpu.dimension_semantics<subcore_parallel>], iteration_bounds = array<i64: 2, 16>, scalar_prefetch = 0 : i64, scratch_operands = 10 : i64, tpu.core_type = #tpu.core_type<sc_vector_subcore>, window_params = [{transform_indices = #map}, {transform_indices = #map1}, {transform_indices = #map1}, {transform_indices = #map}, {transform_indices = #map}]} {
    %mul3A = arith.constant 2 : i32
    %mul3A_0 = arith.muli %arg1, %mul3A : i32
    %add3A = arith.addi %mul3A_0, %arg0 : i32
    %mul3A_1 = arith.constant 12000 : i32
    %mul3A_2 = arith.muli %add3A, %mul3A_1 : i32
    %add3A_3 = arith.constant 416000 : i32
    %add3A_4 = arith.addi %add3A_3, %mul3A_2 : i32
    "tpu.region"() ({
      %run_scoped3A = tpu.sem_alloc : memref<!tpu.dma_semaphore, #tpu.memory_space<semaphore_mem>>
      %dma_start3A_186 = tpu.memref_slice %arg3[%add3A_4] : memref<800000xi32, #tpu.memory_space<hbm>> -> memref<12000xi32, #tpu.memory_space<hbm>>
      %dma_start3A_187 = tpu.memref_slice %arg3[%add3A_4] : memref<800000xi32, #tpu.memory_space<hbm>> -> memref<12000xi32, #tpu.memory_space<hbm>>
      tpu.enqueue_dma source(%dma_start3A_187 : memref<12000xi32, #tpu.memory_space<hbm>>) target(%arg7 : memref<12000xi32, #tpu.memory_space<vmem>>) target_semaphore(%run_scoped3A : memref<!tpu.dma_semaphore, #tpu.memory_space<semaphore_mem>>)
      %dma_wait3A_188 = tpu.memref_slice %arg3[%add3A_4] : memref<800000xi32, #tpu.memory_space<hbm>> -> memref<12000xi32, #tpu.memory_space<hbm>>
      %dma_wait3A_189 = tpu.memref_slice %arg3[%add3A_4] : memref<800000xi32, #tpu.memory_space<hbm>> -> memref<12000xi32, #tpu.memory_space<hbm>>
      tpu.wait_dma2 semaphore(%run_scoped3A : memref<!tpu.dma_semaphore, #tpu.memory_space<semaphore_mem>>) src(%dma_wait3A_189 : memref<12000xi32, #tpu.memory_space<hbm>>) dst(%arg7 : memref<12000xi32, #tpu.memory_space<vmem>>)
      tpu.yield
    }) : () -> ()
    "tpu.region"() ({
      %run_scoped3A = tpu.sem_alloc : memref<!tpu.dma_semaphore, #tpu.memory_space<semaphore_mem>>
      %dma_start3A_186 = tpu.memref_slice %arg4[%add3A_4] : memref<800000xi32, #tpu.memory_space<hbm>> -> memref<12000xi32, #tpu.memory_space<hbm>>
      %dma_start3A_187 = tpu.memref_slice %arg4[%add3A_4] : memref<800000xi32, #tpu.memory_space<hbm>> -> memref<12000xi32, #tpu.memory_space<hbm>>
      tpu.enqueue_dma source(%dma_start3A_187 : memref<12000xi32, #tpu.memory_space<hbm>>) target(%arg8 : memref<12000xi32, #tpu.memory_space<vmem>>) target_semaphore(%run_scoped3A : memref<!tpu.dma_semaphore, #tpu.memory_space<semaphore_mem>>)
      %dma_wait3A_188 = tpu.memref_slice %arg4[%add3A_4] : memref<800000xi32, #tpu.memory_space<hbm>> -> memref<12000xi32, #tpu.memory_space<hbm>>
      %dma_wait3A_189 = tpu.memref_slice %arg4[%add3A_4] : memref<800000xi32, #tpu.memory_space<hbm>> -> memref<12000xi32, #tpu.memory_space<hbm>>
      tpu.wait_dma2 semaphore(%run_scoped3A : memref<!tpu.dma_semaphore, #tpu.memory_space<semaphore_mem>>) src(%dma_wait3A_189 : memref<12000xi32, #tpu.memory_space<hbm>>) dst(%arg8 : memref<12000xi32, #tpu.memory_space<vmem>>)
      tpu.yield
    }) : () -> ()
    %dma_start3A = arith.constant 0 : i32
    %dma_start3A_5 = tpu.memref_slice %arg7[%dma_start3A] : memref<12000xi32, #tpu.memory_space<vmem>> -> memref<1000xi32, #tpu.memory_space<vmem>>
    %dma_start3A_6 = arith.constant 0 : i32
    %dma_start3A_7 = arith.constant 0 : i32
    %dma_start3A_8 = tpu.memref_slice %arg2[%dma_start3A_6, %dma_start3A_7] : memref<50000x8xf32, #tpu.memory_space<hbm>> -> memref<50000x8xf32, #tpu.memory_space<hbm>>
    tpu.enqueue_indirect_dma source(%dma_start3A_8 : memref<50000x8xf32, #tpu.memory_space<hbm>>) target(%arg9 : memref<1000x8xf32, #tpu.memory_space<vmem>>) offsets(%dma_start3A_5 : memref<1000xi32, #tpu.memory_space<vmem>>) semaphore(%arg13 : memref<!tpu.dma_semaphore, #tpu.memory_space<semaphore_mem>>)
    %dma_start3A_9 = arith.constant 0 : i32
    %dma_start3A_10 = tpu.memref_slice %arg8[%dma_start3A_9] : memref<12000xi32, #tpu.memory_space<vmem>> -> memref<1000xi32, #tpu.memory_space<vmem>>
    %dma_start3A_11 = arith.constant 0 : i32
    %dma_start3A_12 = arith.constant 0 : i32
    %dma_start3A_13 = tpu.memref_slice %arg2[%dma_start3A_11, %dma_start3A_12] : memref<50000x8xf32, #tpu.memory_space<hbm>> -> memref<50000x8xf32, #tpu.memory_space<hbm>>
    tpu.enqueue_indirect_dma source(%dma_start3A_13 : memref<50000x8xf32, #tpu.memory_space<hbm>>) target(%arg10 : memref<1000x8xf32, #tpu.memory_space<vmem>>) offsets(%dma_start3A_10 : memref<1000xi32, #tpu.memory_space<vmem>>) semaphore(%arg14 : memref<!tpu.dma_semaphore, #tpu.memory_space<semaphore_mem>>)
    %scan3A = arith.constant 0 : i32
    %scan3A_14 = arith.constant 0 : i32
    %scan3A_15 = arith.constant 5 : i32
    %scan3A_16 = arith.addi %scan3A_14, %scan3A_15 : i32
    %scan3A_17 = arith.constant 1 : i32
    scf.for %scan3A_186 = %scan3A_14 to %scan3A_16 step %scan3A_17  : i32 {
      %mul3A_187 = arith.constant 2 : i32
      %mul3A_188 = arith.muli %mul3A_187, %scan3A_186 : i32
      %dma_wait3A_189 = arith.constant 0 : i32
      %dma_wait3A_190 = arith.constant 0 : i32
      %dma_wait3A_191 = tpu.memref_slice %arg2[%dma_wait3A_189, %dma_wait3A_190] : memref<50000x8xf32, #tpu.memory_space<hbm>> -> memref<1000x8xf32, #tpu.memory_space<hbm>>
      %dma_wait3A_192 = arith.constant 0 : i32
      %dma_wait3A_193 = arith.constant 0 : i32
      %dma_wait3A_194 = tpu.memref_slice %arg2[%dma_wait3A_192, %dma_wait3A_193] : memref<50000x8xf32, #tpu.memory_space<hbm>> -> memref<1000x8xf32, #tpu.memory_space<hbm>>
      tpu.wait_dma2 semaphore(%arg13 : memref<!tpu.dma_semaphore, #tpu.memory_space<semaphore_mem>>) src(%dma_wait3A_194 : memref<1000x8xf32, #tpu.memory_space<hbm>>) dst(%arg9 : memref<1000x8xf32, #tpu.memory_space<vmem>>)
      %dma_wait3A_195 = arith.constant 0 : i32
      %dma_wait3A_196 = arith.constant 0 : i32
      %dma_wait3A_197 = tpu.memref_slice %arg2[%dma_wait3A_195, %dma_wait3A_196] : memref<50000x8xf32, #tpu.memory_space<hbm>> -> memref<1000x8xf32, #tpu.memory_space<hbm>>
      %dma_wait3A_198 = arith.constant 0 : i32
      %dma_wait3A_199 = arith.constant 0 : i32
      %dma_wait3A_200 = tpu.memref_slice %arg2[%dma_wait3A_198, %dma_wait3A_199] : memref<50000x8xf32, #tpu.memory_space<hbm>> -> memref<1000x8xf32, #tpu.memory_space<hbm>>
      tpu.wait_dma2 semaphore(%arg14 : memref<!tpu.dma_semaphore, #tpu.memory_space<semaphore_mem>>) src(%dma_wait3A_200 : memref<1000x8xf32, #tpu.memory_space<hbm>>) dst(%arg10 : memref<1000x8xf32, #tpu.memory_space<vmem>>)
      %add3A_201 = arith.constant 1 : i32
      %add3A_202 = arith.addi %mul3A_188, %add3A_201 : i32
      %mul3A_203 = arith.constant 1000 : i32
      %mul3A_204 = arith.muli %add3A_202, %mul3A_203 : i32
      %mul3A_205 = arith.constant 1000 : i32
      %mul3A_206 = arith.muli %add3A_202, %mul3A_205 : i32
      %dma_start3A_207 = tpu.memref_slice %arg7[%mul3A_204] : memref<12000xi32, #tpu.memory_space<vmem>> -> memref<1000xi32, #tpu.memory_space<vmem>>
      %dma_start3A_208 = arith.constant 0 : i32
      %dma_start3A_209 = arith.constant 0 : i32
      %dma_start3A_210 = tpu.memref_slice %arg2[%dma_start3A_208, %dma_start3A_209] : memref<50000x8xf32, #tpu.memory_space<hbm>> -> memref<50000x8xf32, #tpu.memory_space<hbm>>
      tpu.enqueue_indirect_dma source(%dma_start3A_210 : memref<50000x8xf32, #tpu.memory_space<hbm>>) target(%arg11 : memref<1000x8xf32, #tpu.memory_space<vmem>>) offsets(%dma_start3A_207 : memref<1000xi32, #tpu.memory_space<vmem>>) semaphore(%arg15 : memref<!tpu.dma_semaphore, #tpu.memory_space<semaphore_mem>>)
      %dma_start3A_211 = tpu.memref_slice %arg8[%mul3A_206] : memref<12000xi32, #tpu.memory_space<vmem>> -> memref<1000xi32, #tpu.memory_space<vmem>>
      %dma_start3A_212 = arith.constant 0 : i32
      %dma_start3A_213 = arith.constant 0 : i32
      %dma_start3A_214 = tpu.memref_slice %arg2[%dma_start3A_212, %dma_start3A_213] : memref<50000x8xf32, #tpu.memory_space<hbm>> -> memref<50000x8xf32, #tpu.memory_space<hbm>>
      tpu.enqueue_indirect_dma source(%dma_start3A_214 : memref<50000x8xf32, #tpu.memory_space<hbm>>) target(%arg12 : memref<1000x8xf32, #tpu.memory_space<vmem>>) offsets(%dma_start3A_211 : memref<1000xi32, #tpu.memory_space<vmem>>) semaphore(%arg16 : memref<!tpu.dma_semaphore, #tpu.memory_space<semaphore_mem>>)
      %mul3A_215 = arith.constant 1000 : i32
      %mul3A_216 = arith.muli %mul3A_188, %mul3A_215 : i32
      %add3A_217 = arith.addi %add3A_4, %mul3A_216 : i32
      %sub3A_218 = arith.constant 416000 : i32
      %sub3A_219 = arith.subi %add3A_217, %sub3A_218 : i32
      %jit3A_220 = arith.constant 16000 : i32
      %div3A_221 = arith.divsi %sub3A_219, %jit3A_220 : i32
      %sign3A_222 = arith.constant 0 : i32
      %sign3A_223 = arith.cmpi sgt, %sub3A_219, %sign3A_222 : i32
      %sign3A_224 = arith.extui %sign3A_223 : i1 to i32
      %sign3A_225 = arith.constant 0 : i32
      %sign3A_226 = arith.cmpi slt, %sub3A_219, %sign3A_225 : i32
      %sign3A_227 = arith.extui %sign3A_226 : i1 to i32
      %sign3A_228 = arith.subi %sign3A_224, %sign3A_227 : i32
      %sign3A_229 = arith.constant 0 : i32
      %sign3A_230 = arith.cmpi sgt, %jit3A_220, %sign3A_229 : i32
      %sign3A_231 = arith.extui %sign3A_230 : i1 to i32
      %sign3A_232 = arith.constant 0 : i32
      %sign3A_233 = arith.cmpi slt, %jit3A_220, %sign3A_232 : i32
      %sign3A_234 = arith.extui %sign3A_233 : i1 to i32
      %sign3A_235 = arith.subi %sign3A_231, %sign3A_234 : i32
      %ne3A_236 = arith.cmpi ne, %sign3A_228, %sign3A_235 : i32
      %rem3A_237 = arith.remsi %sub3A_219, %jit3A_220 : i32
      %ne3A_238 = arith.constant 0 : i32
      %ne3A_239 = arith.cmpi ne, %rem3A_237, %ne3A_238 : i32
      %and3A_240 = arith.andi %ne3A_236, %ne3A_239 : i1
      %sub3A_241 = arith.constant 1 : i32
      %sub3A_242 = arith.subi %div3A_221, %sub3A_241 : i32
      %select_n3A_243 = arith.select %and3A_240, %sub3A_242, %div3A_221 : i32
      %jit3A_244 = arith.constant 1000 : i32
      %div3A_245 = arith.divsi %sub3A_219, %jit3A_244 : i32
      %sign3A_246 = arith.constant 0 : i32
      %sign3A_247 = arith.cmpi sgt, %sub3A_219, %sign3A_246 : i32
      %sign3A_248 = arith.extui %sign3A_247 : i1 to i32
      %sign3A_249 = arith.constant 0 : i32
      %sign3A_250 = arith.cmpi slt, %sub3A_219, %sign3A_249 : i32
      %sign3A_251 = arith.extui %sign3A_250 : i1 to i32
      %sign3A_252 = arith.subi %sign3A_248, %sign3A_251 : i32
      %sign3A_253 = arith.constant 0 : i32
      %sign3A_254 = arith.cmpi sgt, %jit3A_244, %sign3A_253 : i32
      %sign3A_255 = arith.extui %sign3A_254 : i1 to i32
      %sign3A_256 = arith.constant 0 : i32
      %sign3A_257 = arith.cmpi slt, %jit3A_244, %sign3A_256 : i32
      %sign3A_258 = arith.extui %sign3A_257 : i1 to i32
      %sign3A_259 = arith.subi %sign3A_255, %sign3A_258 : i32
      %ne3A_260 = arith.cmpi ne, %sign3A_252, %sign3A_259 : i32
      %rem3A_261 = arith.remsi %sub3A_219, %jit3A_244 : i32
      %ne3A_262 = arith.constant 0 : i32
      %ne3A_263 = arith.cmpi ne, %rem3A_261, %ne3A_262 : i32
      %and3A_264 = arith.andi %ne3A_260, %ne3A_263 : i1
      %sub3A_265 = arith.constant 1 : i32
      %sub3A_266 = arith.subi %div3A_245, %sub3A_265 : i32
      %select_n3A_267 = arith.select %and3A_264, %sub3A_266, %div3A_245 : i32
      %jit3A_268 = arith.constant 16 : i32
      %eq3A_269 = arith.constant 0 : i32
      %eq3A_270 = arith.cmpi eq, %jit3A_268, %eq3A_269 : i32
      %jit3A_271 = arith.constant 1 : i32
      %select_n3A_272 = arith.select %eq3A_270, %jit3A_271, %jit3A_268 : i32
      %rem3A_273 = arith.remsi %select_n3A_267, %select_n3A_272 : i32
      %ne3A_274 = arith.constant 0 : i32
      %ne3A_275 = arith.cmpi ne, %rem3A_273, %ne3A_274 : i32
      %lt3A_276 = arith.constant 0 : i32
      %lt3A_277 = arith.cmpi slt, %rem3A_273, %lt3A_276 : i32
      %lt3A_278 = arith.constant 0 : i32
      %lt3A_279 = arith.cmpi slt, %select_n3A_272, %lt3A_278 : i32
      %ne3A_280 = arith.xori %lt3A_277, %lt3A_279 : i1
      %and3A_281 = arith.andi %ne3A_280, %ne3A_275 : i1
      %add3A_282 = arith.addi %rem3A_273, %select_n3A_272 : i32
      %select_n3A_283 = arith.select %and3A_281, %add3A_282, %rem3A_273 : i32
      %mul3A_284 = arith.constant 8 : i32
      %mul3A_285 = arith.muli %mul3A_284, %select_n3A_283 : i32
      %mul3A_286 = arith.constant 1000 : i32
      %mul3A_287 = arith.muli %select_n3A_243, %mul3A_286 : i32
      "tpu.region"() ({
        %run_scoped3A = tpu.sem_alloc : memref<!tpu.dma_semaphore, #tpu.memory_space<semaphore_mem>>
        %dma_start3A_389 = tpu.memref_slice %arg5[%mul3A_287, %mul3A_285] : memref<24000x128xf32, #tpu.memory_space<hbm>> -> memref<1000x8xf32, #tpu.memory_space<hbm>>
        %dma_start3A_390 = tpu.memref_slice %arg5[%mul3A_287, %mul3A_285] : memref<24000x128xf32, #tpu.memory_space<hbm>> -> memref<1000x8xf32, #tpu.memory_space<hbm>>
        tpu.enqueue_dma source(%arg9 : memref<1000x8xf32, #tpu.memory_space<vmem>>) target(%dma_start3A_390 : memref<1000x8xf32, #tpu.memory_space<hbm>>) target_semaphore(%run_scoped3A : memref<!tpu.dma_semaphore, #tpu.memory_space<semaphore_mem>>)
        %dma_wait3A_391 = tpu.memref_slice %arg5[%mul3A_287, %mul3A_285] : memref<24000x128xf32, #tpu.memory_space<hbm>> -> memref<1000x8xf32, #tpu.memory_space<hbm>>
        %dma_wait3A_392 = tpu.memref_slice %arg5[%mul3A_287, %mul3A_285] : memref<24000x128xf32, #tpu.memory_space<hbm>> -> memref<1000x8xf32, #tpu.memory_space<hbm>>
        tpu.wait_dma2 semaphore(%run_scoped3A : memref<!tpu.dma_semaphore, #tpu.memory_space<semaphore_mem>>) src(%arg9 : memref<1000x8xf32, #tpu.memory_space<vmem>>) dst(%dma_wait3A_392 : memref<1000x8xf32, #tpu.memory_space<hbm>>)
        tpu.yield
      }) : () -> ()
      "tpu.region"() ({
        %run_scoped3A = tpu.sem_alloc : memref<!tpu.dma_semaphore, #tpu.memory_space<semaphore_mem>>
        %dma_start3A_389 = tpu.memref_slice %arg6[%mul3A_287, %mul3A_285] : memref<24000x128xf32, #tpu.memory_space<hbm>> -> memref<1000x8xf32, #tpu.memory_space<hbm>>
        %dma_start3A_390 = tpu.memref_slice %arg6[%mul3A_287, %mul3A_285] : memref<24000x128xf32, #tpu.memory_space<hbm>> -> memref<1000x8xf32, #tpu.memory_space<hbm>>
        tpu.enqueue_dma source(%arg10 : memref<1000x8xf32, #tpu.memory_space<vmem>>) target(%dma_start3A_390 : memref<1000x8xf32, #tpu.memory_space<hbm>>) target_semaphore(%run_scoped3A : memref<!tpu.dma_semaphore, #tpu.memory_space<semaphore_mem>>)
        %dma_wait3A_391 = tpu.memref_slice %arg6[%mul3A_287, %mul3A_285] : memref<24000x128xf32, #tpu.memory_space<hbm>> -> memref<1000x8xf32, #tpu.memory_space<hbm>>
        %dma_wait3A_392 = tpu.memref_slice %arg6[%mul3A_287, %mul3A_285] : memref<24000x128xf32, #tpu.memory_space<hbm>> -> memref<1000x8xf32, #tpu.memory_space<hbm>>
        tpu.wait_dma2 semaphore(%run_scoped3A : memref<!tpu.dma_semaphore, #tpu.memory_space<semaphore_mem>>) src(%arg10 : memref<1000x8xf32, #tpu.memory_space<vmem>>) dst(%dma_wait3A_392 : memref<1000x8xf32, #tpu.memory_space<hbm>>)
        tpu.yield
      }) : () -> ()
      %dma_wait3A_288 = arith.constant 0 : i32
      %dma_wait3A_289 = arith.constant 0 : i32
      %dma_wait3A_290 = tpu.memref_slice %arg2[%dma_wait3A_288, %dma_wait3A_289] : memref<50000x8xf32, #tpu.memory_space<hbm>> -> memref<1000x8xf32, #tpu.memory_space<hbm>>
      %dma_wait3A_291 = arith.constant 0 : i32
      %dma_wait3A_292 = arith.constant 0 : i32
      %dma_wait3A_293 = tpu.memref_slice %arg2[%dma_wait3A_291, %dma_wait3A_292] : memref<50000x8xf32, #tpu.memory_space<hbm>> -> memref<1000x8xf32, #tpu.memory_space<hbm>>
      tpu.wait_dma2 semaphore(%arg15 : memref<!tpu.dma_semaphore, #tpu.memory_space<semaphore_mem>>) src(%dma_wait3A_293 : memref<1000x8xf32, #tpu.memory_space<hbm>>) dst(%arg11 : memref<1000x8xf32, #tpu.memory_space<vmem>>)
      %dma_wait3A_294 = arith.constant 0 : i32
      %dma_wait3A_295 = arith.constant 0 : i32
      %dma_wait3A_296 = tpu.memref_slice %arg2[%dma_wait3A_294, %dma_wait3A_295] : memref<50000x8xf32, #tpu.memory_space<hbm>> -> memref<1000x8xf32, #tpu.memory_space<hbm>>
      %dma_wait3A_297 = arith.constant 0 : i32
      %dma_wait3A_298 = arith.constant 0 : i32
      %dma_wait3A_299 = tpu.memref_slice %arg2[%dma_wait3A_297, %dma_wait3A_298] : memref<50000x8xf32, #tpu.memory_space<hbm>> -> memref<1000x8xf32, #tpu.memory_space<hbm>>
      tpu.wait_dma2 semaphore(%arg16 : memref<!tpu.dma_semaphore, #tpu.memory_space<semaphore_mem>>) src(%dma_wait3A_299 : memref<1000x8xf32, #tpu.memory_space<hbm>>) dst(%arg12 : memref<1000x8xf32, #tpu.memory_space<vmem>>)
      %add3A_300 = arith.constant 2 : i32
      %add3A_301 = arith.addi %mul3A_188, %add3A_300 : i32
      %mul3A_302 = arith.constant 1000 : i32
      %mul3A_303 = arith.muli %add3A_301, %mul3A_302 : i32
      %mul3A_304 = arith.constant 1000 : i32
      %mul3A_305 = arith.muli %add3A_301, %mul3A_304 : i32
      %dma_start3A_306 = tpu.memref_slice %arg7[%mul3A_303] : memref<12000xi32, #tpu.memory_space<vmem>> -> memref<1000xi32, #tpu.memory_space<vmem>>
      %dma_start3A_307 = arith.constant 0 : i32
      %dma_start3A_308 = arith.constant 0 : i32
      %dma_start3A_309 = tpu.memref_slice %arg2[%dma_start3A_307, %dma_start3A_308] : memref<50000x8xf32, #tpu.memory_space<hbm>> -> memref<50000x8xf32, #tpu.memory_space<hbm>>
      tpu.enqueue_indirect_dma source(%dma_start3A_309 : memref<50000x8xf32, #tpu.memory_space<hbm>>) target(%arg9 : memref<1000x8xf32, #tpu.memory_space<vmem>>) offsets(%dma_start3A_306 : memref<1000xi32, #tpu.memory_space<vmem>>) semaphore(%arg13 : memref<!tpu.dma_semaphore, #tpu.memory_space<semaphore_mem>>)
      %dma_start3A_310 = tpu.memref_slice %arg8[%mul3A_305] : memref<12000xi32, #tpu.memory_space<vmem>> -> memref<1000xi32, #tpu.memory_space<vmem>>
      %dma_start3A_311 = arith.constant 0 : i32
      %dma_start3A_312 = arith.constant 0 : i32
      %dma_start3A_313 = tpu.memref_slice %arg2[%dma_start3A_311, %dma_start3A_312] : memref<50000x8xf32, #tpu.memory_space<hbm>> -> memref<50000x8xf32, #tpu.memory_space<hbm>>
      tpu.enqueue_indirect_dma source(%dma_start3A_313 : memref<50000x8xf32, #tpu.memory_space<hbm>>) target(%arg10 : memref<1000x8xf32, #tpu.memory_space<vmem>>) offsets(%dma_start3A_310 : memref<1000xi32, #tpu.memory_space<vmem>>) semaphore(%arg14 : memref<!tpu.dma_semaphore, #tpu.memory_space<semaphore_mem>>)
      %add3A_314 = arith.constant 1 : i32
      %add3A_315 = arith.addi %mul3A_188, %add3A_314 : i32
      %mul3A_316 = arith.constant 1000 : i32
      %mul3A_317 = arith.muli %add3A_315, %mul3A_316 : i32
      %add3A_318 = arith.addi %add3A_4, %mul3A_317 : i32
      %sub3A_319 = arith.constant 416000 : i32
      %sub3A_320 = arith.subi %add3A_318, %sub3A_319 : i32
      %jit3A_321 = arith.constant 16000 : i32
      %div3A_322 = arith.divsi %sub3A_320, %jit3A_321 : i32
      %sign3A_323 = arith.constant 0 : i32
      %sign3A_324 = arith.cmpi sgt, %sub3A_320, %sign3A_323 : i32
      %sign3A_325 = arith.extui %sign3A_324 : i1 to i32
      %sign3A_326 = arith.constant 0 : i32
      %sign3A_327 = arith.cmpi slt, %sub3A_320, %sign3A_326 : i32
      %sign3A_328 = arith.extui %sign3A_327 : i1 to i32
      %sign3A_329 = arith.subi %sign3A_325, %sign3A_328 : i32
      %sign3A_330 = arith.constant 0 : i32
      %sign3A_331 = arith.cmpi sgt, %jit3A_321, %sign3A_330 : i32
      %sign3A_332 = arith.extui %sign3A_331 : i1 to i32
      %sign3A_333 = arith.constant 0 : i32
      %sign3A_334 = arith.cmpi slt, %jit3A_321, %sign3A_333 : i32
      %sign3A_335 = arith.extui %sign3A_334 : i1 to i32
      %sign3A_336 = arith.subi %sign3A_332, %sign3A_335 : i32
      %ne3A_337 = arith.cmpi ne, %sign3A_329, %sign3A_336 : i32
      %rem3A_338 = arith.remsi %sub3A_320, %jit3A_321 : i32
      %ne3A_339 = arith.constant 0 : i32
      %ne3A_340 = arith.cmpi ne, %rem3A_338, %ne3A_339 : i32
      %and3A_341 = arith.andi %ne3A_337, %ne3A_340 : i1
      %sub3A_342 = arith.constant 1 : i32
      %sub3A_343 = arith.subi %div3A_322, %sub3A_342 : i32
      %select_n3A_344 = arith.select %and3A_341, %sub3A_343, %div3A_322 : i32
      %jit3A_345 = arith.constant 1000 : i32
      %div3A_346 = arith.divsi %sub3A_320, %jit3A_345 : i32
      %sign3A_347 = arith.constant 0 : i32
      %sign3A_348 = arith.cmpi sgt, %sub3A_320, %sign3A_347 : i32
      %sign3A_349 = arith.extui %sign3A_348 : i1 to i32
      %sign3A_350 = arith.constant 0 : i32
      %sign3A_351 = arith.cmpi slt, %sub3A_320, %sign3A_350 : i32
      %sign3A_352 = arith.extui %sign3A_351 : i1 to i32
      %sign3A_353 = arith.subi %sign3A_349, %sign3A_352 : i32
      %sign3A_354 = arith.constant 0 : i32
      %sign3A_355 = arith.cmpi sgt, %jit3A_345, %sign3A_354 : i32
      %sign3A_356 = arith.extui %sign3A_355 : i1 to i32
      %sign3A_357 = arith.constant 0 : i32
      %sign3A_358 = arith.cmpi slt, %jit3A_345, %sign3A_357 : i32
      %sign3A_359 = arith.extui %sign3A_358 : i1 to i32
      %sign3A_360 = arith.subi %sign3A_356, %sign3A_359 : i32
      %ne3A_361 = arith.cmpi ne, %sign3A_353, %sign3A_360 : i32
      %rem3A_362 = arith.remsi %sub3A_320, %jit3A_345 : i32
      %ne3A_363 = arith.constant 0 : i32
      %ne3A_364 = arith.cmpi ne, %rem3A_362, %ne3A_363 : i32
      %and3A_365 = arith.andi %ne3A_361, %ne3A_364 : i1
      %sub3A_366 = arith.constant 1 : i32
      %sub3A_367 = arith.subi %div3A_346, %sub3A_366 : i32
      %select_n3A_368 = arith.select %and3A_365, %sub3A_367, %div3A_346 : i32
      %jit3A_369 = arith.constant 16 : i32
      %eq3A_370 = arith.constant 0 : i32
      %eq3A_371 = arith.cmpi eq, %jit3A_369, %eq3A_370 : i32
      %jit3A_372 = arith.constant 1 : i32
      %select_n3A_373 = arith.select %eq3A_371, %jit3A_372, %jit3A_369 : i32
      %rem3A_374 = arith.remsi %select_n3A_368, %select_n3A_373 : i32
      %ne3A_375 = arith.constant 0 : i32
      %ne3A_376 = arith.cmpi ne, %rem3A_374, %ne3A_375 : i32
      %lt3A_377 = arith.constant 0 : i32
      %lt3A_378 = arith.cmpi slt, %rem3A_374, %lt3A_377 : i32
      %lt3A_379 = arith.constant 0 : i32
      %lt3A_380 = arith.cmpi slt, %select_n3A_373, %lt3A_379 : i32
      %ne3A_381 = arith.xori %lt3A_378, %lt3A_380 : i1
      %and3A_382 = arith.andi %ne3A_381, %ne3A_376 : i1
      %add3A_383 = arith.addi %rem3A_374, %select_n3A_373 : i32
      %select_n3A_384 = arith.select %and3A_382, %add3A_383, %rem3A_374 : i32
      %mul3A_385 = arith.constant 8 : i32
      %mul3A_386 = arith.muli %mul3A_385, %select_n3A_384 : i32
      %mul3A_387 = arith.constant 1000 : i32
      %mul3A_388 = arith.muli %select_n3A_344, %mul3A_387 : i32
      "tpu.region"() ({
        %run_scoped3A = tpu.sem_alloc : memref<!tpu.dma_semaphore, #tpu.memory_space<semaphore_mem>>
        %dma_start3A_389 = tpu.memref_slice %arg5[%mul3A_388, %mul3A_386] : memref<24000x128xf32, #tpu.memory_space<hbm>> -> memref<1000x8xf32, #tpu.memory_space<hbm>>
        %dma_start3A_390 = tpu.memref_slice %arg5[%mul3A_388, %mul3A_386] : memref<24000x128xf32, #tpu.memory_space<hbm>> -> memref<1000x8xf32, #tpu.memory_space<hbm>>
        tpu.enqueue_dma source(%arg11 : memref<1000x8xf32, #tpu.memory_space<vmem>>) target(%dma_start3A_390 : memref<1000x8xf32, #tpu.memory_space<hbm>>) target_semaphore(%run_scoped3A : memref<!tpu.dma_semaphore, #tpu.memory_space<semaphore_mem>>)
        %dma_wait3A_391 = tpu.memref_slice %arg5[%mul3A_388, %mul3A_386] : memref<24000x128xf32, #tpu.memory_space<hbm>> -> memref<1000x8xf32, #tpu.memory_space<hbm>>
        %dma_wait3A_392 = tpu.memref_slice %arg5[%mul3A_388, %mul3A_386] : memref<24000x128xf32, #tpu.memory_space<hbm>> -> memref<1000x8xf32, #tpu.memory_space<hbm>>
        tpu.wait_dma2 semaphore(%run_scoped3A : memref<!tpu.dma_semaphore, #tpu.memory_space<semaphore_mem>>) src(%arg11 : memref<1000x8xf32, #tpu.memory_space<vmem>>) dst(%dma_wait3A_392 : memref<1000x8xf32, #tpu.memory_space<hbm>>)
        tpu.yield
      }) : () -> ()
      "tpu.region"() ({
        %run_scoped3A = tpu.sem_alloc : memref<!tpu.dma_semaphore, #tpu.memory_space<semaphore_mem>>
        %dma_start3A_389 = tpu.memref_slice %arg6[%mul3A_388, %mul3A_386] : memref<24000x128xf32, #tpu.memory_space<hbm>> -> memref<1000x8xf32, #tpu.memory_space<hbm>>
        %dma_start3A_390 = tpu.memref_slice %arg6[%mul3A_388, %mul3A_386] : memref<24000x128xf32, #tpu.memory_space<hbm>> -> memref<1000x8xf32, #tpu.memory_space<hbm>>
        tpu.enqueue_dma source(%arg12 : memref<1000x8xf32, #tpu.memory_space<vmem>>) target(%dma_start3A_390 : memref<1000x8xf32, #tpu.memory_space<hbm>>) target_semaphore(%run_scoped3A : memref<!tpu.dma_semaphore, #tpu.memory_space<semaphore_mem>>)
        %dma_wait3A_391 = tpu.memref_slice %arg6[%mul3A_388, %mul3A_386] : memref<24000x128xf32, #tpu.memory_space<hbm>> -> memref<1000x8xf32, #tpu.memory_space<hbm>>
        %dma_wait3A_392 = tpu.memref_slice %arg6[%mul3A_388, %mul3A_386] : memref<24000x128xf32, #tpu.memory_space<hbm>> -> memref<1000x8xf32, #tpu.memory_space<hbm>>
        tpu.wait_dma2 semaphore(%run_scoped3A : memref<!tpu.dma_semaphore, #tpu.memory_space<semaphore_mem>>) src(%arg12 : memref<1000x8xf32, #tpu.memory_space<vmem>>) dst(%dma_wait3A_392 : memref<1000x8xf32, #tpu.memory_space<hbm>>)
        tpu.yield
      }) : () -> ()
    }
    %scan3A_18 = arith.constant 5 : i32
    %dma_wait3A = arith.constant 0 : i32
    %dma_wait3A_19 = arith.constant 0 : i32
    %dma_wait3A_20 = tpu.memref_slice %arg2[%dma_wait3A, %dma_wait3A_19] : memref<50000x8xf32, #tpu.memory_space<hbm>> -> memref<1000x8xf32, #tpu.memory_space<hbm>>
    %dma_wait3A_21 = arith.constant 0 : i32
    %dma_wait3A_22 = arith.constant 0 : i32
    %dma_wait3A_23 = tpu.memref_slice %arg2[%dma_wait3A_21, %dma_wait3A_22] : memref<50000x8xf32, #tpu.memory_space<hbm>> -> memref<1000x8xf32, #tpu.memory_space<hbm>>
    tpu.wait_dma2 semaphore(%arg13 : memref<!tpu.dma_semaphore, #tpu.memory_space<semaphore_mem>>) src(%dma_wait3A_23 : memref<1000x8xf32, #tpu.memory_space<hbm>>) dst(%arg9 : memref<1000x8xf32, #tpu.memory_space<vmem>>)
    %dma_wait3A_24 = arith.constant 0 : i32
    %dma_wait3A_25 = arith.constant 0 : i32
    %dma_wait3A_26 = tpu.memref_slice %arg2[%dma_wait3A_24, %dma_wait3A_25] : memref<50000x8xf32, #tpu.memory_space<hbm>> -> memref<1000x8xf32, #tpu.memory_space<hbm>>
    %dma_wait3A_27 = arith.constant 0 : i32
    %dma_wait3A_28 = arith.constant 0 : i32
    %dma_wait3A_29 = tpu.memref_slice %arg2[%dma_wait3A_27, %dma_wait3A_28] : memref<50000x8xf32, #tpu.memory_space<hbm>> -> memref<1000x8xf32, #tpu.memory_space<hbm>>
    tpu.wait_dma2 semaphore(%arg14 : memref<!tpu.dma_semaphore, #tpu.memory_space<semaphore_mem>>) src(%dma_wait3A_29 : memref<1000x8xf32, #tpu.memory_space<hbm>>) dst(%arg10 : memref<1000x8xf32, #tpu.memory_space<vmem>>)
    %dma_start3A_30 = arith.constant 11000 : i32
    %dma_start3A_31 = tpu.memref_slice %arg7[%dma_start3A_30] : memref<12000xi32, #tpu.memory_space<vmem>> -> memref<1000xi32, #tpu.memory_space<vmem>>
    %dma_start3A_32 = arith.constant 0 : i32
    %dma_start3A_33 = arith.constant 0 : i32
    %dma_start3A_34 = tpu.memref_slice %arg2[%dma_start3A_32, %dma_start3A_33] : memref<50000x8xf32, #tpu.memory_space<hbm>> -> memref<50000x8xf32, #tpu.memory_space<hbm>>
    tpu.enqueue_indirect_dma source(%dma_start3A_34 : memref<50000x8xf32, #tpu.memory_space<hbm>>) target(%arg11 : memref<1000x8xf32, #tpu.memory_space<vmem>>) offsets(%dma_start3A_31 : memref<1000xi32, #tpu.memory_space<vmem>>) semaphore(%arg15 : memref<!tpu.dma_semaphore, #tpu.memory_space<semaphore_mem>>)
    %dma_start3A_35 = arith.constant 11000 : i32
    %dma_start3A_36 = tpu.memref_slice %arg8[%dma_start3A_35] : memref<12000xi32, #tpu.memory_space<vmem>> -> memref<1000xi32, #tpu.memory_space<vmem>>
    %dma_start3A_37 = arith.constant 0 : i32
    %dma_start3A_38 = arith.constant 0 : i32
    %dma_start3A_39 = tpu.memref_slice %arg2[%dma_start3A_37, %dma_start3A_38] : memref<50000x8xf32, #tpu.memory_space<hbm>> -> memref<50000x8xf32, #tpu.memory_space<hbm>>
    tpu.enqueue_indirect_dma source(%dma_start3A_39 : memref<50000x8xf32, #tpu.memory_space<hbm>>) target(%arg12 : memref<1000x8xf32, #tpu.memory_space<vmem>>) offsets(%dma_start3A_36 : memref<1000xi32, #tpu.memory_space<vmem>>) semaphore(%arg16 : memref<!tpu.dma_semaphore, #tpu.memory_space<semaphore_mem>>)
    %add3A_40 = arith.constant 10000 : i32
    %add3A_41 = arith.addi %add3A_4, %add3A_40 : i32
    %sub3A = arith.constant 416000 : i32
    %sub3A_42 = arith.subi %add3A_41, %sub3A : i32
    %jit3A = arith.constant 16000 : i32
    %div3A = arith.divsi %sub3A_42, %jit3A : i32
    %sign3A = arith.constant 0 : i32
    %sign3A_43 = arith.cmpi sgt, %sub3A_42, %sign3A : i32
    %sign3A_44 = arith.extui %sign3A_43 : i1 to i32
    %sign3A_45 = arith.constant 0 : i32
    %sign3A_46 = arith.cmpi slt, %sub3A_42, %sign3A_45 : i32
    %sign3A_47 = arith.extui %sign3A_46 : i1 to i32
    %sign3A_48 = arith.subi %sign3A_44, %sign3A_47 : i32
    %sign3A_49 = arith.constant 0 : i32
    %sign3A_50 = arith.cmpi sgt, %jit3A, %sign3A_49 : i32
    %sign3A_51 = arith.extui %sign3A_50 : i1 to i32
    %sign3A_52 = arith.constant 0 : i32
    %sign3A_53 = arith.cmpi slt, %jit3A, %sign3A_52 : i32
    %sign3A_54 = arith.extui %sign3A_53 : i1 to i32
    %sign3A_55 = arith.subi %sign3A_51, %sign3A_54 : i32
    %ne3A = arith.cmpi ne, %sign3A_48, %sign3A_55 : i32
    %rem3A = arith.remsi %sub3A_42, %jit3A : i32
    %ne3A_56 = arith.constant 0 : i32
    %ne3A_57 = arith.cmpi ne, %rem3A, %ne3A_56 : i32
    %and3A = arith.andi %ne3A, %ne3A_57 : i1
    %sub3A_58 = arith.constant 1 : i32
    %sub3A_59 = arith.subi %div3A, %sub3A_58 : i32
    %select_n3A = arith.select %and3A, %sub3A_59, %div3A : i32
    %jit3A_60 = arith.constant 1000 : i32
    %div3A_61 = arith.divsi %sub3A_42, %jit3A_60 : i32
    %sign3A_62 = arith.constant 0 : i32
    %sign3A_63 = arith.cmpi sgt, %sub3A_42, %sign3A_62 : i32
    %sign3A_64 = arith.extui %sign3A_63 : i1 to i32
    %sign3A_65 = arith.constant 0 : i32
    %sign3A_66 = arith.cmpi slt, %sub3A_42, %sign3A_65 : i32
    %sign3A_67 = arith.extui %sign3A_66 : i1 to i32
    %sign3A_68 = arith.subi %sign3A_64, %sign3A_67 : i32
    %sign3A_69 = arith.constant 0 : i32
    %sign3A_70 = arith.cmpi sgt, %jit3A_60, %sign3A_69 : i32
    %sign3A_71 = arith.extui %sign3A_70 : i1 to i32
    %sign3A_72 = arith.constant 0 : i32
    %sign3A_73 = arith.cmpi slt, %jit3A_60, %sign3A_72 : i32
    %sign3A_74 = arith.extui %sign3A_73 : i1 to i32
    %sign3A_75 = arith.subi %sign3A_71, %sign3A_74 : i32
    %ne3A_76 = arith.cmpi ne, %sign3A_68, %sign3A_75 : i32
    %rem3A_77 = arith.remsi %sub3A_42, %jit3A_60 : i32
    %ne3A_78 = arith.constant 0 : i32
    %ne3A_79 = arith.cmpi ne, %rem3A_77, %ne3A_78 : i32
    %and3A_80 = arith.andi %ne3A_76, %ne3A_79 : i1
    %sub3A_81 = arith.constant 1 : i32
    %sub3A_82 = arith.subi %div3A_61, %sub3A_81 : i32
    %select_n3A_83 = arith.select %and3A_80, %sub3A_82, %div3A_61 : i32
    %jit3A_84 = arith.constant 16 : i32
    %eq3A = arith.constant 0 : i32
    %eq3A_85 = arith.cmpi eq, %jit3A_84, %eq3A : i32
    %jit3A_86 = arith.constant 1 : i32
    %select_n3A_87 = arith.select %eq3A_85, %jit3A_86, %jit3A_84 : i32
    %rem3A_88 = arith.remsi %select_n3A_83, %select_n3A_87 : i32
    %ne3A_89 = arith.constant 0 : i32
    %ne3A_90 = arith.cmpi ne, %rem3A_88, %ne3A_89 : i32
    %lt3A = arith.constant 0 : i32
    %lt3A_91 = arith.cmpi slt, %rem3A_88, %lt3A : i32
    %lt3A_92 = arith.constant 0 : i32
    %lt3A_93 = arith.cmpi slt, %select_n3A_87, %lt3A_92 : i32
    %ne3A_94 = arith.xori %lt3A_91, %lt3A_93 : i1
    %and3A_95 = arith.andi %ne3A_94, %ne3A_90 : i1
    %add3A_96 = arith.addi %rem3A_88, %select_n3A_87 : i32
    %select_n3A_97 = arith.select %and3A_95, %add3A_96, %rem3A_88 : i32
    %mul3A_98 = arith.constant 8 : i32
    %mul3A_99 = arith.muli %mul3A_98, %select_n3A_97 : i32
    %mul3A_100 = arith.constant 1000 : i32
    %mul3A_101 = arith.muli %select_n3A, %mul3A_100 : i32
    "tpu.region"() ({
      %run_scoped3A = tpu.sem_alloc : memref<!tpu.dma_semaphore, #tpu.memory_space<semaphore_mem>>
      %dma_start3A_186 = tpu.memref_slice %arg5[%mul3A_101, %mul3A_99] : memref<24000x128xf32, #tpu.memory_space<hbm>> -> memref<1000x8xf32, #tpu.memory_space<hbm>>
      %dma_start3A_187 = tpu.memref_slice %arg5[%mul3A_101, %mul3A_99] : memref<24000x128xf32, #tpu.memory_space<hbm>> -> memref<1000x8xf32, #tpu.memory_space<hbm>>
      tpu.enqueue_dma source(%arg9 : memref<1000x8xf32, #tpu.memory_space<vmem>>) target(%dma_start3A_187 : memref<1000x8xf32, #tpu.memory_space<hbm>>) target_semaphore(%run_scoped3A : memref<!tpu.dma_semaphore, #tpu.memory_space<semaphore_mem>>)
      %dma_wait3A_188 = tpu.memref_slice %arg5[%mul3A_101, %mul3A_99] : memref<24000x128xf32, #tpu.memory_space<hbm>> -> memref<1000x8xf32, #tpu.memory_space<hbm>>
      %dma_wait3A_189 = tpu.memref_slice %arg5[%mul3A_101, %mul3A_99] : memref<24000x128xf32, #tpu.memory_space<hbm>> -> memref<1000x8xf32, #tpu.memory_space<hbm>>
      tpu.wait_dma2 semaphore(%run_scoped3A : memref<!tpu.dma_semaphore, #tpu.memory_space<semaphore_mem>>) src(%arg9 : memref<1000x8xf32, #tpu.memory_space<vmem>>) dst(%dma_wait3A_189 : memref<1000x8xf32, #tpu.memory_space<hbm>>)
      tpu.yield
    }) : () -> ()
    "tpu.region"() ({
      %run_scoped3A = tpu.sem_alloc : memref<!tpu.dma_semaphore, #tpu.memory_space<semaphore_mem>>
      %dma_start3A_186 = tpu.memref_slice %arg6[%mul3A_101, %mul3A_99] : memref<24000x128xf32, #tpu.memory_space<hbm>> -> memref<1000x8xf32, #tpu.memory_space<hbm>>
      %dma_start3A_187 = tpu.memref_slice %arg6[%mul3A_101, %mul3A_99] : memref<24000x128xf32, #tpu.memory_space<hbm>> -> memref<1000x8xf32, #tpu.memory_space<hbm>>
      tpu.enqueue_dma source(%arg10 : memref<1000x8xf32, #tpu.memory_space<vmem>>) target(%dma_start3A_187 : memref<1000x8xf32, #tpu.memory_space<hbm>>) target_semaphore(%run_scoped3A : memref<!tpu.dma_semaphore, #tpu.memory_space<semaphore_mem>>)
      %dma_wait3A_188 = tpu.memref_slice %arg6[%mul3A_101, %mul3A_99] : memref<24000x128xf32, #tpu.memory_space<hbm>> -> memref<1000x8xf32, #tpu.memory_space<hbm>>
      %dma_wait3A_189 = tpu.memref_slice %arg6[%mul3A_101, %mul3A_99] : memref<24000x128xf32, #tpu.memory_space<hbm>> -> memref<1000x8xf32, #tpu.memory_space<hbm>>
      tpu.wait_dma2 semaphore(%run_scoped3A : memref<!tpu.dma_semaphore, #tpu.memory_space<semaphore_mem>>) src(%arg10 : memref<1000x8xf32, #tpu.memory_space<vmem>>) dst(%dma_wait3A_189 : memref<1000x8xf32, #tpu.memory_space<hbm>>)
      tpu.yield
    }) : () -> ()
    %dma_wait3A_102 = arith.constant 0 : i32
    %dma_wait3A_103 = arith.constant 0 : i32
    %dma_wait3A_104 = tpu.memref_slice %arg2[%dma_wait3A_102, %dma_wait3A_103] : memref<50000x8xf32, #tpu.memory_space<hbm>> -> memref<1000x8xf32, #tpu.memory_space<hbm>>
    %dma_wait3A_105 = arith.constant 0 : i32
    %dma_wait3A_106 = arith.constant 0 : i32
    %dma_wait3A_107 = tpu.memref_slice %arg2[%dma_wait3A_105, %dma_wait3A_106] : memref<50000x8xf32, #tpu.memory_space<hbm>> -> memref<1000x8xf32, #tpu.memory_space<hbm>>
    tpu.wait_dma2 semaphore(%arg15 : memref<!tpu.dma_semaphore, #tpu.memory_space<semaphore_mem>>) src(%dma_wait3A_107 : memref<1000x8xf32, #tpu.memory_space<hbm>>) dst(%arg11 : memref<1000x8xf32, #tpu.memory_space<vmem>>)
    %dma_wait3A_108 = arith.constant 0 : i32
    %dma_wait3A_109 = arith.constant 0 : i32
    %dma_wait3A_110 = tpu.memref_slice %arg2[%dma_wait3A_108, %dma_wait3A_109] : memref<50000x8xf32, #tpu.memory_space<hbm>> -> memref<1000x8xf32, #tpu.memory_space<hbm>>
    %dma_wait3A_111 = arith.constant 0 : i32
    %dma_wait3A_112 = arith.constant 0 : i32
    %dma_wait3A_113 = tpu.memref_slice %arg2[%dma_wait3A_111, %dma_wait3A_112] : memref<50000x8xf32, #tpu.memory_space<hbm>> -> memref<1000x8xf32, #tpu.memory_space<hbm>>
    tpu.wait_dma2 semaphore(%arg16 : memref<!tpu.dma_semaphore, #tpu.memory_space<semaphore_mem>>) src(%dma_wait3A_113 : memref<1000x8xf32, #tpu.memory_space<hbm>>) dst(%arg12 : memref<1000x8xf32, #tpu.memory_space<vmem>>)
    %add3A_114 = arith.constant 11000 : i32
    %add3A_115 = arith.addi %add3A_4, %add3A_114 : i32
    %sub3A_116 = arith.constant 416000 : i32
    %sub3A_117 = arith.subi %add3A_115, %sub3A_116 : i32
    %jit3A_118 = arith.constant 16000 : i32
    %div3A_119 = arith.divsi %sub3A_117, %jit3A_118 : i32
    %sign3A_120 = arith.constant 0 : i32
    %sign3A_121 = arith.cmpi sgt, %sub3A_117, %sign3A_120 : i32
    %sign3A_122 = arith.extui %sign3A_121 : i1 to i32
    %sign3A_123 = arith.constant 0 : i32
    %sign3A_124 = arith.cmpi slt, %sub3A_117, %sign3A_123 : i32
    %sign3A_125 = arith.extui %sign3A_124 : i1 to i32
    %sign3A_126 = arith.subi %sign3A_122, %sign3A_125 : i32
    %sign3A_127 = arith.constant 0 : i32
    %sign3A_128 = arith.cmpi sgt, %jit3A_118, %sign3A_127 : i32
    %sign3A_129 = arith.extui %sign3A_128 : i1 to i32
    %sign3A_130 = arith.constant 0 : i32
    %sign3A_131 = arith.cmpi slt, %jit3A_118, %sign3A_130 : i32
    %sign3A_132 = arith.extui %sign3A_131 : i1 to i32
    %sign3A_133 = arith.subi %sign3A_129, %sign3A_132 : i32
    %ne3A_134 = arith.cmpi ne, %sign3A_126, %sign3A_133 : i32
    %rem3A_135 = arith.remsi %sub3A_117, %jit3A_118 : i32
    %ne3A_136 = arith.constant 0 : i32
    %ne3A_137 = arith.cmpi ne, %rem3A_135, %ne3A_136 : i32
    %and3A_138 = arith.andi %ne3A_134, %ne3A_137 : i1
    %sub3A_139 = arith.constant 1 : i32
    %sub3A_140 = arith.subi %div3A_119, %sub3A_139 : i32
    %select_n3A_141 = arith.select %and3A_138, %sub3A_140, %div3A_119 : i32
    %jit3A_142 = arith.constant 1000 : i32
    %div3A_143 = arith.divsi %sub3A_117, %jit3A_142 : i32
    %sign3A_144 = arith.constant 0 : i32
    %sign3A_145 = arith.cmpi sgt, %sub3A_117, %sign3A_144 : i32
    %sign3A_146 = arith.extui %sign3A_145 : i1 to i32
    %sign3A_147 = arith.constant 0 : i32
    %sign3A_148 = arith.cmpi slt, %sub3A_117, %sign3A_147 : i32
    %sign3A_149 = arith.extui %sign3A_148 : i1 to i32
    %sign3A_150 = arith.subi %sign3A_146, %sign3A_149 : i32
    %sign3A_151 = arith.constant 0 : i32
    %sign3A_152 = arith.cmpi sgt, %jit3A_142, %sign3A_151 : i32
    %sign3A_153 = arith.extui %sign3A_152 : i1 to i32
    %sign3A_154 = arith.constant 0 : i32
    %sign3A_155 = arith.cmpi slt, %jit3A_142, %sign3A_154 : i32
    %sign3A_156 = arith.extui %sign3A_155 : i1 to i32
    %sign3A_157 = arith.subi %sign3A_153, %sign3A_156 : i32
    %ne3A_158 = arith.cmpi ne, %sign3A_150, %sign3A_157 : i32
    %rem3A_159 = arith.remsi %sub3A_117, %jit3A_142 : i32
    %ne3A_160 = arith.constant 0 : i32
    %ne3A_161 = arith.cmpi ne, %rem3A_159, %ne3A_160 : i32
    %and3A_162 = arith.andi %ne3A_158, %ne3A_161 : i1
    %sub3A_163 = arith.constant 1 : i32
    %sub3A_164 = arith.subi %div3A_143, %sub3A_163 : i32
    %select_n3A_165 = arith.select %and3A_162, %sub3A_164, %div3A_143 : i32
    %jit3A_166 = arith.constant 16 : i32
    %eq3A_167 = arith.constant 0 : i32
    %eq3A_168 = arith.cmpi eq, %jit3A_166, %eq3A_167 : i32
    %jit3A_169 = arith.constant 1 : i32
    %select_n3A_170 = arith.select %eq3A_168, %jit3A_169, %jit3A_166 : i32
    %rem3A_171 = arith.remsi %select_n3A_165, %select_n3A_170 : i32
    %ne3A_172 = arith.constant 0 : i32
    %ne3A_173 = arith.cmpi ne, %rem3A_171, %ne3A_172 : i32
    %lt3A_174 = arith.constant 0 : i32
    %lt3A_175 = arith.cmpi slt, %rem3A_171, %lt3A_174 : i32
    %lt3A_176 = arith.constant 0 : i32
    %lt3A_177 = arith.cmpi slt, %select_n3A_170, %lt3A_176 : i32
    %ne3A_178 = arith.xori %lt3A_175, %lt3A_177 : i1
    %and3A_179 = arith.andi %ne3A_178, %ne3A_173 : i1
    %add3A_180 = arith.addi %rem3A_171, %select_n3A_170 : i32
    %select_n3A_181 = arith.select %and3A_179, %add3A_180, %rem3A_171 : i32
    %mul3A_182 = arith.constant 8 : i32
    %mul3A_183 = arith.muli %mul3A_182, %select_n3A_181 : i32
    %mul3A_184 = arith.constant 1000 : i32
    %mul3A_185 = arith.muli %select_n3A_141, %mul3A_184 : i32
    "tpu.region"() ({
      %run_scoped3A = tpu.sem_alloc : memref<!tpu.dma_semaphore, #tpu.memory_space<semaphore_mem>>
      %dma_start3A_186 = tpu.memref_slice %arg5[%mul3A_185, %mul3A_183] : memref<24000x128xf32, #tpu.memory_space<hbm>> -> memref<1000x8xf32, #tpu.memory_space<hbm>>
      %dma_start3A_187 = tpu.memref_slice %arg5[%mul3A_185, %mul3A_183] : memref<24000x128xf32, #tpu.memory_space<hbm>> -> memref<1000x8xf32, #tpu.memory_space<hbm>>
      tpu.enqueue_dma source(%arg11 : memref<1000x8xf32, #tpu.memory_space<vmem>>) target(%dma_start3A_187 : memref<1000x8xf32, #tpu.memory_space<hbm>>) target_semaphore(%run_scoped3A : memref<!tpu.dma_semaphore, #tpu.memory_space<semaphore_mem>>)
      %dma_wait3A_188 = tpu.memref_slice %arg5[%mul3A_185, %mul3A_183] : memref<24000x128xf32, #tpu.memory_space<hbm>> -> memref<1000x8xf32, #tpu.memory_space<hbm>>
      %dma_wait3A_189 = tpu.memref_slice %arg5[%mul3A_185, %mul3A_183] : memref<24000x128xf32, #tpu.memory_space<hbm>> -> memref<1000x8xf32, #tpu.memory_space<hbm>>
      tpu.wait_dma2 semaphore(%run_scoped3A : memref<!tpu.dma_semaphore, #tpu.memory_space<semaphore_mem>>) src(%arg11 : memref<1000x8xf32, #tpu.memory_space<vmem>>) dst(%dma_wait3A_189 : memref<1000x8xf32, #tpu.memory_space<hbm>>)
      tpu.yield
    }) : () -> ()
    "tpu.region"() ({
      %run_scoped3A = tpu.sem_alloc : memref<!tpu.dma_semaphore, #tpu.memory_space<semaphore_mem>>
      %dma_start3A_186 = tpu.memref_slice %arg6[%mul3A_185, %mul3A_183] : memref<24000x128xf32, #tpu.memory_space<hbm>> -> memref<1000x8xf32, #tpu.memory_space<hbm>>
      %dma_start3A_187 = tpu.memref_slice %arg6[%mul3A_185, %mul3A_183] : memref<24000x128xf32, #tpu.memory_space<hbm>> -> memref<1000x8xf32, #tpu.memory_space<hbm>>
      tpu.enqueue_dma source(%arg12 : memref<1000x8xf32, #tpu.memory_space<vmem>>) target(%dma_start3A_187 : memref<1000x8xf32, #tpu.memory_space<hbm>>) target_semaphore(%run_scoped3A : memref<!tpu.dma_semaphore, #tpu.memory_space<semaphore_mem>>)
      %dma_wait3A_188 = tpu.memref_slice %arg6[%mul3A_185, %mul3A_183] : memref<24000x128xf32, #tpu.memory_space<hbm>> -> memref<1000x8xf32, #tpu.memory_space<hbm>>
      %dma_wait3A_189 = tpu.memref_slice %arg6[%mul3A_185, %mul3A_183] : memref<24000x128xf32, #tpu.memory_space<hbm>> -> memref<1000x8xf32, #tpu.memory_space<hbm>>
      tpu.wait_dma2 semaphore(%run_scoped3A : memref<!tpu.dma_semaphore, #tpu.memory_space<semaphore_mem>>) src(%arg12 : memref<1000x8xf32, #tpu.memory_space<vmem>>) dst(%dma_wait3A_189 : memref<1000x8xf32, #tpu.memory_space<hbm>>)
      tpu.yield
    }) : () -> ()
    return
  }
}

module attributes {stable_mosaic.version = 14 : i64} {
  func.func @_node_body(%arg0: i32, %arg1: memref<1x2000x2xf32, #tpu.memory_space<vmem>>, %arg2: memref<1x2000x3xf32, #tpu.memory_space<vmem>>, %arg3: memref<1x11xf32, #tpu.memory_space<vmem>>, %arg4: memref<1x12xf32, #tpu.memory_space<vmem>>, %arg5: memref<11x128xf32, #tpu.memory_space<vmem>>, %arg6: memref<1x128xf32, #tpu.memory_space<vmem>>, %arg7: memref<128x128xf32, #tpu.memory_space<vmem>>, %arg8: memref<1x128xf32, #tpu.memory_space<vmem>>, %arg9: memref<12x128xf32, #tpu.memory_space<vmem>>, %arg10: memref<1x128xf32, #tpu.memory_space<vmem>>, %arg11: memref<128x128xf32, #tpu.memory_space<vmem>>, %arg12: memref<1x128xf32, #tpu.memory_space<vmem>>, %arg13: memref<2x256xf32, #tpu.memory_space<vmem>>, %arg14: memref<3x256xf32, #tpu.memory_space<vmem>>, %arg15: memref<1x256xf32, #tpu.memory_space<vmem>>, %arg16: memref<128x128xf32, #tpu.memory_space<vmem>>, %arg17: memref<1x128xf32, #tpu.memory_space<vmem>>, %arg18: memref<128x128xf32, #tpu.memory_space<vmem>>, %arg19: memref<1x128xf32, #tpu.memory_space<vmem>>, %arg20: memref<128x128xf32, #tpu.memory_space<vmem>>, %arg21: memref<1x128xf32, #tpu.memory_space<vmem>>, %arg22: memref<128x128xf32, #tpu.memory_space<vmem>>, %arg23: memref<1x128xf32, #tpu.memory_space<vmem>>, %arg24: memref<1x2xf32, #tpu.memory_space<vmem>>, %arg25: memref<1x2000x128xf32, #tpu.memory_space<vmem>>, %arg26: memref<1x2000x128xf32, #tpu.memory_space<vmem>>) attributes {dimension_semantics = [#tpu.dimension_semantics<arbitrary>], iteration_bounds = array<i64: 25>, scalar_prefetch = 0 : i64, scratch_operands = 0 : i64, tpu.core_type = #tpu.core_type<tc>, window_params = [{transform_indices = @transform_0, window_bounds = array<i64: 1, 2000, 2>}, {transform_indices = @transform_1, window_bounds = array<i64: 1, 2000, 3>}, {pipeline_mode = #tpu.pipeline_mode<synchronous>, transform_indices = @transform_2, window_bounds = array<i64: 1, 11>}, {pipeline_mode = #tpu.pipeline_mode<synchronous>, transform_indices = @transform_3, window_bounds = array<i64: 1, 12>}, {pipeline_mode = #tpu.pipeline_mode<synchronous>, transform_indices = @transform_4, window_bounds = array<i64: 11, 128>}, {pipeline_mode = #tpu.pipeline_mode<synchronous>, transform_indices = @transform_5, window_bounds = array<i64: 1, 128>}, {pipeline_mode = #tpu.pipeline_mode<synchronous>, transform_indices = @transform_6, window_bounds = array<i64: 128, 128>}, {pipeline_mode = #tpu.pipeline_mode<synchronous>, transform_indices = @transform_7, window_bounds = array<i64: 1, 128>}, {pipeline_mode = #tpu.pipeline_mode<synchronous>, transform_indices = @transform_8, window_bounds = array<i64: 12, 128>}, {pipeline_mode = #tpu.pipeline_mode<synchronous>, transform_indices = @transform_9, window_bounds = array<i64: 1, 128>}, {pipeline_mode = #tpu.pipeline_mode<synchronous>, transform_indices = @transform_10, window_bounds = array<i64: 128, 128>}, {pipeline_mode = #tpu.pipeline_mode<synchronous>, transform_indices = @transform_11, window_bounds = array<i64: 1, 128>}, {pipeline_mode = #tpu.pipeline_mode<synchronous>, transform_indices = @transform_12, window_bounds = array<i64: 2, 256>}, {pipeline_mode = #tpu.pipeline_mode<synchronous>, transform_indices = @transform_13, window_bounds = array<i64: 3, 256>}, {pipeline_mode = #tpu.pipeline_mode<synchronous>, transform_indices = @transform_14, window_bounds = array<i64: 1, 256>}, {pipeline_mode = #tpu.pipeline_mode<synchronous>, transform_indices = @transform_15, window_bounds = array<i64: 128, 128>}, {pipeline_mode = #tpu.pipeline_mode<synchronous>, transform_indices = @transform_16, window_bounds = array<i64: 1, 128>}, {pipeline_mode = #tpu.pipeline_mode<synchronous>, transform_indices = @transform_17, window_bounds = array<i64: 128, 128>}, {pipeline_mode = #tpu.pipeline_mode<synchronous>, transform_indices = @transform_18, window_bounds = array<i64: 1, 128>}, {pipeline_mode = #tpu.pipeline_mode<synchronous>, transform_indices = @transform_19, window_bounds = array<i64: 128, 128>}, {pipeline_mode = #tpu.pipeline_mode<synchronous>, transform_indices = @transform_20, window_bounds = array<i64: 1, 128>}, {pipeline_mode = #tpu.pipeline_mode<synchronous>, transform_indices = @transform_21, window_bounds = array<i64: 128, 128>}, {pipeline_mode = #tpu.pipeline_mode<synchronous>, transform_indices = @transform_22, window_bounds = array<i64: 1, 128>}, {pipeline_mode = #tpu.pipeline_mode<synchronous>, transform_indices = @transform_23, window_bounds = array<i64: 1, 2>}, {transform_indices = @transform_24, window_bounds = array<i64: 1, 2000, 128>}, {transform_indices = @transform_25, window_bounds = array<i64: 1, 2000, 128>}]} {
    %get3A = arith.constant 0 : index
    %get3A_0 = arith.constant 0 : index
    %get3A_1 = vector.load %arg3[%get3A, %get3A_0] : memref<1x11xf32, #tpu.memory_space<vmem>>, vector<1x11xf32>
    %get3A_2 = arith.constant 0 : index
    %get3A_3 = arith.constant 0 : index
    %get3A_4 = vector.load %arg5[%get3A_2, %get3A_3] : memref<11x128xf32, #tpu.memory_space<vmem>>, vector<11x128xf32>
    %dot_general3A = arith.constant dense<0.000000e+00> : vector<1x128xf32>
    %dot_general3A_5 = tpu.matmul %get3A_1, %get3A_4, %dot_general3A {dimension_numbers = #tpu.dot_dimension_numbers<[1], [0], [0], [1], [0, 0, 1, 1], [], []>, transpose_lhs_hint = false} : vector<1x11xf32>, vector<11x128xf32>, vector<1x128xf32> -> vector<1x128xf32>
    %get3A_6 = arith.constant 0 : index
    %get3A_7 = arith.constant 0 : index
    %get3A_8 = vector.load %arg6[%get3A_6, %get3A_7] : memref<1x128xf32, #tpu.memory_space<vmem>>, vector<1x128xf32>
    %add3A = arith.addf %dot_general3A_5, %get3A_8 : vector<1x128xf32>
    %logistic3A = arith.negf %add3A : vector<1x128xf32>
    %logistic3A_9 = math.exp %logistic3A : vector<1x128xf32>
    %logistic3A_10 = arith.constant 1.000000e+00 : f32
    %logistic3A_11 = vector.broadcast %logistic3A_10 : f32 to vector<1x128xf32>
    %logistic3A_12 = arith.addf %logistic3A_11, %logistic3A_9 : vector<1x128xf32>
    %logistic3A_13 = arith.divf %logistic3A_11, %logistic3A_12 : vector<1x128xf32>
    %mul3A = arith.mulf %add3A, %logistic3A_13 : vector<1x128xf32>
    %get3A_14 = arith.constant 0 : index
    %get3A_15 = arith.constant 0 : index
    %get3A_16 = vector.load %arg7[%get3A_14, %get3A_15] : memref<128x128xf32, #tpu.memory_space<vmem>>, vector<128x128xf32>
    %dot_general3A_17 = arith.constant dense<0.000000e+00> : vector<1x128xf32>
    %dot_general3A_18 = tpu.matmul %mul3A, %get3A_16, %dot_general3A_17 {dimension_numbers = #tpu.dot_dimension_numbers<[1], [0], [0], [1], [0, 0, 1, 1], [], []>, transpose_lhs_hint = false} : vector<1x128xf32>, vector<128x128xf32>, vector<1x128xf32> -> vector<1x128xf32>
    %get3A_19 = arith.constant 0 : index
    %get3A_20 = arith.constant 0 : index
    %get3A_21 = vector.load %arg8[%get3A_19, %get3A_20] : memref<1x128xf32, #tpu.memory_space<vmem>>, vector<1x128xf32>
    %add3A_22 = arith.addf %dot_general3A_18, %get3A_21 : vector<1x128xf32>
    %get3A_23 = arith.constant 0 : index
    %get3A_24 = arith.constant 0 : index
    %get3A_25 = vector.load %arg4[%get3A_23, %get3A_24] : memref<1x12xf32, #tpu.memory_space<vmem>>, vector<1x12xf32>
    %get3A_26 = arith.constant 0 : index
    %get3A_27 = arith.constant 0 : index
    %get3A_28 = vector.load %arg9[%get3A_26, %get3A_27] : memref<12x128xf32, #tpu.memory_space<vmem>>, vector<12x128xf32>
    %dot_general3A_29 = arith.constant dense<0.000000e+00> : vector<1x128xf32>
    %dot_general3A_30 = tpu.matmul %get3A_25, %get3A_28, %dot_general3A_29 {dimension_numbers = #tpu.dot_dimension_numbers<[1], [0], [0], [1], [0, 0, 1, 1], [], []>, transpose_lhs_hint = false} : vector<1x12xf32>, vector<12x128xf32>, vector<1x128xf32> -> vector<1x128xf32>
    %get3A_31 = arith.constant 0 : index
    %get3A_32 = arith.constant 0 : index
    %get3A_33 = vector.load %arg10[%get3A_31, %get3A_32] : memref<1x128xf32, #tpu.memory_space<vmem>>, vector<1x128xf32>
    %add3A_34 = arith.addf %dot_general3A_30, %get3A_33 : vector<1x128xf32>
    %logistic3A_35 = arith.negf %add3A_34 : vector<1x128xf32>
    %logistic3A_36 = math.exp %logistic3A_35 : vector<1x128xf32>
    %logistic3A_37 = arith.constant 1.000000e+00 : f32
    %logistic3A_38 = vector.broadcast %logistic3A_37 : f32 to vector<1x128xf32>
    %logistic3A_39 = arith.addf %logistic3A_38, %logistic3A_36 : vector<1x128xf32>
    %logistic3A_40 = arith.divf %logistic3A_38, %logistic3A_39 : vector<1x128xf32>
    %mul3A_41 = arith.mulf %add3A_34, %logistic3A_40 : vector<1x128xf32>
    %get3A_42 = arith.constant 0 : index
    %get3A_43 = arith.constant 0 : index
    %get3A_44 = vector.load %arg11[%get3A_42, %get3A_43] : memref<128x128xf32, #tpu.memory_space<vmem>>, vector<128x128xf32>
    %dot_general3A_45 = arith.constant dense<0.000000e+00> : vector<1x128xf32>
    %dot_general3A_46 = tpu.matmul %mul3A_41, %get3A_44, %dot_general3A_45 {dimension_numbers = #tpu.dot_dimension_numbers<[1], [0], [0], [1], [0, 0, 1, 1], [], []>, transpose_lhs_hint = false} : vector<1x128xf32>, vector<128x128xf32>, vector<1x128xf32> -> vector<1x128xf32>
    %get3A_47 = arith.constant 0 : index
    %get3A_48 = arith.constant 0 : index
    %get3A_49 = vector.load %arg12[%get3A_47, %get3A_48] : memref<1x128xf32, #tpu.memory_space<vmem>>, vector<1x128xf32>
    %add3A_50 = arith.addf %dot_general3A_46, %get3A_49 : vector<1x128xf32>
    %add3A_51 = arith.addf %add3A_22, %add3A_50 : vector<1x128xf32>
    %get3A_52 = arith.constant 0 : index
    %get3A_53 = arith.constant 0 : index
    %get3A_54 = arith.constant 0 : index
    %get3A_55 = vector.load %arg1[%get3A_52, %get3A_53, %get3A_54] : memref<1x2000x2xf32, #tpu.memory_space<vmem>>, vector<1x2000x2xf32>
    %get3A_56 = vector.shape_cast %get3A_55 : vector<1x2000x2xf32> to vector<2000x2xf32>
    %get3A_57 = arith.constant 0 : index
    %get3A_58 = arith.constant 0 : index
    %get3A_59 = arith.constant 0 : index
    %get3A_60 = vector.load %arg2[%get3A_57, %get3A_58, %get3A_59] : memref<1x2000x3xf32, #tpu.memory_space<vmem>>, vector<1x2000x3xf32>
    %get3A_61 = vector.shape_cast %get3A_60 : vector<1x2000x3xf32> to vector<2000x3xf32>
    %get3A_62 = arith.constant 0 : index
    %get3A_63 = arith.constant 0 : index
    %get3A_64 = vector.load %arg13[%get3A_62, %get3A_63] : memref<2x256xf32, #tpu.memory_space<vmem>>, vector<2x256xf32>
    %dot_general3A_65 = arith.constant dense<0.000000e+00> : vector<2000x256xf32>
    %dot_general3A_66 = tpu.matmul %get3A_56, %get3A_64, %dot_general3A_65 {dimension_numbers = #tpu.dot_dimension_numbers<[1], [0], [0], [1], [0, 0, 1, 1], [], []>, transpose_lhs_hint = false} : vector<2000x2xf32>, vector<2x256xf32>, vector<2000x256xf32> -> vector<2000x256xf32>
    %get3A_67 = arith.constant 0 : index
    %get3A_68 = arith.constant 0 : index
    %get3A_69 = vector.load %arg14[%get3A_67, %get3A_68] : memref<3x256xf32, #tpu.memory_space<vmem>>, vector<3x256xf32>
    %dot_general3A_70 = arith.constant dense<0.000000e+00> : vector<2000x256xf32>
    %dot_general3A_71 = tpu.matmul %get3A_61, %get3A_69, %dot_general3A_70 {dimension_numbers = #tpu.dot_dimension_numbers<[1], [0], [0], [1], [0, 0, 1, 1], [], []>, transpose_lhs_hint = false} : vector<2000x3xf32>, vector<3x256xf32>, vector<2000x256xf32> -> vector<2000x256xf32>
    %add3A_72 = arith.addf %dot_general3A_66, %dot_general3A_71 : vector<2000x256xf32>
    %get3A_73 = arith.constant 0 : index
    %get3A_74 = arith.constant 0 : index
    %get3A_75 = vector.load %arg15[%get3A_73, %get3A_74] : memref<1x256xf32, #tpu.memory_space<vmem>>, vector<1x256xf32>
    %add3A_76 = vector.broadcast %get3A_75 : vector<1x256xf32> to vector<2000x256xf32>
    %add3A_77 = arith.addf %add3A_72, %add3A_76 : vector<2000x256xf32>
    %logistic3A_78 = arith.negf %add3A_77 : vector<2000x256xf32>
    %logistic3A_79 = math.exp %logistic3A_78 : vector<2000x256xf32>
    %logistic3A_80 = arith.constant 1.000000e+00 : f32
    %logistic3A_81 = vector.broadcast %logistic3A_80 : f32 to vector<2000x256xf32>
    %logistic3A_82 = arith.addf %logistic3A_81, %logistic3A_79 : vector<2000x256xf32>
    %logistic3A_83 = arith.divf %logistic3A_81, %logistic3A_82 : vector<2000x256xf32>
    %mul3A_84 = arith.mulf %add3A_77, %logistic3A_83 : vector<2000x256xf32>
    %slice3A = vector.extract_strided_slice %mul3A_84 {offsets = [0, 0], sizes = [2000, 128], strides = [1, 1]} : vector<2000x256xf32> to vector<2000x128xf32>
    %get3A_85 = arith.constant 0 : index
    %get3A_86 = arith.constant 0 : index
    %get3A_87 = vector.load %arg16[%get3A_85, %get3A_86] : memref<128x128xf32, #tpu.memory_space<vmem>>, vector<128x128xf32>
    %dot_general3A_88 = arith.constant dense<0.000000e+00> : vector<2000x128xf32>
    %dot_general3A_89 = tpu.matmul %slice3A, %get3A_87, %dot_general3A_88 {dimension_numbers = #tpu.dot_dimension_numbers<[1], [0], [0], [1], [0, 0, 1, 1], [], []>, transpose_lhs_hint = false} : vector<2000x128xf32>, vector<128x128xf32>, vector<2000x128xf32> -> vector<2000x128xf32>
    %get3A_90 = arith.constant 0 : index
    %get3A_91 = arith.constant 0 : index
    %get3A_92 = vector.load %arg17[%get3A_90, %get3A_91] : memref<1x128xf32, #tpu.memory_space<vmem>>, vector<1x128xf32>
    %add3A_93 = vector.broadcast %get3A_92 : vector<1x128xf32> to vector<2000x128xf32>
    %add3A_94 = arith.addf %dot_general3A_89, %add3A_93 : vector<2000x128xf32>
    %add3A_95 = vector.broadcast %add3A_51 : vector<1x128xf32> to vector<2000x128xf32>
    %add3A_96 = arith.addf %add3A_94, %add3A_95 : vector<2000x128xf32>
    %slice3A_97 = vector.extract_strided_slice %mul3A_84 {offsets = [0, 128], sizes = [2000, 128], strides = [1, 1]} : vector<2000x256xf32> to vector<2000x128xf32>
    %get3A_98 = arith.constant 0 : index
    %get3A_99 = arith.constant 0 : index
    %get3A_100 = vector.load %arg18[%get3A_98, %get3A_99] : memref<128x128xf32, #tpu.memory_space<vmem>>, vector<128x128xf32>
    %dot_general3A_101 = arith.constant dense<0.000000e+00> : vector<2000x128xf32>
    %dot_general3A_102 = tpu.matmul %slice3A_97, %get3A_100, %dot_general3A_101 {dimension_numbers = #tpu.dot_dimension_numbers<[1], [0], [0], [1], [0, 0, 1, 1], [], []>, transpose_lhs_hint = false} : vector<2000x128xf32>, vector<128x128xf32>, vector<2000x128xf32> -> vector<2000x128xf32>
    %get3A_103 = arith.constant 0 : index
    %get3A_104 = arith.constant 0 : index
    %get3A_105 = vector.load %arg19[%get3A_103, %get3A_104] : memref<1x128xf32, #tpu.memory_space<vmem>>, vector<1x128xf32>
    %add3A_106 = vector.broadcast %get3A_105 : vector<1x128xf32> to vector<2000x128xf32>
    %add3A_107 = arith.addf %dot_general3A_102, %add3A_106 : vector<2000x128xf32>
    %add3A_108 = vector.broadcast %add3A_51 : vector<1x128xf32> to vector<2000x128xf32>
    %add3A_109 = arith.addf %add3A_107, %add3A_108 : vector<2000x128xf32>
    %get3A_110 = arith.constant 0 : index
    %get3A_111 = arith.constant 0 : index
    %get3A_112 = vector.load %arg24[%get3A_110, %get3A_111] : memref<1x2xf32, #tpu.memory_space<vmem>>, vector<1x1xf32>
    %get3A_113 = vector.extract %get3A_112[0, 0] : f32 from vector<1x1xf32>
    %tanh3A = math.tanh %get3A_113 : f32
    %get3A_114 = arith.constant 0 : index
    %get3A_115 = arith.constant 1 : index
    %get3A_116 = vector.load %arg24[%get3A_114, %get3A_115] : memref<1x2xf32, #tpu.memory_space<vmem>>, vector<1x1xf32>
    %get3A_117 = vector.extract %get3A_116[0, 0] : f32 from vector<1x1xf32>
    %tanh3A_118 = math.tanh %get3A_117 : f32
    %get3A_119 = arith.constant 0 : index
    %get3A_120 = arith.constant 0 : index
    %get3A_121 = vector.load %arg20[%get3A_119, %get3A_120] : memref<128x128xf32, #tpu.memory_space<vmem>>, vector<128x128xf32>
    %dot_general3A_122 = arith.constant dense<0.000000e+00> : vector<2000x128xf32>
    %dot_general3A_123 = tpu.matmul %add3A_109, %get3A_121, %dot_general3A_122 {dimension_numbers = #tpu.dot_dimension_numbers<[1], [0], [0], [1], [0, 0, 1, 1], [], []>, transpose_lhs_hint = false} : vector<2000x128xf32>, vector<128x128xf32>, vector<2000x128xf32> -> vector<2000x128xf32>
    %get3A_124 = arith.constant 0 : index
    %get3A_125 = arith.constant 0 : index
    %get3A_126 = vector.load %arg21[%get3A_124, %get3A_125] : memref<1x128xf32, #tpu.memory_space<vmem>>, vector<1x128xf32>
    %add3A_127 = vector.broadcast %get3A_126 : vector<1x128xf32> to vector<2000x128xf32>
    %add3A_128 = arith.addf %dot_general3A_123, %add3A_127 : vector<2000x128xf32>
    %logistic3A_129 = arith.negf %add3A_128 : vector<2000x128xf32>
    %logistic3A_130 = math.exp %logistic3A_129 : vector<2000x128xf32>
    %logistic3A_131 = arith.constant 1.000000e+00 : f32
    %logistic3A_132 = vector.broadcast %logistic3A_131 : f32 to vector<2000x128xf32>
    %logistic3A_133 = arith.addf %logistic3A_132, %logistic3A_130 : vector<2000x128xf32>
    %logistic3A_134 = arith.divf %logistic3A_132, %logistic3A_133 : vector<2000x128xf32>
    %mul3A_135 = arith.mulf %add3A_128, %logistic3A_134 : vector<2000x128xf32>
    %get3A_136 = arith.constant 0 : index
    %get3A_137 = arith.constant 0 : index
    %get3A_138 = vector.load %arg22[%get3A_136, %get3A_137] : memref<128x128xf32, #tpu.memory_space<vmem>>, vector<128x128xf32>
    %dot_general3A_139 = arith.constant dense<0.000000e+00> : vector<2000x128xf32>
    %dot_general3A_140 = tpu.matmul %add3A_96, %get3A_138, %dot_general3A_139 {dimension_numbers = #tpu.dot_dimension_numbers<[1], [0], [0], [1], [0, 0, 1, 1], [], []>, transpose_lhs_hint = false} : vector<2000x128xf32>, vector<128x128xf32>, vector<2000x128xf32> -> vector<2000x128xf32>
    %get3A_141 = arith.constant 0 : index
    %get3A_142 = arith.constant 0 : index
    %get3A_143 = vector.load %arg23[%get3A_141, %get3A_142] : memref<1x128xf32, #tpu.memory_space<vmem>>, vector<1x128xf32>
    %add3A_144 = vector.broadcast %get3A_143 : vector<1x128xf32> to vector<2000x128xf32>
    %add3A_145 = arith.addf %dot_general3A_140, %add3A_144 : vector<2000x128xf32>
    %logistic3A_146 = arith.negf %add3A_145 : vector<2000x128xf32>
    %logistic3A_147 = math.exp %logistic3A_146 : vector<2000x128xf32>
    %logistic3A_148 = arith.constant 1.000000e+00 : f32
    %logistic3A_149 = vector.broadcast %logistic3A_148 : f32 to vector<2000x128xf32>
    %logistic3A_150 = arith.addf %logistic3A_149, %logistic3A_147 : vector<2000x128xf32>
    %logistic3A_151 = arith.divf %logistic3A_149, %logistic3A_150 : vector<2000x128xf32>
    %mul3A_152 = arith.mulf %add3A_145, %logistic3A_151 : vector<2000x128xf32>
    %mul3A_153 = vector.broadcast %tanh3A : f32 to vector<2000x128xf32>
    %mul3A_154 = arith.mulf %mul3A_153, %mul3A_135 : vector<2000x128xf32>
    %add3A_155 = arith.addf %add3A_96, %mul3A_154 : vector<2000x128xf32>
    %swap3A = arith.constant 0 : index
    %swap3A_156 = arith.constant 0 : index
    %swap3A_157 = arith.constant 0 : index
    %swap3A_158 = vector.load %arg25[%swap3A, %swap3A_156, %swap3A_157] : memref<1x2000x128xf32, #tpu.memory_space<vmem>>, vector<1x2000x128xf32>
    %swap3A_159 = vector.shape_cast %swap3A_158 : vector<1x2000x128xf32> to vector<2000x128xf32>
    %swap3A_160 = vector.shape_cast %add3A_155 : vector<2000x128xf32> to vector<1x2000x128xf32>
    tpu.vector_store %arg25[%swap3A, %swap3A_156, %swap3A_157], %swap3A_160 {strides = array<i32>} : memref<1x2000x128xf32, #tpu.memory_space<vmem>>, vector<1x2000x128xf32>,
    %mul3A_161 = vector.broadcast %tanh3A_118 : f32 to vector<2000x128xf32>
    %mul3A_162 = arith.mulf %mul3A_161, %mul3A_152 : vector<2000x128xf32>
    %add3A_163 = arith.addf %add3A_109, %mul3A_162 : vector<2000x128xf32>
    %swap3A_164 = arith.constant 0 : index
    %swap3A_165 = arith.constant 0 : index
    %swap3A_166 = arith.constant 0 : index
    %swap3A_167 = vector.load %arg26[%swap3A_164, %swap3A_165, %swap3A_166] : memref<1x2000x128xf32, #tpu.memory_space<vmem>>, vector<1x2000x128xf32>
    %swap3A_168 = vector.shape_cast %swap3A_167 : vector<1x2000x128xf32> to vector<2000x128xf32>
    %swap3A_169 = vector.shape_cast %add3A_163 : vector<2000x128xf32> to vector<1x2000x128xf32>
    tpu.vector_store %arg26[%swap3A_164, %swap3A_165, %swap3A_166], %swap3A_169 {strides = array<i32>} : memref<1x2000x128xf32, #tpu.memory_space<vmem>>, vector<1x2000x128xf32>,
    return
  }
  func.func @transform_0(%arg0: i32) -> (i32, i32, i32) {
    %c0_i32 = arith.constant 0 : i32
    %c0_i32_0 = arith.constant 0 : i32
    %c0_i32_1 = arith.constant 0 : i32
    return %c0_i32, %arg0, %c0_i32_0 : i32, i32, i32
  }
  func.func @transform_1(%arg0: i32) -> (i32, i32, i32) {
    %c0_i32 = arith.constant 0 : i32
    %c0_i32_0 = arith.constant 0 : i32
    %c0_i32_1 = arith.constant 0 : i32
    return %c0_i32, %arg0, %c0_i32_0 : i32, i32, i32
  }
  func.func @transform_2(%arg0: i32) -> (i32, i32) {
    %c0_i32 = arith.constant 0 : i32
    %c0_i32_0 = arith.constant 0 : i32
    %c0_i32_1 = arith.constant 0 : i32
    return %c0_i32, %c0_i32_0 : i32, i32
  }
  func.func @transform_3(%arg0: i32) -> (i32, i32) {
    %c0_i32 = arith.constant 0 : i32
    %c0_i32_0 = arith.constant 0 : i32
    %c0_i32_1 = arith.constant 0 : i32
    return %c0_i32, %c0_i32_0 : i32, i32
  }
  func.func @transform_4(%arg0: i32) -> (i32, i32) {
    %c0_i32 = arith.constant 0 : i32
    %c0_i32_0 = arith.constant 0 : i32
    %c0_i32_1 = arith.constant 0 : i32
    return %c0_i32, %c0_i32_0 : i32, i32
  }
  func.func @transform_5(%arg0: i32) -> (i32, i32) {
    %c0_i32 = arith.constant 0 : i32
    %c0_i32_0 = arith.constant 0 : i32
    %c0_i32_1 = arith.constant 0 : i32
    return %c0_i32, %c0_i32_0 : i32, i32
  }
  func.func @transform_6(%arg0: i32) -> (i32, i32) {
    %c0_i32 = arith.constant 0 : i32
    %c0_i32_0 = arith.constant 0 : i32
    %c0_i32_1 = arith.constant 0 : i32
    return %c0_i32, %c0_i32_0 : i32, i32
  }
  func.func @transform_7(%arg0: i32) -> (i32, i32) {
    %c0_i32 = arith.constant 0 : i32
    %c0_i32_0 = arith.constant 0 : i32
    %c0_i32_1 = arith.constant 0 : i32
    return %c0_i32, %c0_i32_0 : i32, i32
  }
  func.func @transform_8(%arg0: i32) -> (i32, i32) {
    %c0_i32 = arith.constant 0 : i32
    %c0_i32_0 = arith.constant 0 : i32
    %c0_i32_1 = arith.constant 0 : i32
    return %c0_i32, %c0_i32_0 : i32, i32
  }
  func.func @transform_9(%arg0: i32) -> (i32, i32) {
    %c0_i32 = arith.constant 0 : i32
    %c0_i32_0 = arith.constant 0 : i32
    %c0_i32_1 = arith.constant 0 : i32
    return %c0_i32, %c0_i32_0 : i32, i32
  }
  func.func @transform_10(%arg0: i32) -> (i32, i32) {
    %c0_i32 = arith.constant 0 : i32
    %c0_i32_0 = arith.constant 0 : i32
    %c0_i32_1 = arith.constant 0 : i32
    return %c0_i32, %c0_i32_0 : i32, i32
  }
  func.func @transform_11(%arg0: i32) -> (i32, i32) {
    %c0_i32 = arith.constant 0 : i32
    %c0_i32_0 = arith.constant 0 : i32
    %c0_i32_1 = arith.constant 0 : i32
    return %c0_i32, %c0_i32_0 : i32, i32
  }
  func.func @transform_12(%arg0: i32) -> (i32, i32) {
    %c0_i32 = arith.constant 0 : i32
    %c0_i32_0 = arith.constant 0 : i32
    %c0_i32_1 = arith.constant 0 : i32
    return %c0_i32, %c0_i32_0 : i32, i32
  }
  func.func @transform_13(%arg0: i32) -> (i32, i32) {
    %c0_i32 = arith.constant 0 : i32
    %c0_i32_0 = arith.constant 0 : i32
    %c0_i32_1 = arith.constant 0 : i32
    return %c0_i32, %c0_i32_0 : i32, i32
  }
  func.func @transform_14(%arg0: i32) -> (i32, i32) {
    %c0_i32 = arith.constant 0 : i32
    %c0_i32_0 = arith.constant 0 : i32
    %c0_i32_1 = arith.constant 0 : i32
    return %c0_i32, %c0_i32_0 : i32, i32
  }
  func.func @transform_15(%arg0: i32) -> (i32, i32) {
    %c0_i32 = arith.constant 0 : i32
    %c0_i32_0 = arith.constant 0 : i32
    %c0_i32_1 = arith.constant 0 : i32
    return %c0_i32, %c0_i32_0 : i32, i32
  }
  func.func @transform_16(%arg0: i32) -> (i32, i32) {
    %c0_i32 = arith.constant 0 : i32
    %c0_i32_0 = arith.constant 0 : i32
    %c0_i32_1 = arith.constant 0 : i32
    return %c0_i32, %c0_i32_0 : i32, i32
  }
  func.func @transform_17(%arg0: i32) -> (i32, i32) {
    %c0_i32 = arith.constant 0 : i32
    %c0_i32_0 = arith.constant 0 : i32
    %c0_i32_1 = arith.constant 0 : i32
    return %c0_i32, %c0_i32_0 : i32, i32
  }
  func.func @transform_18(%arg0: i32) -> (i32, i32) {
    %c0_i32 = arith.constant 0 : i32
    %c0_i32_0 = arith.constant 0 : i32
    %c0_i32_1 = arith.constant 0 : i32
    return %c0_i32, %c0_i32_0 : i32, i32
  }
  func.func @transform_19(%arg0: i32) -> (i32, i32) {
    %c0_i32 = arith.constant 0 : i32
    %c0_i32_0 = arith.constant 0 : i32
    %c0_i32_1 = arith.constant 0 : i32
    return %c0_i32, %c0_i32_0 : i32, i32
  }
  func.func @transform_20(%arg0: i32) -> (i32, i32) {
    %c0_i32 = arith.constant 0 : i32
    %c0_i32_0 = arith.constant 0 : i32
    %c0_i32_1 = arith.constant 0 : i32
    return %c0_i32, %c0_i32_0 : i32, i32
  }
  func.func @transform_21(%arg0: i32) -> (i32, i32) {
    %c0_i32 = arith.constant 0 : i32
    %c0_i32_0 = arith.constant 0 : i32
    %c0_i32_1 = arith.constant 0 : i32
    return %c0_i32, %c0_i32_0 : i32, i32
  }
  func.func @transform_22(%arg0: i32) -> (i32, i32) {
    %c0_i32 = arith.constant 0 : i32
    %c0_i32_0 = arith.constant 0 : i32
    %c0_i32_1 = arith.constant 0 : i32
    return %c0_i32, %c0_i32_0 : i32, i32
  }
  func.func @transform_23(%arg0: i32) -> (i32, i32) {
    %c0_i32 = arith.constant 0 : i32
    %c0_i32_0 = arith.constant 0 : i32
    %c0_i32_1 = arith.constant 0 : i32
    return %c0_i32, %c0_i32_0 : i32, i32
  }
  func.func @transform_24(%arg0: i32) -> (i32, i32, i32) {
    %c0_i32 = arith.constant 0 : i32
    %c0_i32_0 = arith.constant 0 : i32
    %c0_i32_1 = arith.constant 0 : i32
    return %c0_i32, %arg0, %c0_i32_0 : i32, i32, i32
  }
  func.func @transform_25(%arg0: i32) -> (i32, i32, i32) {
    %c0_i32 = arith.constant 0 : i32
    %c0_i32_0 = arith.constant 0 : i32
    %c0_i32_1 = arith.constant 0 : i32
    return %c0_i32, %arg0, %c0_i32_0 : i32, i32, i32
  }
}

module attributes {stable_mosaic.version = 14 : i64} {
  func.func @_edge_body(%arg0: i32, %arg1: memref<1000x128xf32, #tpu.memory_space<vmem>>, %arg2: memref<1000x128xf32, #tpu.memory_space<vmem>>, %arg3: memref<128x128xf32, #tpu.memory_space<vmem>>, %arg4: memref<128x2048xf32, #tpu.memory_space<vmem>>, %arg5: memref<128x2048xf32, #tpu.memory_space<vmem>>, %arg6: memref<1x2048xf32, #tpu.memory_space<vmem>>, %arg7: memref<128x128xf32, #tpu.memory_space<vmem>>, %arg8: memref<1x128xf32, #tpu.memory_space<vmem>>, %arg9: memref<1x16000x128xf32, #tpu.memory_space<vmem>>) attributes {dimension_semantics = [#tpu.dimension_semantics<arbitrary>], iteration_bounds = array<i64: 26>, scalar_prefetch = 0 : i64, scratch_operands = 0 : i64, tpu.core_type = #tpu.core_type<tc>, window_params = [{transform_indices = @transform_0, window_bounds = array<i64: 1000, 128>}, {transform_indices = @transform_1, window_bounds = array<i64: 1000, 128>}, {pipeline_mode = #tpu.pipeline_mode<synchronous>, transform_indices = @transform_2, window_bounds = array<i64: 128, 128>}, {pipeline_mode = #tpu.pipeline_mode<synchronous>, transform_indices = @transform_3, window_bounds = array<i64: 128, 2048>}, {pipeline_mode = #tpu.pipeline_mode<synchronous>, transform_indices = @transform_4, window_bounds = array<i64: 128, 2048>}, {pipeline_mode = #tpu.pipeline_mode<synchronous>, transform_indices = @transform_5, window_bounds = array<i64: 1, 2048>}, {pipeline_mode = #tpu.pipeline_mode<synchronous>, transform_indices = @transform_6, window_bounds = array<i64: 128, 128>}, {pipeline_mode = #tpu.pipeline_mode<synchronous>, transform_indices = @transform_7, window_bounds = array<i64: 1, 128>}, {transform_indices = @transform_8, window_bounds = array<i64: 1, 16000, 128>}]} {
    %get3A = arith.constant 0 : index
    %get3A_0 = arith.constant 0 : index
    %get3A_1 = vector.load %arg2[%get3A, %get3A_0] : memref<1000x128xf32, #tpu.memory_space<vmem>>, vector<1000x128xf32>
    %get3A_2 = arith.constant 0 : index
    %get3A_3 = arith.constant 0 : index
    %get3A_4 = vector.load %arg1[%get3A_2, %get3A_3] : memref<1000x128xf32, #tpu.memory_space<vmem>>, vector<1000x128xf32>
    %sub3A = arith.subf %get3A_1, %get3A_4 : vector<1000x128xf32>
    %mul3A = arith.mulf %sub3A, %sub3A : vector<1000x128xf32>
    %get3A_5 = arith.constant 0 : index
    %get3A_6 = arith.constant 0 : index
    %get3A_7 = vector.load %arg3[%get3A_5, %get3A_6] : memref<128x128xf32, #tpu.memory_space<vmem>>, vector<128x128xf32>
    %dot_general3A = arith.constant dense<0.000000e+00> : vector<1000x128xf32>
    %dot_general3A_8 = tpu.matmul %mul3A, %get3A_7, %dot_general3A {dimension_numbers = #tpu.dot_dimension_numbers<[1], [0], [0], [1], [0, 0, 1, 1], [], []>, transpose_lhs_hint = false} : vector<1000x128xf32>, vector<128x128xf32>, vector<1000x128xf32> -> vector<1000x128xf32>
    %sqrt3A = math.sqrt %dot_general3A_8 : vector<1000x128xf32>
    %get3A_9 = arith.constant 0 : index
    %get3A_10 = arith.constant 0 : index
    %get3A_11 = vector.load %arg4[%get3A_9, %get3A_10] : memref<128x2048xf32, #tpu.memory_space<vmem>>, vector<128x1024xf32>
    %dot_general3A_12 = arith.constant dense<0.000000e+00> : vector<1000x1024xf32>
    %dot_general3A_13 = tpu.matmul %sub3A, %get3A_11, %dot_general3A_12 {dimension_numbers = #tpu.dot_dimension_numbers<[1], [0], [0], [1], [0, 0, 1, 1], [], []>, transpose_lhs_hint = false} : vector<1000x128xf32>, vector<128x1024xf32>, vector<1000x1024xf32> -> vector<1000x1024xf32>
    %get3A_14 = arith.constant 0 : index
    %get3A_15 = arith.constant 0 : index
    %get3A_16 = vector.load %arg5[%get3A_14, %get3A_15] : memref<128x2048xf32, #tpu.memory_space<vmem>>, vector<128x1024xf32>
    %dot_general3A_17 = arith.constant dense<0.000000e+00> : vector<1000x1024xf32>
    %dot_general3A_18 = tpu.matmul %sqrt3A, %get3A_16, %dot_general3A_17 {dimension_numbers = #tpu.dot_dimension_numbers<[1], [0], [0], [1], [0, 0, 1, 1], [], []>, transpose_lhs_hint = false} : vector<1000x128xf32>, vector<128x1024xf32>, vector<1000x1024xf32> -> vector<1000x1024xf32>
    %add3A = arith.addf %dot_general3A_13, %dot_general3A_18 : vector<1000x1024xf32>
    %get3A_19 = arith.constant 0 : index
    %get3A_20 = arith.constant 0 : index
    %get3A_21 = vector.load %arg6[%get3A_19, %get3A_20] : memref<1x2048xf32, #tpu.memory_space<vmem>>, vector<1x1024xf32>
    %add3A_22 = vector.broadcast %get3A_21 : vector<1x1024xf32> to vector<1000x1024xf32>
    %add3A_23 = arith.addf %add3A, %add3A_22 : vector<1000x1024xf32>
    %logistic3A = arith.negf %add3A_23 : vector<1000x1024xf32>
    %logistic3A_24 = math.exp %logistic3A : vector<1000x1024xf32>
    %logistic3A_25 = arith.constant 1.000000e+00 : f32
    %logistic3A_26 = vector.broadcast %logistic3A_25 : f32 to vector<1000x1024xf32>
    %logistic3A_27 = arith.addf %logistic3A_26, %logistic3A_24 : vector<1000x1024xf32>
    %logistic3A_28 = arith.divf %logistic3A_26, %logistic3A_27 : vector<1000x1024xf32>
    %mul3A_29 = arith.mulf %add3A_23, %logistic3A_28 : vector<1000x1024xf32>
    %slice3A = vector.extract_strided_slice %mul3A_29 {offsets = [0, 0], sizes = [1000, 128], strides = [1, 1]} : vector<1000x1024xf32> to vector<1000x128xf32>
    %get3A_30 = arith.constant 0 : index
    %get3A_31 = arith.constant 0 : index
    %get3A_32 = vector.load %arg7[%get3A_30, %get3A_31] : memref<128x128xf32, #tpu.memory_space<vmem>>, vector<128x128xf32>
    %dot_general3A_33 = arith.constant dense<0.000000e+00> : vector<1000x128xf32>
    %dot_general3A_34 = tpu.matmul %slice3A, %get3A_32, %dot_general3A_33 {dimension_numbers = #tpu.dot_dimension_numbers<[1], [0], [0], [1], [0, 0, 1, 1], [], []>, transpose_lhs_hint = false} : vector<1000x128xf32>, vector<128x128xf32>, vector<1000x128xf32> -> vector<1000x128xf32>
    %get3A_35 = arith.constant 0 : index
    %get3A_36 = arith.constant 0 : index
    %get3A_37 = vector.load %arg8[%get3A_35, %get3A_36] : memref<1x128xf32, #tpu.memory_space<vmem>>, vector<1x128xf32>
    %add3A_38 = vector.broadcast %get3A_37 : vector<1x128xf32> to vector<1000x128xf32>
    %add3A_39 = arith.addf %dot_general3A_34, %add3A_38 : vector<1000x128xf32>
    %swap3A = arith.constant 0 : index
    %swap3A_40 = arith.constant 0 : index
    %swap3A_41 = arith.constant 0 : index
    %swap3A_42 = vector.load %arg9[%swap3A, %swap3A_40, %swap3A_41] : memref<1x16000x128xf32, #tpu.memory_space<vmem>>, vector<1x1000x128xf32>
    %swap3A_43 = vector.shape_cast %swap3A_42 : vector<1x1000x128xf32> to vector<1000x128xf32>
    %swap3A_44 = vector.shape_cast %add3A_39 : vector<1000x128xf32> to vector<1x1000x128xf32>
    tpu.vector_store %arg9[%swap3A, %swap3A_40, %swap3A_41], %swap3A_44 {strides = array<i32>} : memref<1x16000x128xf32, #tpu.memory_space<vmem>>, vector<1x1000x128xf32>,
    %slice3A_45 = vector.extract_strided_slice %mul3A_29 {offsets = [0, 128], sizes = [1000, 128], strides = [1, 1]} : vector<1000x1024xf32> to vector<1000x128xf32>
    %get3A_46 = arith.constant 0 : index
    %get3A_47 = arith.constant 0 : index
    %get3A_48 = vector.load %arg7[%get3A_46, %get3A_47] : memref<128x128xf32, #tpu.memory_space<vmem>>, vector<128x128xf32>
    %dot_general3A_49 = arith.constant dense<0.000000e+00> : vector<1000x128xf32>
    %dot_general3A_50 = tpu.matmul %slice3A_45, %get3A_48, %dot_general3A_49 {dimension_numbers = #tpu.dot_dimension_numbers<[1], [0], [0], [1], [0, 0, 1, 1], [], []>, transpose_lhs_hint = false} : vector<1000x128xf32>, vector<128x128xf32>, vector<1000x128xf32> -> vector<1000x128xf32>
    %get3A_51 = arith.constant 0 : index
    %get3A_52 = arith.constant 0 : index
    %get3A_53 = vector.load %arg8[%get3A_51, %get3A_52] : memref<1x128xf32, #tpu.memory_space<vmem>>, vector<1x128xf32>
    %add3A_54 = vector.broadcast %get3A_53 : vector<1x128xf32> to vector<1000x128xf32>
    %add3A_55 = arith.addf %dot_general3A_50, %add3A_54 : vector<1000x128xf32>
    %swap3A_56 = arith.constant 0 : index
    %swap3A_57 = arith.constant 1000 : index
    %swap3A_58 = arith.constant 0 : index
    %swap3A_59 = vector.load %arg9[%swap3A_56, %swap3A_57, %swap3A_58] : memref<1x16000x128xf32, #tpu.memory_space<vmem>>, vector<1x1000x128xf32>
    %swap3A_60 = vector.shape_cast %swap3A_59 : vector<1x1000x128xf32> to vector<1000x128xf32>
    %swap3A_61 = vector.shape_cast %add3A_55 : vector<1000x128xf32> to vector<1x1000x128xf32>
    tpu.vector_store %arg9[%swap3A_56, %swap3A_57, %swap3A_58], %swap3A_61 {strides = array<i32>} : memref<1x16000x128xf32, #tpu.memory_space<vmem>>, vector<1x1000x128xf32>,
    %slice3A_62 = vector.extract_strided_slice %mul3A_29 {offsets = [0, 256], sizes = [1000, 128], strides = [1, 1]} : vector<1000x1024xf32> to vector<1000x128xf32>
    %get3A_63 = arith.constant 0 : index
    %get3A_64 = arith.constant 0 : index
    %get3A_65 = vector.load %arg7[%get3A_63, %get3A_64] : memref<128x128xf32, #tpu.memory_space<vmem>>, vector<128x128xf32>
    %dot_general3A_66 = arith.constant dense<0.000000e+00> : vector<1000x128xf32>
    %dot_general3A_67 = tpu.matmul %slice3A_62, %get3A_65, %dot_general3A_66 {dimension_numbers = #tpu.dot_dimension_numbers<[1], [0], [0], [1], [0, 0, 1, 1], [], []>, transpose_lhs_hint = false} : vector<1000x128xf32>, vector<128x128xf32>, vector<1000x128xf32> -> vector<1000x128xf32>
    %get3A_68 = arith.constant 0 : index
    %get3A_69 = arith.constant 0 : index
    %get3A_70 = vector.load %arg8[%get3A_68, %get3A_69] : memref<1x128xf32, #tpu.memory_space<vmem>>, vector<1x128xf32>
    %add3A_71 = vector.broadcast %get3A_70 : vector<1x128xf32> to vector<1000x128xf32>
    %add3A_72 = arith.addf %dot_general3A_67, %add3A_71 : vector<1000x128xf32>
    %swap3A_73 = arith.constant 0 : index
    %swap3A_74 = arith.constant 2000 : index
    %swap3A_75 = arith.constant 0 : index
    %swap3A_76 = vector.load %arg9[%swap3A_73, %swap3A_74, %swap3A_75] : memref<1x16000x128xf32, #tpu.memory_space<vmem>>, vector<1x1000x128xf32>
    %swap3A_77 = vector.shape_cast %swap3A_76 : vector<1x1000x128xf32> to vector<1000x128xf32>
    %swap3A_78 = vector.shape_cast %add3A_72 : vector<1000x128xf32> to vector<1x1000x128xf32>
    tpu.vector_store %arg9[%swap3A_73, %swap3A_74, %swap3A_75], %swap3A_78 {strides = array<i32>} : memref<1x16000x128xf32, #tpu.memory_space<vmem>>, vector<1x1000x128xf32>,
    %slice3A_79 = vector.extract_strided_slice %mul3A_29 {offsets = [0, 384], sizes = [1000, 128], strides = [1, 1]} : vector<1000x1024xf32> to vector<1000x128xf32>
    %get3A_80 = arith.constant 0 : index
    %get3A_81 = arith.constant 0 : index
    %get3A_82 = vector.load %arg7[%get3A_80, %get3A_81] : memref<128x128xf32, #tpu.memory_space<vmem>>, vector<128x128xf32>
    %dot_general3A_83 = arith.constant dense<0.000000e+00> : vector<1000x128xf32>
    %dot_general3A_84 = tpu.matmul %slice3A_79, %get3A_82, %dot_general3A_83 {dimension_numbers = #tpu.dot_dimension_numbers<[1], [0], [0], [1], [0, 0, 1, 1], [], []>, transpose_lhs_hint = false} : vector<1000x128xf32>, vector<128x128xf32>, vector<1000x128xf32> -> vector<1000x128xf32>
    %get3A_85 = arith.constant 0 : index
    %get3A_86 = arith.constant 0 : index
    %get3A_87 = vector.load %arg8[%get3A_85, %get3A_86] : memref<1x128xf32, #tpu.memory_space<vmem>>, vector<1x128xf32>
    %add3A_88 = vector.broadcast %get3A_87 : vector<1x128xf32> to vector<1000x128xf32>
    %add3A_89 = arith.addf %dot_general3A_84, %add3A_88 : vector<1000x128xf32>
    %swap3A_90 = arith.constant 0 : index
    %swap3A_91 = arith.constant 3000 : index
    %swap3A_92 = arith.constant 0 : index
    %swap3A_93 = vector.load %arg9[%swap3A_90, %swap3A_91, %swap3A_92] : memref<1x16000x128xf32, #tpu.memory_space<vmem>>, vector<1x1000x128xf32>
    %swap3A_94 = vector.shape_cast %swap3A_93 : vector<1x1000x128xf32> to vector<1000x128xf32>
    %swap3A_95 = vector.shape_cast %add3A_89 : vector<1000x128xf32> to vector<1x1000x128xf32>
    tpu.vector_store %arg9[%swap3A_90, %swap3A_91, %swap3A_92], %swap3A_95 {strides = array<i32>} : memref<1x16000x128xf32, #tpu.memory_space<vmem>>, vector<1x1000x128xf32>,
    %slice3A_96 = vector.extract_strided_slice %mul3A_29 {offsets = [0, 512], sizes = [1000, 128], strides = [1, 1]} : vector<1000x1024xf32> to vector<1000x128xf32>
    %get3A_97 = arith.constant 0 : index
    %get3A_98 = arith.constant 0 : index
    %get3A_99 = vector.load %arg7[%get3A_97, %get3A_98] : memref<128x128xf32, #tpu.memory_space<vmem>>, vector<128x128xf32>
    %dot_general3A_100 = arith.constant dense<0.000000e+00> : vector<1000x128xf32>
    %dot_general3A_101 = tpu.matmul %slice3A_96, %get3A_99, %dot_general3A_100 {dimension_numbers = #tpu.dot_dimension_numbers<[1], [0], [0], [1], [0, 0, 1, 1], [], []>, transpose_lhs_hint = false} : vector<1000x128xf32>, vector<128x128xf32>, vector<1000x128xf32> -> vector<1000x128xf32>
    %get3A_102 = arith.constant 0 : index
    %get3A_103 = arith.constant 0 : index
    %get3A_104 = vector.load %arg8[%get3A_102, %get3A_103] : memref<1x128xf32, #tpu.memory_space<vmem>>, vector<1x128xf32>
    %add3A_105 = vector.broadcast %get3A_104 : vector<1x128xf32> to vector<1000x128xf32>
    %add3A_106 = arith.addf %dot_general3A_101, %add3A_105 : vector<1000x128xf32>
    %swap3A_107 = arith.constant 0 : index
    %swap3A_108 = arith.constant 4000 : index
    %swap3A_109 = arith.constant 0 : index
    %swap3A_110 = vector.load %arg9[%swap3A_107, %swap3A_108, %swap3A_109] : memref<1x16000x128xf32, #tpu.memory_space<vmem>>, vector<1x1000x128xf32>
    %swap3A_111 = vector.shape_cast %swap3A_110 : vector<1x1000x128xf32> to vector<1000x128xf32>
    %swap3A_112 = vector.shape_cast %add3A_106 : vector<1000x128xf32> to vector<1x1000x128xf32>
    tpu.vector_store %arg9[%swap3A_107, %swap3A_108, %swap3A_109], %swap3A_112 {strides = array<i32>} : memref<1x16000x128xf32, #tpu.memory_space<vmem>>, vector<1x1000x128xf32>,
    %slice3A_113 = vector.extract_strided_slice %mul3A_29 {offsets = [0, 640], sizes = [1000, 128], strides = [1, 1]} : vector<1000x1024xf32> to vector<1000x128xf32>
    %get3A_114 = arith.constant 0 : index
    %get3A_115 = arith.constant 0 : index
    %get3A_116 = vector.load %arg7[%get3A_114, %get3A_115] : memref<128x128xf32, #tpu.memory_space<vmem>>, vector<128x128xf32>
    %dot_general3A_117 = arith.constant dense<0.000000e+00> : vector<1000x128xf32>
    %dot_general3A_118 = tpu.matmul %slice3A_113, %get3A_116, %dot_general3A_117 {dimension_numbers = #tpu.dot_dimension_numbers<[1], [0], [0], [1], [0, 0, 1, 1], [], []>, transpose_lhs_hint = false} : vector<1000x128xf32>, vector<128x128xf32>, vector<1000x128xf32> -> vector<1000x128xf32>
    %get3A_119 = arith.constant 0 : index
    %get3A_120 = arith.constant 0 : index
    %get3A_121 = vector.load %arg8[%get3A_119, %get3A_120] : memref<1x128xf32, #tpu.memory_space<vmem>>, vector<1x128xf32>
    %add3A_122 = vector.broadcast %get3A_121 : vector<1x128xf32> to vector<1000x128xf32>
    %add3A_123 = arith.addf %dot_general3A_118, %add3A_122 : vector<1000x128xf32>
    %swap3A_124 = arith.constant 0 : index
    %swap3A_125 = arith.constant 5000 : index
    %swap3A_126 = arith.constant 0 : index
    %swap3A_127 = vector.load %arg9[%swap3A_124, %swap3A_125, %swap3A_126] : memref<1x16000x128xf32, #tpu.memory_space<vmem>>, vector<1x1000x128xf32>
    %swap3A_128 = vector.shape_cast %swap3A_127 : vector<1x1000x128xf32> to vector<1000x128xf32>
    %swap3A_129 = vector.shape_cast %add3A_123 : vector<1000x128xf32> to vector<1x1000x128xf32>
    tpu.vector_store %arg9[%swap3A_124, %swap3A_125, %swap3A_126], %swap3A_129 {strides = array<i32>} : memref<1x16000x128xf32, #tpu.memory_space<vmem>>, vector<1x1000x128xf32>,
    %slice3A_130 = vector.extract_strided_slice %mul3A_29 {offsets = [0, 768], sizes = [1000, 128], strides = [1, 1]} : vector<1000x1024xf32> to vector<1000x128xf32>
    %get3A_131 = arith.constant 0 : index
    %get3A_132 = arith.constant 0 : index
    %get3A_133 = vector.load %arg7[%get3A_131, %get3A_132] : memref<128x128xf32, #tpu.memory_space<vmem>>, vector<128x128xf32>
    %dot_general3A_134 = arith.constant dense<0.000000e+00> : vector<1000x128xf32>
    %dot_general3A_135 = tpu.matmul %slice3A_130, %get3A_133, %dot_general3A_134 {dimension_numbers = #tpu.dot_dimension_numbers<[1], [0], [0], [1], [0, 0, 1, 1], [], []>, transpose_lhs_hint = false} : vector<1000x128xf32>, vector<128x128xf32>, vector<1000x128xf32> -> vector<1000x128xf32>
    %get3A_136 = arith.constant 0 : index
    %get3A_137 = arith.constant 0 : index
    %get3A_138 = vector.load %arg8[%get3A_136, %get3A_137] : memref<1x128xf32, #tpu.memory_space<vmem>>, vector<1x128xf32>
    %add3A_139 = vector.broadcast %get3A_138 : vector<1x128xf32> to vector<1000x128xf32>
    %add3A_140 = arith.addf %dot_general3A_135, %add3A_139 : vector<1000x128xf32>
    %swap3A_141 = arith.constant 0 : index
    %swap3A_142 = arith.constant 6000 : index
    %swap3A_143 = arith.constant 0 : index
    %swap3A_144 = vector.load %arg9[%swap3A_141, %swap3A_142, %swap3A_143] : memref<1x16000x128xf32, #tpu.memory_space<vmem>>, vector<1x1000x128xf32>
    %swap3A_145 = vector.shape_cast %swap3A_144 : vector<1x1000x128xf32> to vector<1000x128xf32>
    %swap3A_146 = vector.shape_cast %add3A_140 : vector<1000x128xf32> to vector<1x1000x128xf32>
    tpu.vector_store %arg9[%swap3A_141, %swap3A_142, %swap3A_143], %swap3A_146 {strides = array<i32>} : memref<1x16000x128xf32, #tpu.memory_space<vmem>>, vector<1x1000x128xf32>,
    %slice3A_147 = vector.extract_strided_slice %mul3A_29 {offsets = [0, 896], sizes = [1000, 128], strides = [1, 1]} : vector<1000x1024xf32> to vector<1000x128xf32>
    %get3A_148 = arith.constant 0 : index
    %get3A_149 = arith.constant 0 : index
    %get3A_150 = vector.load %arg7[%get3A_148, %get3A_149] : memref<128x128xf32, #tpu.memory_space<vmem>>, vector<128x128xf32>
    %dot_general3A_151 = arith.constant dense<0.000000e+00> : vector<1000x128xf32>
    %dot_general3A_152 = tpu.matmul %slice3A_147, %get3A_150, %dot_general3A_151 {dimension_numbers = #tpu.dot_dimension_numbers<[1], [0], [0], [1], [0, 0, 1, 1], [], []>, transpose_lhs_hint = false} : vector<1000x128xf32>, vector<128x128xf32>, vector<1000x128xf32> -> vector<1000x128xf32>
    %get3A_153 = arith.constant 0 : index
    %get3A_154 = arith.constant 0 : index
    %get3A_155 = vector.load %arg8[%get3A_153, %get3A_154] : memref<1x128xf32, #tpu.memory_space<vmem>>, vector<1x128xf32>
    %add3A_156 = vector.broadcast %get3A_155 : vector<1x128xf32> to vector<1000x128xf32>
    %add3A_157 = arith.addf %dot_general3A_152, %add3A_156 : vector<1000x128xf32>
    %swap3A_158 = arith.constant 0 : index
    %swap3A_159 = arith.constant 7000 : index
    %swap3A_160 = arith.constant 0 : index
    %swap3A_161 = vector.load %arg9[%swap3A_158, %swap3A_159, %swap3A_160] : memref<1x16000x128xf32, #tpu.memory_space<vmem>>, vector<1x1000x128xf32>
    %swap3A_162 = vector.shape_cast %swap3A_161 : vector<1x1000x128xf32> to vector<1000x128xf32>
    %swap3A_163 = vector.shape_cast %add3A_157 : vector<1000x128xf32> to vector<1x1000x128xf32>
    tpu.vector_store %arg9[%swap3A_158, %swap3A_159, %swap3A_160], %swap3A_163 {strides = array<i32>} : memref<1x16000x128xf32, #tpu.memory_space<vmem>>, vector<1x1000x128xf32>,
    %get3A_164 = arith.constant 0 : index
    %get3A_165 = arith.constant 1024 : index
    %get3A_166 = vector.load %arg4[%get3A_164, %get3A_165] : memref<128x2048xf32, #tpu.memory_space<vmem>>, vector<128x1024xf32>
    %dot_general3A_167 = arith.constant dense<0.000000e+00> : vector<1000x1024xf32>
    %dot_general3A_168 = tpu.matmul %sub3A, %get3A_166, %dot_general3A_167 {dimension_numbers = #tpu.dot_dimension_numbers<[1], [0], [0], [1], [0, 0, 1, 1], [], []>, transpose_lhs_hint = false} : vector<1000x128xf32>, vector<128x1024xf32>, vector<1000x1024xf32> -> vector<1000x1024xf32>
    %get3A_169 = arith.constant 0 : index
    %get3A_170 = arith.constant 1024 : index
    %get3A_171 = vector.load %arg5[%get3A_169, %get3A_170] : memref<128x2048xf32, #tpu.memory_space<vmem>>, vector<128x1024xf32>
    %dot_general3A_172 = arith.constant dense<0.000000e+00> : vector<1000x1024xf32>
    %dot_general3A_173 = tpu.matmul %sqrt3A, %get3A_171, %dot_general3A_172 {dimension_numbers = #tpu.dot_dimension_numbers<[1], [0], [0], [1], [0, 0, 1, 1], [], []>, transpose_lhs_hint = false} : vector<1000x128xf32>, vector<128x1024xf32>, vector<1000x1024xf32> -> vector<1000x1024xf32>
    %add3A_174 = arith.addf %dot_general3A_168, %dot_general3A_173 : vector<1000x1024xf32>
    %get3A_175 = arith.constant 0 : index
    %get3A_176 = arith.constant 1024 : index
    %get3A_177 = vector.load %arg6[%get3A_175, %get3A_176] : memref<1x2048xf32, #tpu.memory_space<vmem>>, vector<1x1024xf32>
    %add3A_178 = vector.broadcast %get3A_177 : vector<1x1024xf32> to vector<1000x1024xf32>
    %add3A_179 = arith.addf %add3A_174, %add3A_178 : vector<1000x1024xf32>
    %logistic3A_180 = arith.negf %add3A_179 : vector<1000x1024xf32>
    %logistic3A_181 = math.exp %logistic3A_180 : vector<1000x1024xf32>
    %logistic3A_182 = arith.constant 1.000000e+00 : f32
    %logistic3A_183 = vector.broadcast %logistic3A_182 : f32 to vector<1000x1024xf32>
    %logistic3A_184 = arith.addf %logistic3A_183, %logistic3A_181 : vector<1000x1024xf32>
    %logistic3A_185 = arith.divf %logistic3A_183, %logistic3A_184 : vector<1000x1024xf32>
    %mul3A_186 = arith.mulf %add3A_179, %logistic3A_185 : vector<1000x1024xf32>
    %slice3A_187 = vector.extract_strided_slice %mul3A_186 {offsets = [0, 0], sizes = [1000, 128], strides = [1, 1]} : vector<1000x1024xf32> to vector<1000x128xf32>
    %get3A_188 = arith.constant 0 : index
    %get3A_189 = arith.constant 0 : index
    %get3A_190 = vector.load %arg7[%get3A_188, %get3A_189] : memref<128x128xf32, #tpu.memory_space<vmem>>, vector<128x128xf32>
    %dot_general3A_191 = arith.constant dense<0.000000e+00> : vector<1000x128xf32>
    %dot_general3A_192 = tpu.matmul %slice3A_187, %get3A_190, %dot_general3A_191 {dimension_numbers = #tpu.dot_dimension_numbers<[1], [0], [0], [1], [0, 0, 1, 1], [], []>, transpose_lhs_hint = false} : vector<1000x128xf32>, vector<128x128xf32>, vector<1000x128xf32> -> vector<1000x128xf32>
    %get3A_193 = arith.constant 0 : index
    %get3A_194 = arith.constant 0 : index
    %get3A_195 = vector.load %arg8[%get3A_193, %get3A_194] : memref<1x128xf32, #tpu.memory_space<vmem>>, vector<1x128xf32>
    %add3A_196 = vector.broadcast %get3A_195 : vector<1x128xf32> to vector<1000x128xf32>
    %add3A_197 = arith.addf %dot_general3A_192, %add3A_196 : vector<1000x128xf32>
    %swap3A_198 = arith.constant 0 : index
    %swap3A_199 = arith.constant 8000 : index
    %swap3A_200 = arith.constant 0 : index
    %swap3A_201 = vector.load %arg9[%swap3A_198, %swap3A_199, %swap3A_200] : memref<1x16000x128xf32, #tpu.memory_space<vmem>>, vector<1x1000x128xf32>
    %swap3A_202 = vector.shape_cast %swap3A_201 : vector<1x1000x128xf32> to vector<1000x128xf32>
    %swap3A_203 = vector.shape_cast %add3A_197 : vector<1000x128xf32> to vector<1x1000x128xf32>
    tpu.vector_store %arg9[%swap3A_198, %swap3A_199, %swap3A_200], %swap3A_203 {strides = array<i32>} : memref<1x16000x128xf32, #tpu.memory_space<vmem>>, vector<1x1000x128xf32>,
    %slice3A_204 = vector.extract_strided_slice %mul3A_186 {offsets = [0, 128], sizes = [1000, 128], strides = [1, 1]} : vector<1000x1024xf32> to vector<1000x128xf32>
    %get3A_205 = arith.constant 0 : index
    %get3A_206 = arith.constant 0 : index
    %get3A_207 = vector.load %arg7[%get3A_205, %get3A_206] : memref<128x128xf32, #tpu.memory_space<vmem>>, vector<128x128xf32>
    %dot_general3A_208 = arith.constant dense<0.000000e+00> : vector<1000x128xf32>
    %dot_general3A_209 = tpu.matmul %slice3A_204, %get3A_207, %dot_general3A_208 {dimension_numbers = #tpu.dot_dimension_numbers<[1], [0], [0], [1], [0, 0, 1, 1], [], []>, transpose_lhs_hint = false} : vector<1000x128xf32>, vector<128x128xf32>, vector<1000x128xf32> -> vector<1000x128xf32>
    %get3A_210 = arith.constant 0 : index
    %get3A_211 = arith.constant 0 : index
    %get3A_212 = vector.load %arg8[%get3A_210, %get3A_211] : memref<1x128xf32, #tpu.memory_space<vmem>>, vector<1x128xf32>
    %add3A_213 = vector.broadcast %get3A_212 : vector<1x128xf32> to vector<1000x128xf32>
    %add3A_214 = arith.addf %dot_general3A_209, %add3A_213 : vector<1000x128xf32>
    %swap3A_215 = arith.constant 0 : index
    %swap3A_216 = arith.constant 9000 : index
    %swap3A_217 = arith.constant 0 : index
    %swap3A_218 = vector.load %arg9[%swap3A_215, %swap3A_216, %swap3A_217] : memref<1x16000x128xf32, #tpu.memory_space<vmem>>, vector<1x1000x128xf32>
    %swap3A_219 = vector.shape_cast %swap3A_218 : vector<1x1000x128xf32> to vector<1000x128xf32>
    %swap3A_220 = vector.shape_cast %add3A_214 : vector<1000x128xf32> to vector<1x1000x128xf32>
    tpu.vector_store %arg9[%swap3A_215, %swap3A_216, %swap3A_217], %swap3A_220 {strides = array<i32>} : memref<1x16000x128xf32, #tpu.memory_space<vmem>>, vector<1x1000x128xf32>,
    %slice3A_221 = vector.extract_strided_slice %mul3A_186 {offsets = [0, 256], sizes = [1000, 128], strides = [1, 1]} : vector<1000x1024xf32> to vector<1000x128xf32>
    %get3A_222 = arith.constant 0 : index
    %get3A_223 = arith.constant 0 : index
    %get3A_224 = vector.load %arg7[%get3A_222, %get3A_223] : memref<128x128xf32, #tpu.memory_space<vmem>>, vector<128x128xf32>
    %dot_general3A_225 = arith.constant dense<0.000000e+00> : vector<1000x128xf32>
    %dot_general3A_226 = tpu.matmul %slice3A_221, %get3A_224, %dot_general3A_225 {dimension_numbers = #tpu.dot_dimension_numbers<[1], [0], [0], [1], [0, 0, 1, 1], [], []>, transpose_lhs_hint = false} : vector<1000x128xf32>, vector<128x128xf32>, vector<1000x128xf32> -> vector<1000x128xf32>
    %get3A_227 = arith.constant 0 : index
    %get3A_228 = arith.constant 0 : index
    %get3A_229 = vector.load %arg8[%get3A_227, %get3A_228] : memref<1x128xf32, #tpu.memory_space<vmem>>, vector<1x128xf32>
    %add3A_230 = vector.broadcast %get3A_229 : vector<1x128xf32> to vector<1000x128xf32>
    %add3A_231 = arith.addf %dot_general3A_226, %add3A_230 : vector<1000x128xf32>
    %swap3A_232 = arith.constant 0 : index
    %swap3A_233 = arith.constant 10000 : index
    %swap3A_234 = arith.constant 0 : index
    %swap3A_235 = vector.load %arg9[%swap3A_232, %swap3A_233, %swap3A_234] : memref<1x16000x128xf32, #tpu.memory_space<vmem>>, vector<1x1000x128xf32>
    %swap3A_236 = vector.shape_cast %swap3A_235 : vector<1x1000x128xf32> to vector<1000x128xf32>
    %swap3A_237 = vector.shape_cast %add3A_231 : vector<1000x128xf32> to vector<1x1000x128xf32>
    tpu.vector_store %arg9[%swap3A_232, %swap3A_233, %swap3A_234], %swap3A_237 {strides = array<i32>} : memref<1x16000x128xf32, #tpu.memory_space<vmem>>, vector<1x1000x128xf32>,
    %slice3A_238 = vector.extract_strided_slice %mul3A_186 {offsets = [0, 384], sizes = [1000, 128], strides = [1, 1]} : vector<1000x1024xf32> to vector<1000x128xf32>
    %get3A_239 = arith.constant 0 : index
    %get3A_240 = arith.constant 0 : index
    %get3A_241 = vector.load %arg7[%get3A_239, %get3A_240] : memref<128x128xf32, #tpu.memory_space<vmem>>, vector<128x128xf32>
    %dot_general3A_242 = arith.constant dense<0.000000e+00> : vector<1000x128xf32>
    %dot_general3A_243 = tpu.matmul %slice3A_238, %get3A_241, %dot_general3A_242 {dimension_numbers = #tpu.dot_dimension_numbers<[1], [0], [0], [1], [0, 0, 1, 1], [], []>, transpose_lhs_hint = false} : vector<1000x128xf32>, vector<128x128xf32>, vector<1000x128xf32> -> vector<1000x128xf32>
    %get3A_244 = arith.constant 0 : index
    %get3A_245 = arith.constant 0 : index
    %get3A_246 = vector.load %arg8[%get3A_244, %get3A_245] : memref<1x128xf32, #tpu.memory_space<vmem>>, vector<1x128xf32>
    %add3A_247 = vector.broadcast %get3A_246 : vector<1x128xf32> to vector<1000x128xf32>
    %add3A_248 = arith.addf %dot_general3A_243, %add3A_247 : vector<1000x128xf32>
    %swap3A_249 = arith.constant 0 : index
    %swap3A_250 = arith.constant 11000 : index
    %swap3A_251 = arith.constant 0 : index
    %swap3A_252 = vector.load %arg9[%swap3A_249, %swap3A_250, %swap3A_251] : memref<1x16000x128xf32, #tpu.memory_space<vmem>>, vector<1x1000x128xf32>
    %swap3A_253 = vector.shape_cast %swap3A_252 : vector<1x1000x128xf32> to vector<1000x128xf32>
    %swap3A_254 = vector.shape_cast %add3A_248 : vector<1000x128xf32> to vector<1x1000x128xf32>
    tpu.vector_store %arg9[%swap3A_249, %swap3A_250, %swap3A_251], %swap3A_254 {strides = array<i32>} : memref<1x16000x128xf32, #tpu.memory_space<vmem>>, vector<1x1000x128xf32>,
    %slice3A_255 = vector.extract_strided_slice %mul3A_186 {offsets = [0, 512], sizes = [1000, 128], strides = [1, 1]} : vector<1000x1024xf32> to vector<1000x128xf32>
    %get3A_256 = arith.constant 0 : index
    %get3A_257 = arith.constant 0 : index
    %get3A_258 = vector.load %arg7[%get3A_256, %get3A_257] : memref<128x128xf32, #tpu.memory_space<vmem>>, vector<128x128xf32>
    %dot_general3A_259 = arith.constant dense<0.000000e+00> : vector<1000x128xf32>
    %dot_general3A_260 = tpu.matmul %slice3A_255, %get3A_258, %dot_general3A_259 {dimension_numbers = #tpu.dot_dimension_numbers<[1], [0], [0], [1], [0, 0, 1, 1], [], []>, transpose_lhs_hint = false} : vector<1000x128xf32>, vector<128x128xf32>, vector<1000x128xf32> -> vector<1000x128xf32>
    %get3A_261 = arith.constant 0 : index
    %get3A_262 = arith.constant 0 : index
    %get3A_263 = vector.load %arg8[%get3A_261, %get3A_262] : memref<1x128xf32, #tpu.memory_space<vmem>>, vector<1x128xf32>
    %add3A_264 = vector.broadcast %get3A_263 : vector<1x128xf32> to vector<1000x128xf32>
    %add3A_265 = arith.addf %dot_general3A_260, %add3A_264 : vector<1000x128xf32>
    %swap3A_266 = arith.constant 0 : index
    %swap3A_267 = arith.constant 12000 : index
    %swap3A_268 = arith.constant 0 : index
    %swap3A_269 = vector.load %arg9[%swap3A_266, %swap3A_267, %swap3A_268] : memref<1x16000x128xf32, #tpu.memory_space<vmem>>, vector<1x1000x128xf32>
    %swap3A_270 = vector.shape_cast %swap3A_269 : vector<1x1000x128xf32> to vector<1000x128xf32>
    %swap3A_271 = vector.shape_cast %add3A_265 : vector<1000x128xf32> to vector<1x1000x128xf32>
    tpu.vector_store %arg9[%swap3A_266, %swap3A_267, %swap3A_268], %swap3A_271 {strides = array<i32>} : memref<1x16000x128xf32, #tpu.memory_space<vmem>>, vector<1x1000x128xf32>,
    %slice3A_272 = vector.extract_strided_slice %mul3A_186 {offsets = [0, 640], sizes = [1000, 128], strides = [1, 1]} : vector<1000x1024xf32> to vector<1000x128xf32>
    %get3A_273 = arith.constant 0 : index
    %get3A_274 = arith.constant 0 : index
    %get3A_275 = vector.load %arg7[%get3A_273, %get3A_274] : memref<128x128xf32, #tpu.memory_space<vmem>>, vector<128x128xf32>
    %dot_general3A_276 = arith.constant dense<0.000000e+00> : vector<1000x128xf32>
    %dot_general3A_277 = tpu.matmul %slice3A_272, %get3A_275, %dot_general3A_276 {dimension_numbers = #tpu.dot_dimension_numbers<[1], [0], [0], [1], [0, 0, 1, 1], [], []>, transpose_lhs_hint = false} : vector<1000x128xf32>, vector<128x128xf32>, vector<1000x128xf32> -> vector<1000x128xf32>
    %get3A_278 = arith.constant 0 : index
    %get3A_279 = arith.constant 0 : index
    %get3A_280 = vector.load %arg8[%get3A_278, %get3A_279] : memref<1x128xf32, #tpu.memory_space<vmem>>, vector<1x128xf32>
    %add3A_281 = vector.broadcast %get3A_280 : vector<1x128xf32> to vector<1000x128xf32>
    %add3A_282 = arith.addf %dot_general3A_277, %add3A_281 : vector<1000x128xf32>
    %swap3A_283 = arith.constant 0 : index
    %swap3A_284 = arith.constant 13000 : index
    %swap3A_285 = arith.constant 0 : index
    %swap3A_286 = vector.load %arg9[%swap3A_283, %swap3A_284, %swap3A_285] : memref<1x16000x128xf32, #tpu.memory_space<vmem>>, vector<1x1000x128xf32>
    %swap3A_287 = vector.shape_cast %swap3A_286 : vector<1x1000x128xf32> to vector<1000x128xf32>
    %swap3A_288 = vector.shape_cast %add3A_282 : vector<1000x128xf32> to vector<1x1000x128xf32>
    tpu.vector_store %arg9[%swap3A_283, %swap3A_284, %swap3A_285], %swap3A_288 {strides = array<i32>} : memref<1x16000x128xf32, #tpu.memory_space<vmem>>, vector<1x1000x128xf32>,
    %slice3A_289 = vector.extract_strided_slice %mul3A_186 {offsets = [0, 768], sizes = [1000, 128], strides = [1, 1]} : vector<1000x1024xf32> to vector<1000x128xf32>
    %get3A_290 = arith.constant 0 : index
    %get3A_291 = arith.constant 0 : index
    %get3A_292 = vector.load %arg7[%get3A_290, %get3A_291] : memref<128x128xf32, #tpu.memory_space<vmem>>, vector<128x128xf32>
    %dot_general3A_293 = arith.constant dense<0.000000e+00> : vector<1000x128xf32>
    %dot_general3A_294 = tpu.matmul %slice3A_289, %get3A_292, %dot_general3A_293 {dimension_numbers = #tpu.dot_dimension_numbers<[1], [0], [0], [1], [0, 0, 1, 1], [], []>, transpose_lhs_hint = false} : vector<1000x128xf32>, vector<128x128xf32>, vector<1000x128xf32> -> vector<1000x128xf32>
    %get3A_295 = arith.constant 0 : index
    %get3A_296 = arith.constant 0 : index
    %get3A_297 = vector.load %arg8[%get3A_295, %get3A_296] : memref<1x128xf32, #tpu.memory_space<vmem>>, vector<1x128xf32>
    %add3A_298 = vector.broadcast %get3A_297 : vector<1x128xf32> to vector<1000x128xf32>
    %add3A_299 = arith.addf %dot_general3A_294, %add3A_298 : vector<1000x128xf32>
    %swap3A_300 = arith.constant 0 : index
    %swap3A_301 = arith.constant 14000 : index
    %swap3A_302 = arith.constant 0 : index
    %swap3A_303 = vector.load %arg9[%swap3A_300, %swap3A_301, %swap3A_302] : memref<1x16000x128xf32, #tpu.memory_space<vmem>>, vector<1x1000x128xf32>
    %swap3A_304 = vector.shape_cast %swap3A_303 : vector<1x1000x128xf32> to vector<1000x128xf32>
    %swap3A_305 = vector.shape_cast %add3A_299 : vector<1000x128xf32> to vector<1x1000x128xf32>
    tpu.vector_store %arg9[%swap3A_300, %swap3A_301, %swap3A_302], %swap3A_305 {strides = array<i32>} : memref<1x16000x128xf32, #tpu.memory_space<vmem>>, vector<1x1000x128xf32>,
    %slice3A_306 = vector.extract_strided_slice %mul3A_186 {offsets = [0, 896], sizes = [1000, 128], strides = [1, 1]} : vector<1000x1024xf32> to vector<1000x128xf32>
    %get3A_307 = arith.constant 0 : index
    %get3A_308 = arith.constant 0 : index
    %get3A_309 = vector.load %arg7[%get3A_307, %get3A_308] : memref<128x128xf32, #tpu.memory_space<vmem>>, vector<128x128xf32>
    %dot_general3A_310 = arith.constant dense<0.000000e+00> : vector<1000x128xf32>
    %dot_general3A_311 = tpu.matmul %slice3A_306, %get3A_309, %dot_general3A_310 {dimension_numbers = #tpu.dot_dimension_numbers<[1], [0], [0], [1], [0, 0, 1, 1], [], []>, transpose_lhs_hint = false} : vector<1000x128xf32>, vector<128x128xf32>, vector<1000x128xf32> -> vector<1000x128xf32>
    %get3A_312 = arith.constant 0 : index
    %get3A_313 = arith.constant 0 : index
    %get3A_314 = vector.load %arg8[%get3A_312, %get3A_313] : memref<1x128xf32, #tpu.memory_space<vmem>>, vector<1x128xf32>
    %add3A_315 = vector.broadcast %get3A_314 : vector<1x128xf32> to vector<1000x128xf32>
    %add3A_316 = arith.addf %dot_general3A_311, %add3A_315 : vector<1000x128xf32>
    %swap3A_317 = arith.constant 0 : index
    %swap3A_318 = arith.constant 15000 : index
    %swap3A_319 = arith.constant 0 : index
    %swap3A_320 = vector.load %arg9[%swap3A_317, %swap3A_318, %swap3A_319] : memref<1x16000x128xf32, #tpu.memory_space<vmem>>, vector<1x1000x128xf32>
    %swap3A_321 = vector.shape_cast %swap3A_320 : vector<1x1000x128xf32> to vector<1000x128xf32>
    %swap3A_322 = vector.shape_cast %add3A_316 : vector<1000x128xf32> to vector<1x1000x128xf32>
    tpu.vector_store %arg9[%swap3A_317, %swap3A_318, %swap3A_319], %swap3A_322 {strides = array<i32>} : memref<1x16000x128xf32, #tpu.memory_space<vmem>>, vector<1x1000x128xf32>,
    return
  }
  func.func @transform_0(%arg0: i32) -> (i32, i32) {
    %c0_i32 = arith.constant 0 : i32
    %c0_i32_0 = arith.constant 0 : i32
    return %arg0, %c0_i32 : i32, i32
  }
  func.func @transform_1(%arg0: i32) -> (i32, i32) {
    %c0_i32 = arith.constant 0 : i32
    %c0_i32_0 = arith.constant 0 : i32
    return %arg0, %c0_i32 : i32, i32
  }
  func.func @transform_2(%arg0: i32) -> (i32, i32) {
    %c0_i32 = arith.constant 0 : i32
    %c0_i32_0 = arith.constant 0 : i32
    %c0_i32_1 = arith.constant 0 : i32
    return %c0_i32, %c0_i32_0 : i32, i32
  }
  func.func @transform_3(%arg0: i32) -> (i32, i32) {
    %c0_i32 = arith.constant 0 : i32
    %c0_i32_0 = arith.constant 0 : i32
    %c0_i32_1 = arith.constant 0 : i32
    return %c0_i32, %c0_i32_0 : i32, i32
  }
  func.func @transform_4(%arg0: i32) -> (i32, i32) {
    %c0_i32 = arith.constant 0 : i32
    %c0_i32_0 = arith.constant 0 : i32
    %c0_i32_1 = arith.constant 0 : i32
    return %c0_i32, %c0_i32_0 : i32, i32
  }
  func.func @transform_5(%arg0: i32) -> (i32, i32) {
    %c0_i32 = arith.constant 0 : i32
    %c0_i32_0 = arith.constant 0 : i32
    %c0_i32_1 = arith.constant 0 : i32
    return %c0_i32, %c0_i32_0 : i32, i32
  }
  func.func @transform_6(%arg0: i32) -> (i32, i32) {
    %c0_i32 = arith.constant 0 : i32
    %c0_i32_0 = arith.constant 0 : i32
    %c0_i32_1 = arith.constant 0 : i32
    return %c0_i32, %c0_i32_0 : i32, i32
  }
  func.func @transform_7(%arg0: i32) -> (i32, i32) {
    %c0_i32 = arith.constant 0 : i32
    %c0_i32_0 = arith.constant 0 : i32
    %c0_i32_1 = arith.constant 0 : i32
    return %c0_i32, %c0_i32_0 : i32, i32
  }
  func.func @transform_8(%arg0: i32) -> (i32, i32, i32) {
    %add3A = arith.constant 0 : i32
    %add3A_0 = arith.addi %arg0, %add3A : i32
    %c0_i32 = arith.constant 0 : i32
    %c0_i32_1 = arith.constant 0 : i32
    %c0_i32_2 = arith.constant 0 : i32
    return %c0_i32, %add3A_0, %c0_i32_1 : i32, i32, i32
  }
}

module attributes {stable_mosaic.version = 14 : i64} {
  func.func @body(%arg0: i32, %arg1: memref<1000x128xf32, #tpu.memory_space<vmem>>, %arg2: memref<1000x128xf32, #tpu.memory_space<vmem>>, %arg3: memref<128x128xf32, #tpu.memory_space<vmem>>, %arg4: memref<128x2048xf32, #tpu.memory_space<vmem>>, %arg5: memref<128x2048xf32, #tpu.memory_space<vmem>>, %arg6: memref<1x2048xf32, #tpu.memory_space<vmem>>, %arg7: memref<128x128xf32, #tpu.memory_space<vmem>>, %arg8: memref<1x128xf32, #tpu.memory_space<vmem>>, %arg9: memref<1x800000x128xf32, #tpu.memory_space<any>>, %arg10: memref<1x16000x128xf32, #tpu.memory_space<vmem>>) attributes {dimension_semantics = [#tpu.dimension_semantics<arbitrary>], iteration_bounds = array<i64: 24>, scalar_prefetch = 0 : i64, scratch_operands = 0 : i64, tpu.core_type = #tpu.core_type<tc>, window_params = [{transform_indices = @transform_0, window_bounds = array<i64: 1000, 128>}, {transform_indices = @transform_1, window_bounds = array<i64: 1000, 128>}, {pipeline_mode = #tpu.pipeline_mode<synchronous>, transform_indices = @transform_2, window_bounds = array<i64: 128, 128>}, {pipeline_mode = #tpu.pipeline_mode<synchronous>, transform_indices = @transform_3, window_bounds = array<i64: 128, 2048>}, {pipeline_mode = #tpu.pipeline_mode<synchronous>, transform_indices = @transform_4, window_bounds = array<i64: 128, 2048>}, {pipeline_mode = #tpu.pipeline_mode<synchronous>, transform_indices = @transform_5, window_bounds = array<i64: 1, 2048>}, {pipeline_mode = #tpu.pipeline_mode<synchronous>, transform_indices = @transform_6, window_bounds = array<i64: 128, 128>}, {pipeline_mode = #tpu.pipeline_mode<synchronous>, transform_indices = @transform_7, window_bounds = array<i64: 1, 128>}, {}, {transform_indices = @transform_9, window_bounds = array<i64: 1, 16000, 128>}]} {
    %get3A = arith.constant 0 : index
    %get3A_0 = arith.constant 0 : index
    %get3A_1 = vector.load %arg2[%get3A, %get3A_0] : memref<1000x128xf32, #tpu.memory_space<vmem>>, vector<1000x128xf32>
    %get3A_2 = arith.constant 0 : index
    %get3A_3 = arith.constant 0 : index
    %get3A_4 = vector.load %arg1[%get3A_2, %get3A_3] : memref<1000x128xf32, #tpu.memory_space<vmem>>, vector<1000x128xf32>
    %sub3A = arith.subf %get3A_1, %get3A_4 : vector<1000x128xf32>
    %mul3A = arith.mulf %sub3A, %sub3A : vector<1000x128xf32>
    %get3A_5 = arith.constant 0 : index
    %get3A_6 = arith.constant 0 : index
    %get3A_7 = vector.load %arg3[%get3A_5, %get3A_6] : memref<128x128xf32, #tpu.memory_space<vmem>>, vector<128x128xf32>
    %dot_general3A = arith.constant dense<0.000000e+00> : vector<1000x128xf32>
    %dot_general3A_8 = tpu.matmul %mul3A, %get3A_7, %dot_general3A {dimension_numbers = #tpu.dot_dimension_numbers<[1], [0], [0], [1], [0, 0, 1, 1], [], []>, transpose_lhs_hint = false} : vector<1000x128xf32>, vector<128x128xf32>, vector<1000x128xf32> -> vector<1000x128xf32>
    %sqrt3A = math.sqrt %dot_general3A_8 : vector<1000x128xf32>
    %get3A_9 = arith.constant 0 : index
    %get3A_10 = arith.constant 0 : index
    %get3A_11 = vector.load %arg4[%get3A_9, %get3A_10] : memref<128x2048xf32, #tpu.memory_space<vmem>>, vector<128x1024xf32>
    %dot_general3A_12 = arith.constant dense<0.000000e+00> : vector<1000x1024xf32>
    %dot_general3A_13 = tpu.matmul %sub3A, %get3A_11, %dot_general3A_12 {dimension_numbers = #tpu.dot_dimension_numbers<[1], [0], [0], [1], [0, 0, 1, 1], [], []>, transpose_lhs_hint = false} : vector<1000x128xf32>, vector<128x1024xf32>, vector<1000x1024xf32> -> vector<1000x1024xf32>
    %get3A_14 = arith.constant 0 : index
    %get3A_15 = arith.constant 0 : index
    %get3A_16 = vector.load %arg5[%get3A_14, %get3A_15] : memref<128x2048xf32, #tpu.memory_space<vmem>>, vector<128x1024xf32>
    %dot_general3A_17 = arith.constant dense<0.000000e+00> : vector<1000x1024xf32>
    %dot_general3A_18 = tpu.matmul %sqrt3A, %get3A_16, %dot_general3A_17 {dimension_numbers = #tpu.dot_dimension_numbers<[1], [0], [0], [1], [0, 0, 1, 1], [], []>, transpose_lhs_hint = false} : vector<1000x128xf32>, vector<128x1024xf32>, vector<1000x1024xf32> -> vector<1000x1024xf32>
    %add3A = arith.addf %dot_general3A_13, %dot_general3A_18 : vector<1000x1024xf32>
    %get3A_19 = arith.constant 0 : index
    %get3A_20 = arith.constant 0 : index
    %get3A_21 = vector.load %arg6[%get3A_19, %get3A_20] : memref<1x2048xf32, #tpu.memory_space<vmem>>, vector<1x1024xf32>
    %add3A_22 = vector.broadcast %get3A_21 : vector<1x1024xf32> to vector<1000x1024xf32>
    %add3A_23 = arith.addf %add3A, %add3A_22 : vector<1000x1024xf32>
    %logistic3A = arith.negf %add3A_23 : vector<1000x1024xf32>
    %logistic3A_24 = math.exp %logistic3A : vector<1000x1024xf32>
    %logistic3A_25 = arith.constant 1.000000e+00 : f32
    %logistic3A_26 = vector.broadcast %logistic3A_25 : f32 to vector<1000x1024xf32>
    %logistic3A_27 = arith.addf %logistic3A_26, %logistic3A_24 : vector<1000x1024xf32>
    %logistic3A_28 = arith.divf %logistic3A_26, %logistic3A_27 : vector<1000x1024xf32>
    %mul3A_29 = arith.mulf %add3A_23, %logistic3A_28 : vector<1000x1024xf32>
    %slice3A = vector.extract_strided_slice %mul3A_29 {offsets = [0, 0], sizes = [1000, 128], strides = [1, 1]} : vector<1000x1024xf32> to vector<1000x128xf32>
    %get3A_30 = arith.constant 0 : index
    %get3A_31 = arith.constant 0 : index
    %get3A_32 = vector.load %arg7[%get3A_30, %get3A_31] : memref<128x128xf32, #tpu.memory_space<vmem>>, vector<128x128xf32>
    %dot_general3A_33 = arith.constant dense<0.000000e+00> : vector<1000x128xf32>
    %dot_general3A_34 = tpu.matmul %slice3A, %get3A_32, %dot_general3A_33 {dimension_numbers = #tpu.dot_dimension_numbers<[1], [0], [0], [1], [0, 0, 1, 1], [], []>, transpose_lhs_hint = false} : vector<1000x128xf32>, vector<128x128xf32>, vector<1000x128xf32> -> vector<1000x128xf32>
    %get3A_35 = arith.constant 0 : index
    %get3A_36 = arith.constant 0 : index
    %get3A_37 = vector.load %arg8[%get3A_35, %get3A_36] : memref<1x128xf32, #tpu.memory_space<vmem>>, vector<1x128xf32>
    %add3A_38 = vector.broadcast %get3A_37 : vector<1x128xf32> to vector<1000x128xf32>
    %add3A_39 = arith.addf %dot_general3A_34, %add3A_38 : vector<1000x128xf32>
    %swap3A = arith.constant 0 : index
    %swap3A_40 = arith.constant 0 : index
    %swap3A_41 = arith.constant 0 : index
    %swap3A_42 = vector.load %arg10[%swap3A, %swap3A_40, %swap3A_41] : memref<1x16000x128xf32, #tpu.memory_space<vmem>>, vector<1x1000x128xf32>
    %swap3A_43 = vector.shape_cast %swap3A_42 : vector<1x1000x128xf32> to vector<1000x128xf32>
    %swap3A_44 = vector.shape_cast %add3A_39 : vector<1000x128xf32> to vector<1x1000x128xf32>
    tpu.vector_store %arg10[%swap3A, %swap3A_40, %swap3A_41], %swap3A_44 {strides = array<i32>} : memref<1x16000x128xf32, #tpu.memory_space<vmem>>, vector<1x1000x128xf32>,
    %slice3A_45 = vector.extract_strided_slice %mul3A_29 {offsets = [0, 128], sizes = [1000, 128], strides = [1, 1]} : vector<1000x1024xf32> to vector<1000x128xf32>
    %get3A_46 = arith.constant 0 : index
    %get3A_47 = arith.constant 0 : index
    %get3A_48 = vector.load %arg7[%get3A_46, %get3A_47] : memref<128x128xf32, #tpu.memory_space<vmem>>, vector<128x128xf32>
    %dot_general3A_49 = arith.constant dense<0.000000e+00> : vector<1000x128xf32>
    %dot_general3A_50 = tpu.matmul %slice3A_45, %get3A_48, %dot_general3A_49 {dimension_numbers = #tpu.dot_dimension_numbers<[1], [0], [0], [1], [0, 0, 1, 1], [], []>, transpose_lhs_hint = false} : vector<1000x128xf32>, vector<128x128xf32>, vector<1000x128xf32> -> vector<1000x128xf32>
    %get3A_51 = arith.constant 0 : index
    %get3A_52 = arith.constant 0 : index
    %get3A_53 = vector.load %arg8[%get3A_51, %get3A_52] : memref<1x128xf32, #tpu.memory_space<vmem>>, vector<1x128xf32>
    %add3A_54 = vector.broadcast %get3A_53 : vector<1x128xf32> to vector<1000x128xf32>
    %add3A_55 = arith.addf %dot_general3A_50, %add3A_54 : vector<1000x128xf32>
    %swap3A_56 = arith.constant 0 : index
    %swap3A_57 = arith.constant 1000 : index
    %swap3A_58 = arith.constant 0 : index
    %swap3A_59 = vector.load %arg10[%swap3A_56, %swap3A_57, %swap3A_58] : memref<1x16000x128xf32, #tpu.memory_space<vmem>>, vector<1x1000x128xf32>
    %swap3A_60 = vector.shape_cast %swap3A_59 : vector<1x1000x128xf32> to vector<1000x128xf32>
    %swap3A_61 = vector.shape_cast %add3A_55 : vector<1000x128xf32> to vector<1x1000x128xf32>
    tpu.vector_store %arg10[%swap3A_56, %swap3A_57, %swap3A_58], %swap3A_61 {strides = array<i32>} : memref<1x16000x128xf32, #tpu.memory_space<vmem>>, vector<1x1000x128xf32>,
    %slice3A_62 = vector.extract_strided_slice %mul3A_29 {offsets = [0, 256], sizes = [1000, 128], strides = [1, 1]} : vector<1000x1024xf32> to vector<1000x128xf32>
    %get3A_63 = arith.constant 0 : index
    %get3A_64 = arith.constant 0 : index
    %get3A_65 = vector.load %arg7[%get3A_63, %get3A_64] : memref<128x128xf32, #tpu.memory_space<vmem>>, vector<128x128xf32>
    %dot_general3A_66 = arith.constant dense<0.000000e+00> : vector<1000x128xf32>
    %dot_general3A_67 = tpu.matmul %slice3A_62, %get3A_65, %dot_general3A_66 {dimension_numbers = #tpu.dot_dimension_numbers<[1], [0], [0], [1], [0, 0, 1, 1], [], []>, transpose_lhs_hint = false} : vector<1000x128xf32>, vector<128x128xf32>, vector<1000x128xf32> -> vector<1000x128xf32>
    %get3A_68 = arith.constant 0 : index
    %get3A_69 = arith.constant 0 : index
    %get3A_70 = vector.load %arg8[%get3A_68, %get3A_69] : memref<1x128xf32, #tpu.memory_space<vmem>>, vector<1x128xf32>
    %add3A_71 = vector.broadcast %get3A_70 : vector<1x128xf32> to vector<1000x128xf32>
    %add3A_72 = arith.addf %dot_general3A_67, %add3A_71 : vector<1000x128xf32>
    %swap3A_73 = arith.constant 0 : index
    %swap3A_74 = arith.constant 2000 : index
    %swap3A_75 = arith.constant 0 : index
    %swap3A_76 = vector.load %arg10[%swap3A_73, %swap3A_74, %swap3A_75] : memref<1x16000x128xf32, #tpu.memory_space<vmem>>, vector<1x1000x128xf32>
    %swap3A_77 = vector.shape_cast %swap3A_76 : vector<1x1000x128xf32> to vector<1000x128xf32>
    %swap3A_78 = vector.shape_cast %add3A_72 : vector<1000x128xf32> to vector<1x1000x128xf32>
    tpu.vector_store %arg10[%swap3A_73, %swap3A_74, %swap3A_75], %swap3A_78 {strides = array<i32>} : memref<1x16000x128xf32, #tpu.memory_space<vmem>>, vector<1x1000x128xf32>,
    %slice3A_79 = vector.extract_strided_slice %mul3A_29 {offsets = [0, 384], sizes = [1000, 128], strides = [1, 1]} : vector<1000x1024xf32> to vector<1000x128xf32>
    %get3A_80 = arith.constant 0 : index
    %get3A_81 = arith.constant 0 : index
    %get3A_82 = vector.load %arg7[%get3A_80, %get3A_81] : memref<128x128xf32, #tpu.memory_space<vmem>>, vector<128x128xf32>
    %dot_general3A_83 = arith.constant dense<0.000000e+00> : vector<1000x128xf32>
    %dot_general3A_84 = tpu.matmul %slice3A_79, %get3A_82, %dot_general3A_83 {dimension_numbers = #tpu.dot_dimension_numbers<[1], [0], [0], [1], [0, 0, 1, 1], [], []>, transpose_lhs_hint = false} : vector<1000x128xf32>, vector<128x128xf32>, vector<1000x128xf32> -> vector<1000x128xf32>
    %get3A_85 = arith.constant 0 : index
    %get3A_86 = arith.constant 0 : index
    %get3A_87 = vector.load %arg8[%get3A_85, %get3A_86] : memref<1x128xf32, #tpu.memory_space<vmem>>, vector<1x128xf32>
    %add3A_88 = vector.broadcast %get3A_87 : vector<1x128xf32> to vector<1000x128xf32>
    %add3A_89 = arith.addf %dot_general3A_84, %add3A_88 : vector<1000x128xf32>
    %swap3A_90 = arith.constant 0 : index
    %swap3A_91 = arith.constant 3000 : index
    %swap3A_92 = arith.constant 0 : index
    %swap3A_93 = vector.load %arg10[%swap3A_90, %swap3A_91, %swap3A_92] : memref<1x16000x128xf32, #tpu.memory_space<vmem>>, vector<1x1000x128xf32>
    %swap3A_94 = vector.shape_cast %swap3A_93 : vector<1x1000x128xf32> to vector<1000x128xf32>
    %swap3A_95 = vector.shape_cast %add3A_89 : vector<1000x128xf32> to vector<1x1000x128xf32>
    tpu.vector_store %arg10[%swap3A_90, %swap3A_91, %swap3A_92], %swap3A_95 {strides = array<i32>} : memref<1x16000x128xf32, #tpu.memory_space<vmem>>, vector<1x1000x128xf32>,
    %slice3A_96 = vector.extract_strided_slice %mul3A_29 {offsets = [0, 512], sizes = [1000, 128], strides = [1, 1]} : vector<1000x1024xf32> to vector<1000x128xf32>
    %get3A_97 = arith.constant 0 : index
    %get3A_98 = arith.constant 0 : index
    %get3A_99 = vector.load %arg7[%get3A_97, %get3A_98] : memref<128x128xf32, #tpu.memory_space<vmem>>, vector<128x128xf32>
    %dot_general3A_100 = arith.constant dense<0.000000e+00> : vector<1000x128xf32>
    %dot_general3A_101 = tpu.matmul %slice3A_96, %get3A_99, %dot_general3A_100 {dimension_numbers = #tpu.dot_dimension_numbers<[1], [0], [0], [1], [0, 0, 1, 1], [], []>, transpose_lhs_hint = false} : vector<1000x128xf32>, vector<128x128xf32>, vector<1000x128xf32> -> vector<1000x128xf32>
    %get3A_102 = arith.constant 0 : index
    %get3A_103 = arith.constant 0 : index
    %get3A_104 = vector.load %arg8[%get3A_102, %get3A_103] : memref<1x128xf32, #tpu.memory_space<vmem>>, vector<1x128xf32>
    %add3A_105 = vector.broadcast %get3A_104 : vector<1x128xf32> to vector<1000x128xf32>
    %add3A_106 = arith.addf %dot_general3A_101, %add3A_105 : vector<1000x128xf32>
    %swap3A_107 = arith.constant 0 : index
    %swap3A_108 = arith.constant 4000 : index
    %swap3A_109 = arith.constant 0 : index
    %swap3A_110 = vector.load %arg10[%swap3A_107, %swap3A_108, %swap3A_109] : memref<1x16000x128xf32, #tpu.memory_space<vmem>>, vector<1x1000x128xf32>
    %swap3A_111 = vector.shape_cast %swap3A_110 : vector<1x1000x128xf32> to vector<1000x128xf32>
    %swap3A_112 = vector.shape_cast %add3A_106 : vector<1000x128xf32> to vector<1x1000x128xf32>
    tpu.vector_store %arg10[%swap3A_107, %swap3A_108, %swap3A_109], %swap3A_112 {strides = array<i32>} : memref<1x16000x128xf32, #tpu.memory_space<vmem>>, vector<1x1000x128xf32>,
    %slice3A_113 = vector.extract_strided_slice %mul3A_29 {offsets = [0, 640], sizes = [1000, 128], strides = [1, 1]} : vector<1000x1024xf32> to vector<1000x128xf32>
    %get3A_114 = arith.constant 0 : index
    %get3A_115 = arith.constant 0 : index
    %get3A_116 = vector.load %arg7[%get3A_114, %get3A_115] : memref<128x128xf32, #tpu.memory_space<vmem>>, vector<128x128xf32>
    %dot_general3A_117 = arith.constant dense<0.000000e+00> : vector<1000x128xf32>
    %dot_general3A_118 = tpu.matmul %slice3A_113, %get3A_116, %dot_general3A_117 {dimension_numbers = #tpu.dot_dimension_numbers<[1], [0], [0], [1], [0, 0, 1, 1], [], []>, transpose_lhs_hint = false} : vector<1000x128xf32>, vector<128x128xf32>, vector<1000x128xf32> -> vector<1000x128xf32>
    %get3A_119 = arith.constant 0 : index
    %get3A_120 = arith.constant 0 : index
    %get3A_121 = vector.load %arg8[%get3A_119, %get3A_120] : memref<1x128xf32, #tpu.memory_space<vmem>>, vector<1x128xf32>
    %add3A_122 = vector.broadcast %get3A_121 : vector<1x128xf32> to vector<1000x128xf32>
    %add3A_123 = arith.addf %dot_general3A_118, %add3A_122 : vector<1000x128xf32>
    %swap3A_124 = arith.constant 0 : index
    %swap3A_125 = arith.constant 5000 : index
    %swap3A_126 = arith.constant 0 : index
    %swap3A_127 = vector.load %arg10[%swap3A_124, %swap3A_125, %swap3A_126] : memref<1x16000x128xf32, #tpu.memory_space<vmem>>, vector<1x1000x128xf32>
    %swap3A_128 = vector.shape_cast %swap3A_127 : vector<1x1000x128xf32> to vector<1000x128xf32>
    %swap3A_129 = vector.shape_cast %add3A_123 : vector<1000x128xf32> to vector<1x1000x128xf32>
    tpu.vector_store %arg10[%swap3A_124, %swap3A_125, %swap3A_126], %swap3A_129 {strides = array<i32>} : memref<1x16000x128xf32, #tpu.memory_space<vmem>>, vector<1x1000x128xf32>,
    %slice3A_130 = vector.extract_strided_slice %mul3A_29 {offsets = [0, 768], sizes = [1000, 128], strides = [1, 1]} : vector<1000x1024xf32> to vector<1000x128xf32>
    %get3A_131 = arith.constant 0 : index
    %get3A_132 = arith.constant 0 : index
    %get3A_133 = vector.load %arg7[%get3A_131, %get3A_132] : memref<128x128xf32, #tpu.memory_space<vmem>>, vector<128x128xf32>
    %dot_general3A_134 = arith.constant dense<0.000000e+00> : vector<1000x128xf32>
    %dot_general3A_135 = tpu.matmul %slice3A_130, %get3A_133, %dot_general3A_134 {dimension_numbers = #tpu.dot_dimension_numbers<[1], [0], [0], [1], [0, 0, 1, 1], [], []>, transpose_lhs_hint = false} : vector<1000x128xf32>, vector<128x128xf32>, vector<1000x128xf32> -> vector<1000x128xf32>
    %get3A_136 = arith.constant 0 : index
    %get3A_137 = arith.constant 0 : index
    %get3A_138 = vector.load %arg8[%get3A_136, %get3A_137] : memref<1x128xf32, #tpu.memory_space<vmem>>, vector<1x128xf32>
    %add3A_139 = vector.broadcast %get3A_138 : vector<1x128xf32> to vector<1000x128xf32>
    %add3A_140 = arith.addf %dot_general3A_135, %add3A_139 : vector<1000x128xf32>
    %swap3A_141 = arith.constant 0 : index
    %swap3A_142 = arith.constant 6000 : index
    %swap3A_143 = arith.constant 0 : index
    %swap3A_144 = vector.load %arg10[%swap3A_141, %swap3A_142, %swap3A_143] : memref<1x16000x128xf32, #tpu.memory_space<vmem>>, vector<1x1000x128xf32>
    %swap3A_145 = vector.shape_cast %swap3A_144 : vector<1x1000x128xf32> to vector<1000x128xf32>
    %swap3A_146 = vector.shape_cast %add3A_140 : vector<1000x128xf32> to vector<1x1000x128xf32>
    tpu.vector_store %arg10[%swap3A_141, %swap3A_142, %swap3A_143], %swap3A_146 {strides = array<i32>} : memref<1x16000x128xf32, #tpu.memory_space<vmem>>, vector<1x1000x128xf32>,
    %slice3A_147 = vector.extract_strided_slice %mul3A_29 {offsets = [0, 896], sizes = [1000, 128], strides = [1, 1]} : vector<1000x1024xf32> to vector<1000x128xf32>
    %get3A_148 = arith.constant 0 : index
    %get3A_149 = arith.constant 0 : index
    %get3A_150 = vector.load %arg7[%get3A_148, %get3A_149] : memref<128x128xf32, #tpu.memory_space<vmem>>, vector<128x128xf32>
    %dot_general3A_151 = arith.constant dense<0.000000e+00> : vector<1000x128xf32>
    %dot_general3A_152 = tpu.matmul %slice3A_147, %get3A_150, %dot_general3A_151 {dimension_numbers = #tpu.dot_dimension_numbers<[1], [0], [0], [1], [0, 0, 1, 1], [], []>, transpose_lhs_hint = false} : vector<1000x128xf32>, vector<128x128xf32>, vector<1000x128xf32> -> vector<1000x128xf32>
    %get3A_153 = arith.constant 0 : index
    %get3A_154 = arith.constant 0 : index
    %get3A_155 = vector.load %arg8[%get3A_153, %get3A_154] : memref<1x128xf32, #tpu.memory_space<vmem>>, vector<1x128xf32>
    %add3A_156 = vector.broadcast %get3A_155 : vector<1x128xf32> to vector<1000x128xf32>
    %add3A_157 = arith.addf %dot_general3A_152, %add3A_156 : vector<1000x128xf32>
    %swap3A_158 = arith.constant 0 : index
    %swap3A_159 = arith.constant 7000 : index
    %swap3A_160 = arith.constant 0 : index
    %swap3A_161 = vector.load %arg10[%swap3A_158, %swap3A_159, %swap3A_160] : memref<1x16000x128xf32, #tpu.memory_space<vmem>>, vector<1x1000x128xf32>
    %swap3A_162 = vector.shape_cast %swap3A_161 : vector<1x1000x128xf32> to vector<1000x128xf32>
    %swap3A_163 = vector.shape_cast %add3A_157 : vector<1000x128xf32> to vector<1x1000x128xf32>
    tpu.vector_store %arg10[%swap3A_158, %swap3A_159, %swap3A_160], %swap3A_163 {strides = array<i32>} : memref<1x16000x128xf32, #tpu.memory_space<vmem>>, vector<1x1000x128xf32>,
    %get3A_164 = arith.constant 0 : index
    %get3A_165 = arith.constant 1024 : index
    %get3A_166 = vector.load %arg4[%get3A_164, %get3A_165] : memref<128x2048xf32, #tpu.memory_space<vmem>>, vector<128x1024xf32>
    %dot_general3A_167 = arith.constant dense<0.000000e+00> : vector<1000x1024xf32>
    %dot_general3A_168 = tpu.matmul %sub3A, %get3A_166, %dot_general3A_167 {dimension_numbers = #tpu.dot_dimension_numbers<[1], [0], [0], [1], [0, 0, 1, 1], [], []>, transpose_lhs_hint = false} : vector<1000x128xf32>, vector<128x1024xf32>, vector<1000x1024xf32> -> vector<1000x1024xf32>
    %get3A_169 = arith.constant 0 : index
    %get3A_170 = arith.constant 1024 : index
    %get3A_171 = vector.load %arg5[%get3A_169, %get3A_170] : memref<128x2048xf32, #tpu.memory_space<vmem>>, vector<128x1024xf32>
    %dot_general3A_172 = arith.constant dense<0.000000e+00> : vector<1000x1024xf32>
    %dot_general3A_173 = tpu.matmul %sqrt3A, %get3A_171, %dot_general3A_172 {dimension_numbers = #tpu.dot_dimension_numbers<[1], [0], [0], [1], [0, 0, 1, 1], [], []>, transpose_lhs_hint = false} : vector<1000x128xf32>, vector<128x1024xf32>, vector<1000x1024xf32> -> vector<1000x1024xf32>
    %add3A_174 = arith.addf %dot_general3A_168, %dot_general3A_173 : vector<1000x1024xf32>
    %get3A_175 = arith.constant 0 : index
    %get3A_176 = arith.constant 1024 : index
    %get3A_177 = vector.load %arg6[%get3A_175, %get3A_176] : memref<1x2048xf32, #tpu.memory_space<vmem>>, vector<1x1024xf32>
    %add3A_178 = vector.broadcast %get3A_177 : vector<1x1024xf32> to vector<1000x1024xf32>
    %add3A_179 = arith.addf %add3A_174, %add3A_178 : vector<1000x1024xf32>
    %logistic3A_180 = arith.negf %add3A_179 : vector<1000x1024xf32>
    %logistic3A_181 = math.exp %logistic3A_180 : vector<1000x1024xf32>
    %logistic3A_182 = arith.constant 1.000000e+00 : f32
    %logistic3A_183 = vector.broadcast %logistic3A_182 : f32 to vector<1000x1024xf32>
    %logistic3A_184 = arith.addf %logistic3A_183, %logistic3A_181 : vector<1000x1024xf32>
    %logistic3A_185 = arith.divf %logistic3A_183, %logistic3A_184 : vector<1000x1024xf32>
    %mul3A_186 = arith.mulf %add3A_179, %logistic3A_185 : vector<1000x1024xf32>
    %slice3A_187 = vector.extract_strided_slice %mul3A_186 {offsets = [0, 0], sizes = [1000, 128], strides = [1, 1]} : vector<1000x1024xf32> to vector<1000x128xf32>
    %get3A_188 = arith.constant 0 : index
    %get3A_189 = arith.constant 0 : index
    %get3A_190 = vector.load %arg7[%get3A_188, %get3A_189] : memref<128x128xf32, #tpu.memory_space<vmem>>, vector<128x128xf32>
    %dot_general3A_191 = arith.constant dense<0.000000e+00> : vector<1000x128xf32>
    %dot_general3A_192 = tpu.matmul %slice3A_187, %get3A_190, %dot_general3A_191 {dimension_numbers = #tpu.dot_dimension_numbers<[1], [0], [0], [1], [0, 0, 1, 1], [], []>, transpose_lhs_hint = false} : vector<1000x128xf32>, vector<128x128xf32>, vector<1000x128xf32> -> vector<1000x128xf32>
    %get3A_193 = arith.constant 0 : index
    %get3A_194 = arith.constant 0 : index
    %get3A_195 = vector.load %arg8[%get3A_193, %get3A_194] : memref<1x128xf32, #tpu.memory_space<vmem>>, vector<1x128xf32>
    %add3A_196 = vector.broadcast %get3A_195 : vector<1x128xf32> to vector<1000x128xf32>
    %add3A_197 = arith.addf %dot_general3A_192, %add3A_196 : vector<1000x128xf32>
    %swap3A_198 = arith.constant 0 : index
    %swap3A_199 = arith.constant 8000 : index
    %swap3A_200 = arith.constant 0 : index
    %swap3A_201 = vector.load %arg10[%swap3A_198, %swap3A_199, %swap3A_200] : memref<1x16000x128xf32, #tpu.memory_space<vmem>>, vector<1x1000x128xf32>
    %swap3A_202 = vector.shape_cast %swap3A_201 : vector<1x1000x128xf32> to vector<1000x128xf32>
    %swap3A_203 = vector.shape_cast %add3A_197 : vector<1000x128xf32> to vector<1x1000x128xf32>
    tpu.vector_store %arg10[%swap3A_198, %swap3A_199, %swap3A_200], %swap3A_203 {strides = array<i32>} : memref<1x16000x128xf32, #tpu.memory_space<vmem>>, vector<1x1000x128xf32>,
    %slice3A_204 = vector.extract_strided_slice %mul3A_186 {offsets = [0, 128], sizes = [1000, 128], strides = [1, 1]} : vector<1000x1024xf32> to vector<1000x128xf32>
    %get3A_205 = arith.constant 0 : index
    %get3A_206 = arith.constant 0 : index
    %get3A_207 = vector.load %arg7[%get3A_205, %get3A_206] : memref<128x128xf32, #tpu.memory_space<vmem>>, vector<128x128xf32>
    %dot_general3A_208 = arith.constant dense<0.000000e+00> : vector<1000x128xf32>
    %dot_general3A_209 = tpu.matmul %slice3A_204, %get3A_207, %dot_general3A_208 {dimension_numbers = #tpu.dot_dimension_numbers<[1], [0], [0], [1], [0, 0, 1, 1], [], []>, transpose_lhs_hint = false} : vector<1000x128xf32>, vector<128x128xf32>, vector<1000x128xf32> -> vector<1000x128xf32>
    %get3A_210 = arith.constant 0 : index
    %get3A_211 = arith.constant 0 : index
    %get3A_212 = vector.load %arg8[%get3A_210, %get3A_211] : memref<1x128xf32, #tpu.memory_space<vmem>>, vector<1x128xf32>
    %add3A_213 = vector.broadcast %get3A_212 : vector<1x128xf32> to vector<1000x128xf32>
    %add3A_214 = arith.addf %dot_general3A_209, %add3A_213 : vector<1000x128xf32>
    %swap3A_215 = arith.constant 0 : index
    %swap3A_216 = arith.constant 9000 : index
    %swap3A_217 = arith.constant 0 : index
    %swap3A_218 = vector.load %arg10[%swap3A_215, %swap3A_216, %swap3A_217] : memref<1x16000x128xf32, #tpu.memory_space<vmem>>, vector<1x1000x128xf32>
    %swap3A_219 = vector.shape_cast %swap3A_218 : vector<1x1000x128xf32> to vector<1000x128xf32>
    %swap3A_220 = vector.shape_cast %add3A_214 : vector<1000x128xf32> to vector<1x1000x128xf32>
    tpu.vector_store %arg10[%swap3A_215, %swap3A_216, %swap3A_217], %swap3A_220 {strides = array<i32>} : memref<1x16000x128xf32, #tpu.memory_space<vmem>>, vector<1x1000x128xf32>,
    %slice3A_221 = vector.extract_strided_slice %mul3A_186 {offsets = [0, 256], sizes = [1000, 128], strides = [1, 1]} : vector<1000x1024xf32> to vector<1000x128xf32>
    %get3A_222 = arith.constant 0 : index
    %get3A_223 = arith.constant 0 : index
    %get3A_224 = vector.load %arg7[%get3A_222, %get3A_223] : memref<128x128xf32, #tpu.memory_space<vmem>>, vector<128x128xf32>
    %dot_general3A_225 = arith.constant dense<0.000000e+00> : vector<1000x128xf32>
    %dot_general3A_226 = tpu.matmul %slice3A_221, %get3A_224, %dot_general3A_225 {dimension_numbers = #tpu.dot_dimension_numbers<[1], [0], [0], [1], [0, 0, 1, 1], [], []>, transpose_lhs_hint = false} : vector<1000x128xf32>, vector<128x128xf32>, vector<1000x128xf32> -> vector<1000x128xf32>
    %get3A_227 = arith.constant 0 : index
    %get3A_228 = arith.constant 0 : index
    %get3A_229 = vector.load %arg8[%get3A_227, %get3A_228] : memref<1x128xf32, #tpu.memory_space<vmem>>, vector<1x128xf32>
    %add3A_230 = vector.broadcast %get3A_229 : vector<1x128xf32> to vector<1000x128xf32>
    %add3A_231 = arith.addf %dot_general3A_226, %add3A_230 : vector<1000x128xf32>
    %swap3A_232 = arith.constant 0 : index
    %swap3A_233 = arith.constant 10000 : index
    %swap3A_234 = arith.constant 0 : index
    %swap3A_235 = vector.load %arg10[%swap3A_232, %swap3A_233, %swap3A_234] : memref<1x16000x128xf32, #tpu.memory_space<vmem>>, vector<1x1000x128xf32>
    %swap3A_236 = vector.shape_cast %swap3A_235 : vector<1x1000x128xf32> to vector<1000x128xf32>
    %swap3A_237 = vector.shape_cast %add3A_231 : vector<1000x128xf32> to vector<1x1000x128xf32>
    tpu.vector_store %arg10[%swap3A_232, %swap3A_233, %swap3A_234], %swap3A_237 {strides = array<i32>} : memref<1x16000x128xf32, #tpu.memory_space<vmem>>, vector<1x1000x128xf32>,
    %slice3A_238 = vector.extract_strided_slice %mul3A_186 {offsets = [0, 384], sizes = [1000, 128], strides = [1, 1]} : vector<1000x1024xf32> to vector<1000x128xf32>
    %get3A_239 = arith.constant 0 : index
    %get3A_240 = arith.constant 0 : index
    %get3A_241 = vector.load %arg7[%get3A_239, %get3A_240] : memref<128x128xf32, #tpu.memory_space<vmem>>, vector<128x128xf32>
    %dot_general3A_242 = arith.constant dense<0.000000e+00> : vector<1000x128xf32>
    %dot_general3A_243 = tpu.matmul %slice3A_238, %get3A_241, %dot_general3A_242 {dimension_numbers = #tpu.dot_dimension_numbers<[1], [0], [0], [1], [0, 0, 1, 1], [], []>, transpose_lhs_hint = false} : vector<1000x128xf32>, vector<128x128xf32>, vector<1000x128xf32> -> vector<1000x128xf32>
    %get3A_244 = arith.constant 0 : index
    %get3A_245 = arith.constant 0 : index
    %get3A_246 = vector.load %arg8[%get3A_244, %get3A_245] : memref<1x128xf32, #tpu.memory_space<vmem>>, vector<1x128xf32>
    %add3A_247 = vector.broadcast %get3A_246 : vector<1x128xf32> to vector<1000x128xf32>
    %add3A_248 = arith.addf %dot_general3A_243, %add3A_247 : vector<1000x128xf32>
    %swap3A_249 = arith.constant 0 : index
    %swap3A_250 = arith.constant 11000 : index
    %swap3A_251 = arith.constant 0 : index
    %swap3A_252 = vector.load %arg10[%swap3A_249, %swap3A_250, %swap3A_251] : memref<1x16000x128xf32, #tpu.memory_space<vmem>>, vector<1x1000x128xf32>
    %swap3A_253 = vector.shape_cast %swap3A_252 : vector<1x1000x128xf32> to vector<1000x128xf32>
    %swap3A_254 = vector.shape_cast %add3A_248 : vector<1000x128xf32> to vector<1x1000x128xf32>
    tpu.vector_store %arg10[%swap3A_249, %swap3A_250, %swap3A_251], %swap3A_254 {strides = array<i32>} : memref<1x16000x128xf32, #tpu.memory_space<vmem>>, vector<1x1000x128xf32>,
    %slice3A_255 = vector.extract_strided_slice %mul3A_186 {offsets = [0, 512], sizes = [1000, 128], strides = [1, 1]} : vector<1000x1024xf32> to vector<1000x128xf32>
    %get3A_256 = arith.constant 0 : index
    %get3A_257 = arith.constant 0 : index
    %get3A_258 = vector.load %arg7[%get3A_256, %get3A_257] : memref<128x128xf32, #tpu.memory_space<vmem>>, vector<128x128xf32>
    %dot_general3A_259 = arith.constant dense<0.000000e+00> : vector<1000x128xf32>
    %dot_general3A_260 = tpu.matmul %slice3A_255, %get3A_258, %dot_general3A_259 {dimension_numbers = #tpu.dot_dimension_numbers<[1], [0], [0], [1], [0, 0, 1, 1], [], []>, transpose_lhs_hint = false} : vector<1000x128xf32>, vector<128x128xf32>, vector<1000x128xf32> -> vector<1000x128xf32>
    %get3A_261 = arith.constant 0 : index
    %get3A_262 = arith.constant 0 : index
    %get3A_263 = vector.load %arg8[%get3A_261, %get3A_262] : memref<1x128xf32, #tpu.memory_space<vmem>>, vector<1x128xf32>
    %add3A_264 = vector.broadcast %get3A_263 : vector<1x128xf32> to vector<1000x128xf32>
    %add3A_265 = arith.addf %dot_general3A_260, %add3A_264 : vector<1000x128xf32>
    %swap3A_266 = arith.constant 0 : index
    %swap3A_267 = arith.constant 12000 : index
    %swap3A_268 = arith.constant 0 : index
    %swap3A_269 = vector.load %arg10[%swap3A_266, %swap3A_267, %swap3A_268] : memref<1x16000x128xf32, #tpu.memory_space<vmem>>, vector<1x1000x128xf32>
    %swap3A_270 = vector.shape_cast %swap3A_269 : vector<1x1000x128xf32> to vector<1000x128xf32>
    %swap3A_271 = vector.shape_cast %add3A_265 : vector<1000x128xf32> to vector<1x1000x128xf32>
    tpu.vector_store %arg10[%swap3A_266, %swap3A_267, %swap3A_268], %swap3A_271 {strides = array<i32>} : memref<1x16000x128xf32, #tpu.memory_space<vmem>>, vector<1x1000x128xf32>,
    %slice3A_272 = vector.extract_strided_slice %mul3A_186 {offsets = [0, 640], sizes = [1000, 128], strides = [1, 1]} : vector<1000x1024xf32> to vector<1000x128xf32>
    %get3A_273 = arith.constant 0 : index
    %get3A_274 = arith.constant 0 : index
    %get3A_275 = vector.load %arg7[%get3A_273, %get3A_274] : memref<128x128xf32, #tpu.memory_space<vmem>>, vector<128x128xf32>
    %dot_general3A_276 = arith.constant dense<0.000000e+00> : vector<1000x128xf32>
    %dot_general3A_277 = tpu.matmul %slice3A_272, %get3A_275, %dot_general3A_276 {dimension_numbers = #tpu.dot_dimension_numbers<[1], [0], [0], [1], [0, 0, 1, 1], [], []>, transpose_lhs_hint = false} : vector<1000x128xf32>, vector<128x128xf32>, vector<1000x128xf32> -> vector<1000x128xf32>
    %get3A_278 = arith.constant 0 : index
    %get3A_279 = arith.constant 0 : index
    %get3A_280 = vector.load %arg8[%get3A_278, %get3A_279] : memref<1x128xf32, #tpu.memory_space<vmem>>, vector<1x128xf32>
    %add3A_281 = vector.broadcast %get3A_280 : vector<1x128xf32> to vector<1000x128xf32>
    %add3A_282 = arith.addf %dot_general3A_277, %add3A_281 : vector<1000x128xf32>
    %swap3A_283 = arith.constant 0 : index
    %swap3A_284 = arith.constant 13000 : index
    %swap3A_285 = arith.constant 0 : index
    %swap3A_286 = vector.load %arg10[%swap3A_283, %swap3A_284, %swap3A_285] : memref<1x16000x128xf32, #tpu.memory_space<vmem>>, vector<1x1000x128xf32>
    %swap3A_287 = vector.shape_cast %swap3A_286 : vector<1x1000x128xf32> to vector<1000x128xf32>
    %swap3A_288 = vector.shape_cast %add3A_282 : vector<1000x128xf32> to vector<1x1000x128xf32>
    tpu.vector_store %arg10[%swap3A_283, %swap3A_284, %swap3A_285], %swap3A_288 {strides = array<i32>} : memref<1x16000x128xf32, #tpu.memory_space<vmem>>, vector<1x1000x128xf32>,
    %slice3A_289 = vector.extract_strided_slice %mul3A_186 {offsets = [0, 768], sizes = [1000, 128], strides = [1, 1]} : vector<1000x1024xf32> to vector<1000x128xf32>
    %get3A_290 = arith.constant 0 : index
    %get3A_291 = arith.constant 0 : index
    %get3A_292 = vector.load %arg7[%get3A_290, %get3A_291] : memref<128x128xf32, #tpu.memory_space<vmem>>, vector<128x128xf32>
    %dot_general3A_293 = arith.constant dense<0.000000e+00> : vector<1000x128xf32>
    %dot_general3A_294 = tpu.matmul %slice3A_289, %get3A_292, %dot_general3A_293 {dimension_numbers = #tpu.dot_dimension_numbers<[1], [0], [0], [1], [0, 0, 1, 1], [], []>, transpose_lhs_hint = false} : vector<1000x128xf32>, vector<128x128xf32>, vector<1000x128xf32> -> vector<1000x128xf32>
    %get3A_295 = arith.constant 0 : index
    %get3A_296 = arith.constant 0 : index
    %get3A_297 = vector.load %arg8[%get3A_295, %get3A_296] : memref<1x128xf32, #tpu.memory_space<vmem>>, vector<1x128xf32>
    %add3A_298 = vector.broadcast %get3A_297 : vector<1x128xf32> to vector<1000x128xf32>
    %add3A_299 = arith.addf %dot_general3A_294, %add3A_298 : vector<1000x128xf32>
    %swap3A_300 = arith.constant 0 : index
    %swap3A_301 = arith.constant 14000 : index
    %swap3A_302 = arith.constant 0 : index
    %swap3A_303 = vector.load %arg10[%swap3A_300, %swap3A_301, %swap3A_302] : memref<1x16000x128xf32, #tpu.memory_space<vmem>>, vector<1x1000x128xf32>
    %swap3A_304 = vector.shape_cast %swap3A_303 : vector<1x1000x128xf32> to vector<1000x128xf32>
    %swap3A_305 = vector.shape_cast %add3A_299 : vector<1000x128xf32> to vector<1x1000x128xf32>
    tpu.vector_store %arg10[%swap3A_300, %swap3A_301, %swap3A_302], %swap3A_305 {strides = array<i32>} : memref<1x16000x128xf32, #tpu.memory_space<vmem>>, vector<1x1000x128xf32>,
    %slice3A_306 = vector.extract_strided_slice %mul3A_186 {offsets = [0, 896], sizes = [1000, 128], strides = [1, 1]} : vector<1000x1024xf32> to vector<1000x128xf32>
    %get3A_307 = arith.constant 0 : index
    %get3A_308 = arith.constant 0 : index
    %get3A_309 = vector.load %arg7[%get3A_307, %get3A_308] : memref<128x128xf32, #tpu.memory_space<vmem>>, vector<128x128xf32>
    %dot_general3A_310 = arith.constant dense<0.000000e+00> : vector<1000x128xf32>
    %dot_general3A_311 = tpu.matmul %slice3A_306, %get3A_309, %dot_general3A_310 {dimension_numbers = #tpu.dot_dimension_numbers<[1], [0], [0], [1], [0, 0, 1, 1], [], []>, transpose_lhs_hint = false} : vector<1000x128xf32>, vector<128x128xf32>, vector<1000x128xf32> -> vector<1000x128xf32>
    %get3A_312 = arith.constant 0 : index
    %get3A_313 = arith.constant 0 : index
    %get3A_314 = vector.load %arg8[%get3A_312, %get3A_313] : memref<1x128xf32, #tpu.memory_space<vmem>>, vector<1x128xf32>
    %add3A_315 = vector.broadcast %get3A_314 : vector<1x128xf32> to vector<1000x128xf32>
    %add3A_316 = arith.addf %dot_general3A_311, %add3A_315 : vector<1000x128xf32>
    %swap3A_317 = arith.constant 0 : index
    %swap3A_318 = arith.constant 15000 : index
    %swap3A_319 = arith.constant 0 : index
    %swap3A_320 = vector.load %arg10[%swap3A_317, %swap3A_318, %swap3A_319] : memref<1x16000x128xf32, #tpu.memory_space<vmem>>, vector<1x1000x128xf32>
    %swap3A_321 = vector.shape_cast %swap3A_320 : vector<1x1000x128xf32> to vector<1000x128xf32>
    %swap3A_322 = vector.shape_cast %add3A_316 : vector<1000x128xf32> to vector<1x1000x128xf32>
    tpu.vector_store %arg10[%swap3A_317, %swap3A_318, %swap3A_319], %swap3A_322 {strides = array<i32>} : memref<1x16000x128xf32, #tpu.memory_space<vmem>>, vector<1x1000x128xf32>,
    return
  }
  func.func @transform_0(%arg0: i32) -> (i32, i32) {
    %c0_i32 = arith.constant 0 : i32
    %c0_i32_0 = arith.constant 0 : i32
    return %arg0, %c0_i32 : i32, i32
  }
  func.func @transform_1(%arg0: i32) -> (i32, i32) {
    %c0_i32 = arith.constant 0 : i32
    %c0_i32_0 = arith.constant 0 : i32
    return %arg0, %c0_i32 : i32, i32
  }
  func.func @transform_2(%arg0: i32) -> (i32, i32) {
    %c0_i32 = arith.constant 0 : i32
    %c0_i32_0 = arith.constant 0 : i32
    %c0_i32_1 = arith.constant 0 : i32
    return %c0_i32, %c0_i32_0 : i32, i32
  }
  func.func @transform_3(%arg0: i32) -> (i32, i32) {
    %c0_i32 = arith.constant 0 : i32
    %c0_i32_0 = arith.constant 0 : i32
    %c0_i32_1 = arith.constant 0 : i32
    return %c0_i32, %c0_i32_0 : i32, i32
  }
  func.func @transform_4(%arg0: i32) -> (i32, i32) {
    %c0_i32 = arith.constant 0 : i32
    %c0_i32_0 = arith.constant 0 : i32
    %c0_i32_1 = arith.constant 0 : i32
    return %c0_i32, %c0_i32_0 : i32, i32
  }
  func.func @transform_5(%arg0: i32) -> (i32, i32) {
    %c0_i32 = arith.constant 0 : i32
    %c0_i32_0 = arith.constant 0 : i32
    %c0_i32_1 = arith.constant 0 : i32
    return %c0_i32, %c0_i32_0 : i32, i32
  }
  func.func @transform_6(%arg0: i32) -> (i32, i32) {
    %c0_i32 = arith.constant 0 : i32
    %c0_i32_0 = arith.constant 0 : i32
    %c0_i32_1 = arith.constant 0 : i32
    return %c0_i32, %c0_i32_0 : i32, i32
  }
  func.func @transform_7(%arg0: i32) -> (i32, i32) {
    %c0_i32 = arith.constant 0 : i32
    %c0_i32_0 = arith.constant 0 : i32
    %c0_i32_1 = arith.constant 0 : i32
    return %c0_i32, %c0_i32_0 : i32, i32
  }
  func.func @transform_9(%arg0: i32) -> (i32, i32, i32) {
    %add3A = arith.constant 26 : i32
    %add3A_0 = arith.addi %arg0, %add3A : i32
    %c0_i32 = arith.constant 0 : i32
    %c0_i32_1 = arith.constant 0 : i32
    %c0_i32_2 = arith.constant 0 : i32
    return %c0_i32, %add3A_0, %c0_i32_1 : i32, i32, i32
  }
}

</mosaic_0001>

<sc_bundles>
// kernel: kernel.10.cloned.1.call-start
scs
__scs_entry_jumppad:
0x0: {  	(pc) =	sbr.rel $0x88, $3  }
0x1: {  	(tag) =	ssettag $0x0;
	lr =	simm.s32 $0x1  }
0x2: {  	[smem:$0x3F82] =	sst lr;
	_ =	strace $0xD0000000  }
0x3: {  	_ = 	snop  }
0x4: {  	_ = 	snop  }
0x5: {  	_ = 	snop  }
0x6: {  	_ = 	snop  }
0x7: {  	_ = 	snop  }
__scs_overlays_trampoline_lowered:
0x8: {  	[smem:$0x3F91] =	sst s0  }
0x9: {  	[smem:$0x3F92] =	sst s1  }
0xa: {  	[smem:$0x3F93] =	sst s2  }
0xb: {  	[smem:$0x3F94] =	sst s3  }
0xc: {  	[smem:$0x3F95] =	sst s4  }
0xd: {  	[smem:$0x3F96] =	sst s5  }
0xe: {  	[smem:$0x3F97] =	sst s6  }
0xf: {  	[smem:$0x3F98] =	sst s7  }
0x10: {  	[smem:$0x3F99] =	sst s8  }
0x11: {  	[smem:$0x3F9A] =	sst s9;
	s0 =	simm.s32 @!p0 $0x0  }
0x12: {  	s1 =	sld [smem:$0x3F80];
	s0 =	simm.s32 @p0 $0x1  }
0x13: {  	[smem:$0x3F9B] =	sst s0;
	s0 =	simm.s32 @!p1 $0x0  }
0x14: {  	s2 =	sld [smem:$0x3F7F];
	s0 =	simm.s32 @p1 $0x1  }
0x15: {  	[smem:$0x3F9C] =	sst s0;
	s0 =	simm.s32 @!p2 $0x0  }
0x16: {  	s3 =	sld [smem:$0x3FDB];
	s0 =	simm.s32 @p2 $0x1  }
0x17: {  	s4 =	simm.s32 $0x1BF5;
	[smem:$0x3F9E] =	sst s0  }
0x18: {  	s0 =	sld [smem:$0x3F81];
	_ =	swait.ge [sflag:s4], $0x0  }
0x19: {  	s7 =	sld [smem:$0x3F82]  }
0x1a: {  	s8 =	sadd.s32 $0xFFFFE003, lr  }
0x1b: {  	s9 =	sadd.s32 $0xFFFFFEF7, lr;
	s5 =	simm.s32 $0xFFFFFFFF;
	p2 =	slt.u32 s8, $0xFFFFF086  }
0x1c: {  	p1 =	slt.u32 s9, $0xF7A;
	s5 =	simm.s32 @!p2 $0x0  }
0x1d: {  	s5 =	simm.s32 @p1 $0x1;
	p0 =	seq.s32 s7, s2  }
0x1e: {  	s7 =	smul.u32 @!p0 $0xF7A, s2;
	p2 =	seq.s32 @!p0 s5, $0x0  }
0x1f: {  	s9 =	smul.u32 $0xF7A, s1;
	s8 =	simm.s32 @!p0 $0x1BF5;
	p2 =	por !p2, p0  }
0x20: {  	[sflag:s8] =	ssyncset.s32 @!p0 $0xFFFFF086;
	s6 =	sadd.s32 @!p0 s3, s7;
	s7 =	simm.s32 @!p0 $0x108  }
0x21: {  	s3 =	sadd.s32 s3, s9;
	s6 =	sadd.s32 @!p0 $0x88, s6;
	s7 =	simm.s32 @p2 $0x1082  }
0x22: {  	[simem:s7], [sflag:s8] =	dma.local @!p0 [hbm:s6], $0xF7A  }
0x23: {  	s9 =	sor.u32 $0xD0000000, s2;
	s6 =	simm.s32 $0x108;
	_ =	swait.ge @!p0 [sflag:s8], $0x0  }
0x24: {  	s3 =	sadd.s32 $0x88, s3;
	s6 =	simm.s32 @!p1 $0x1082;
	[sflag:s4] =	ssyncset.s32 $0xFFFFF086  }
0x25: {  	[simem:s6], [sflag:s4] =	dma.local [hbm:s3], $0xF7A  }
0x26: {  	[smem:$0x3F82] =	sst s1;
	(tag) =	ssettag s2;
	_ =	strace s9  }
0x27: {  	s1 =	sld [smem:$0x3F92]  }
0x28: {  	s2 =	sld [smem:$0x3F93]  }
0x29: {  	s4 =	sld [smem:$0x3F95]  }
0x2a: {  	p0 =	seq.s32 s5, $0x0;
	s5 =	sld [smem:$0x3F96]  }
0x2b: {  	s6 =	sld [smem:$0x3F97]  }
0x2c: {  	s7 =	sld [smem:$0x3F98]  }
0x2d: {  	s3 =	simm.s32 $0x108;
	s8 =	sld [smem:$0x3F99]  }
0x2e: {  	s3 =	simm.s32 @!p0 $0x1082;
	s9 =	sld [smem:$0x3F9A]  }
0x2f: {  	lr =	sadd.s32 s0, s3;
	s0 =	sld [smem:$0x3F91]  }
0x30: {  	s3 =	sld [smem:$0x3F94]  }
0x31: {  	[smem:$0x3F9D] =	sst s10  }
0x32: {  	s10 =	sld [smem:$0x3F9B];
	_ =	sdelay $0x3  }
0x33: {  	p0 =	seq.s32 s10, $0x1;
	s10 =	sld [smem:$0x3F9D];
	_ =	sdelay $0x3  }
0x34: {  	[smem:$0x3F9D] =	sst s10  }
0x35: {  	s10 =	sld [smem:$0x3F9C];
	_ =	sdelay $0x3  }
0x36: {  	p1 =	seq.s32 s10, $0x1;
	s10 =	sld [smem:$0x3F9D];
	_ =	sdelay $0x3  }
0x37: {  	[smem:$0x3F9D] =	sst s10  }
0x38: {  	s10 =	sld [smem:$0x3F9E]  }
0x39: {  	_ = 	snop;
	(pc) =	sbr.ind lr, $3  }
0x3a: {  	_ = 	snop  }
0x3b: {  	_ = 	snop  }
0x3c: {  	p2 =	seq.s32 s10, $0x1;
	s10 =	sld [smem:$0x3F9D]  }
0x3d: {  	_ =	shalt  }
0x3e: {  	_ =	shalt  }
0x3f: {  	_ =	shalt  }
0x40: {  	_ =	shalt  }
0x41: {  	_ =	shalt  }
0x42: {  	_ =	shalt  }
0x43: {  	_ =	shalt  }
0x44: {  	_ =	shalt  }
0x45: {  	_ =	shalt  }
0x46: {  	_ =	shalt  }
0x47: {  	_ =	shalt  }
0x48: {  	_ =	shalt  }
0x49: {  	_ =	shalt  }
0x4a: {  	_ =	shalt  }
0x4b: {  	_ =	shalt  }
0x4c: {  	_ =	shalt  }
0x4d: {  	_ =	shalt  }
0x4e: {  	_ =	shalt  }
0x4f: {  	_ =	shalt  }
0x50: {  	_ =	shalt  }
0x51: {  	_ =	shalt  }
0x52: {  	_ =	shalt  }
0x53: {  	_ =	shalt  }
0x54: {  	_ =	shalt  }
0x55: {  	_ =	shalt  }
0x56: {  	_ =	shalt  }
0x57: {  	_ =	shalt  }
0x58: {  	_ =	shalt  }
0x59: {  	_ =	shalt  }
0x5a: {  	_ =	shalt  }
0x5b: {  	_ =	shalt  }
0x5c: {  	_ =	shalt  }
0x5d: {  	_ =	shalt  }
0x5e: {  	_ =	shalt  }
0x5f: {  	_ =	shalt  }
0x60: {  	_ =	shalt  }
0x61: {  	_ =	shalt  }
0x62: {  	_ =	shalt  }
0x63: {  	_ =	shalt  }
0x64: {  	_ =	shalt  }
0x65: {  	_ =	shalt  }
0x66: {  	_ =	shalt  }
0x67: {  	_ =	shalt  }
0x68: {  	_ =	shalt  }
0x69: {  	_ =	shalt  }
0x6a: {  	_ =	shalt  }
0x6b: {  	_ =	shalt  }
0x6c: {  	_ =	shalt  }
0x6d: {  	_ =	shalt  }
0x6e: {  	_ =	shalt  }
0x6f: {  	_ =	shalt  }
0x70: {  	_ =	shalt  }
0x71: {  	_ =	shalt  }
0x72: {  	_ =	shalt  }
0x73: {  	_ =	shalt  }
0x74: {  	_ =	shalt  }
0x75: {  	_ =	shalt  }
0x76: {  	_ =	shalt  }
0x77: {  	_ =	shalt  }
0x78: {  	_ =	shalt  }
0x79: {  	_ =	shalt  }
0x7a: {  	_ =	shalt  }
0x7b: {  	_ =	shalt  }
0x7c: {  	_ =	shalt  }
0x7d: {  	_ =	shalt  }
0x7e: {  	_ =	shalt  }
0x7f: {  	_ =	shalt  }
0x80: {  	_ =	shalt  }
0x81: {  	_ =	shalt  }
0x82: {  	_ =	shalt  }
0x83: {  	_ =	shalt  }
0x84: {  	_ =	shalt  }
0x85: {  	_ =	shalt  }
0x86: {  	_ =	shalt  }
0x87: {  	_ =	shalt  }
.Lfunc_end0:
.L_simem_size_0:
called_computation.1_lowered:
.L_overlay_start_0:
0x88: {  	s2 =	sld [smem:$0x3FD9]  }
0x89: {  	s3 =	sld [smem:$0x3FFE];
	_ =	sdelay $0x1  }
0x8a: {  	s1 =	srdreg.scid  }
0x8b: {  	s0 =	sand.u32 $0x1, s1  }
0x8c: {  	s17 =	sshll.u32 s0, $0xA;
	s2 =	sadd.s32 s3, s2  }
0x8d: {  	s2 =	sadd.s32 s2, s17  }
0x8e: {  	[smem:$0x3FA9] =	sst s2  }
0x8f: {  	_ = 	snop  }
0x90: {  	(tm) =	ssettm $0x1  }
0x91: {  	s18 =	sld [smem:$0x3FFB];
	_ =	sdelay $0x3  }
0x92: {  	_ =	strace s18  }
0x93: {  	s2 =	sld [smem:$0x3FFC];
	_ =	sdelay $0x3  }
0x94: {  	_ =	strace s2  }
0x95: {  	s2 =	sld [smem:$0x3FFD];
	_ =	sdelay $0x3  }
0x96: {  	_ =	strace s2  }
0x97: {  	_ =	strace $0x8FFFFFFF  }
0x98: {  	s19 =	sld [smem:$0x3FDB];
	_ =	sdelay $0x1  }
0x99: {  	s20 =	simm.s32 $_scs_section_size  }
0x9a: {  	s4 =	simm.s32 $_size__tile_overlayer_lowered;
	s5 =	simm.s32 $_tile_overlayer_lowered  }
0x9b: {  	s6 =	simm.s32 $0x1BFF;
	s21 =	sshll.u32 s5, $0x1;
	s3 =	sadd.s32 s20, s19  }
0x9c: {  	s22 =	simm.s32 $0x0;
	s4 =	sshll.u32 s4, $0x1;
	s5 =	sadd.s32 s21, s3  }
0x9d: {  	[timem:s22], [sflag:s6] =	dma.local [hbm:s5], s4  }
0x9e: {  	_ =	swait.ge [sflag:s6], s4  }
0x9f: {  	s4 =	ssub.s32 $0x0, s4;
	[sflag:s6] =	ssyncset.done $0x0  }
0xa0: {  	[sflag:s6] =	ssyncadd.s32 s4;
	_ =	sdelay $0x1  }
0xa1: {  	s23 =	simm.s32 $0x1B8B  }
0xa2: {  	_ =	swait.ge [sflag:s23], $0x1  }
0xa3: {  	[sflag:s23] =	ssyncset.done $0x0  }
0xa4: {  	[sflag:s23] =	ssyncadd.s32 $0xFFFFFFFF  }
0xa5: {  	s4 =	sld [smem:$0x0]  }
0xa6: {  	s5 =	sand.u32 $0xFFFFFFFE, s1  }
0xa7: {  	p0 =	sne.s32 s1, s5  }
0xa8: {  	s5 =	sshll.u32 @p0 s5, $0xE  }
0xa9: {  	s5 =	sadd.s32 @p0 $0x11B8D, s5;
	s6 =	sshll.u32 @p0 s4, $0x11  }
0xaa: {  	s5 =	sor.u32 @p0 s6, s5  }
0xab: {  	[sflag:s5] =	ssyncadd.remote.s32 @p0 $0x1;
	_ =	sdelay $0x1  }
0xac: {  	s5 =	simm.s32 @p0 $0x1B8D  }
0xad: {  	_ =	swait.eq @p0 [sflag:s5], $0x1  }
0xae: {  	[sflag:s5] =	ssyncadd.s32 @p0 $0xFFFFFFFF  }
0xaf: {  	s6 =	sshll.u32 @!p0 s1, $0xE  }
0xb0: {  	s6 =	sor.u32 @!p0 $0x4000, s6;
	s5 =	simm.s32 @!p0 $0x1B8D  }
0xb1: {  	s4 =	sshll.u32 @!p0 s4, $0x11;
	s6 =	sadd.s32 @!p0 $0x11B8D, s6;
	_ =	swait.eq @!p0 [sflag:s5], $0x1  }
0xb2: {  	s4 =	sor.u32 @!p0 s4, s6;
	[sflag:s5] =	ssyncadd.s32 @!p0 $0xFFFFFFFF  }
0xb3: {  	s25 =	simm.s32 $0x1B8E;
	s24 =	sld [smem:$0x3FFE];
	[sflag:s4] =	ssyncadd.remote.s32 @!p0 $0x1  }
0xb4: {  	s26 =	simm.s32 $execute0_lowered;
	[smem:$0x3FD2] =	sst s25  }
0xb5: {  	s5 =	sshll.u32 s26, $0x1;
	_ =	strace $0x80000049;
	[dreg:$0x1] =	wrdreg $0xFFFFFFFF  }
0xb6: {  	s28 =	simm.s32 $_size_execute0_lowered;
	s3 =	sadd.s32 s3, s5;
	[dreg:$0x0] =	wrdreg $0x0  }
0xb7: {  	s5 =	sshll.u32 s28, $0x1;
	[dreg:$0x2] =	wrdreg s3  }
0xb8: {  	[dreg:$0x3] =	wrdreg s5  }
0xb9: {  	[dreg:$0x4] =	wrdreg $0xC0  }
0xba: {  	_ =	task [dreg:s22], $0x5FFFF  }
0xbb: {  	[dreg:$0x1] =	wrdreg $0xFFFFFFFF  }
0xbc: {  	[dreg:$0x0] =	wrdreg $0x60  }
0xbd: {  	[dreg:$0x2] =	wrdreg s24  }
0xbe: {  	[dreg:$0x3] =	wrdreg $0xA  }
0xbf: {  	_ =	task.clear_ibuf [dreg:s22], $0x4FFFF;
	_ =	strace $0x90000049  }
0xc0: {  	s29 =	simm.s32 $0xA;
	_ =	strace $0x8000004B  }
0xc1: {  	_ =	swait.ge [sflag:s29], $0x1  }
0xc2: {  	[sflag:s29] =	ssyncadd.s32 $0xFFFFFFFF  }
0xc3: {  	_ =	strace $0x9000004B  }
0xc4: {  	_ =	sfence  }
0xc5: {  	s30 =	sld [smem:$0x0];
	_ =	sdelay $0x2  }
0xc6: {  	s31 =	sshll.u32 s1, $0xD;
	s1 =	sshrl.u32 s1, $0x2  }
0xc7: {  	s4 =	sand.u32 $0x4000, s31;
	s1 =	sadd.s32 s1, s30  }
0xc8: {  	s0 =	sor.u32 s4, s0;
	s1 =	sshll.u32 s1, $0x11  }
0xc9: {  	s0 =	sor.u32 s1, s0  }
0xca: {  	s0 =	sadd.s32 $0x8F2B, s0  }
0xcb: {  	[sflag:s0] =	ssyncadd.remote.s32 $0x1  }
0xcc: {  	_ =	sfence.sel $0xFFFF  }
0xcd: {  	[dreg:$0x0] =	wrdreg $0xFFFFFFFF;
	(pc) =	sbr.abs _section_cstart, $3  }
0xce: {  	[dreg:$0x1] =	wrdreg $0xFFFFFFFF  }
0xcf: {  	_ =	task.clear_ibuf [dreg:s22], $0x2FFFF;
	_ =	strace $0x9FFFFFFF  }
0xd0: {  	(tm) =	ssettm $0x7FFFFFFF  }
0xd1: {  	_ =	shalt  }
tec
execute0_lowered:
.L_overlay_start_1:
0x0: {  	(tag) =	ssettag $0x1  }
0x1: {  	s0 =	srdreg.scid;
	s12 =	stileid.u32  }
0x2: {  	s6 =	rddreg [dreg:$0x0];
	s0 =	sand.u32 $0x1, s0;
	s1 =	sshll.u32 s12, $0x1  }
0x3: {  	s2 =	simm.s32 $0x0;
	s17 =	simm.s32 $0x5;
	s1 =	sor.u32 s0, s1  }
0x4: {  	s28 =	simm.s32 $0x80;
	s29 =	simm.s32 $0x3;
	s1 =	smul.u32 $0x2EE0, s1  }
0x5: {  	s30 =	simm.s32 $0x4;
	[smem:$0x7FF] =	sst s2;
	s21 =	smul.u32 $0x5DC0, s12  }
0x6: {  	s8 =	ssub.s32 $0x2, s0;
	s0 =	smul.u32 $0x2EE0, s0;
	s7 =	sadd.s32 $0x2710, s1  }
0x7: {  	s3 =	sadd.s32 $0xC8E00, s6;
	s10 =	sshrl.u32 s8, $0x1;
	s5 =	smulhi.u32 $0x83127, s7  }
0x8: {  	s11 =	sshrl.u32 s1, $0x3;
	s1 =	sadd.s32 $0x2AF8, s1;
	s7 =	smulhi.u32 $0x418938, s7  }
0x9: {  	s4 =	sadd.s32 $0x1D1600, s6;
	s14 =	ssub.s32 s8, s10;
	s18 =	smulhi.u32 $0x83127, s1  }
0xa: {  	_ =	strace $0x8000004A;
	s14 =	smax.u32 s14, $0x1;
	s1 =	smulhi.u32 $0x418938, s1  }
0xb: {  	s9 =	sshrl.u32 s5, $0x1;
	s5 =	sadd.s32 $0x22F200, s6;
	s6 =	sadd.s32 s6, s11  }
0xc: {  	s7 =	sshll.u32 s7, $0x3;
	s8 =	sshrl.u32 s18, $0x1;
	s1 =	sshll.u32 s1, $0x3  }
0xd: {  	s18 =	simm.s32 $0x2EE0;
	s9 =	smul.u32 $0x1F400, s9;
	s19 =	sadd.s32 $0xFA520, s6  }
0xe: {  	s6 =	sadd.s32 $0xE1D20, s6;
	s20 =	sand.u32 $0x78, s7;
	s22 =	smul.u32 $0x1F400, s8  }
0xf: {  	s1 =	sand.u32 $0x78, s1;
	s7 =	sadd.s32 s0, s21;
	[dreg:$0x2] =	wrdreg s19  }
0x10: {  	s21 =	simm.s32 $0x7D00;
	[dreg:$0x3] =	wrdreg s6;
	s25 =	smulhi.u32 $0x418938, s7  }
0x11: {  	s10 =	sadd.s32 $0x3E8, s7;
	s19 =	simm.s32 $0x3E8;
	s6 =	sor.u32 s9, s20  }
0x12: {  	s24 =	sor.u32 s22, s1;
	s26 =	smulhi.u32 $0x418938, s10;
	s6 =	sshrl.u32 s6, $0x3  }
0x13: {  	s20 =	simm.s32 $0x5DC0;
	s22 =	simm.s32 $0x1;
	s23 =	sadd.s32 s4, s6  }
0x14: {  	s0 =	sshrl.u32 s24, $0x3;
	s6 =	sadd.s32 s5, s6;
	[dreg:$0x4] =	wrdreg s23  }
0x15: {  	s24 =	simm.s32 $0x9C40;
	s31 =	sadd.s32 s4, s0;
	[dreg:$0x5] =	wrdreg s6  }
0x16: {  	s0 =	sadd.s32 s5, s0;
	s16 =	sshll.u32 s26, $0x3;
	[dreg:$0x6] =	wrdreg s31  }
0x17: {  	s26 =	simm.s32 $0x8;
	[dreg:$0x7] =	wrdreg s0;
	s6 =	sshll.u32 s25, $0x3  }
0x18: {  	s23 =	simm.s32 $0x2;
	s25 =	simm.s32 $0xBB80;
	s0 =	simm.s32 $0x0  }
.LBB2_1:
0x19: {  	s1 =	rddreg [dreg:$0x2]  }
0x1a: {  	[tilespmem:s2], [sflag:$0x5] =	stream.linear.gather [hbm4b:s1+s2], $0x2EE0, $0x38;
	[tilespmem:$0xDAC0] =	vst v63  }
0x1b: {  	_ =	swait.ge [sflag:s17], $0x2EE0  }
0x1c: {  	[sflag:s17] =	ssyncset.done $0x0  }
0x1d: {  	s11 =	rddreg [dreg:$0x3];
	[sflag:s17] =	ssyncadd.s32 $0xFFFFD120  }
0x1e: {  	[tilespmem:s18], [sflag:$0x5] =	stream.linear.gather [hbm4b:s11+s2], $0x2EE0, $0x38;
	[tilespmem:$0xDAC0] =	vst v63  }
0x1f: {  	_ =	swait.ge [sflag:s17], $0x2EE0  }
0x20: {  	[sflag:s17] =	ssyncset.done $0x0  }
0x21: {  	[sflag:s17] =	ssyncadd.s32 $0xFFFFD120  }
0x22: {  	[tilespmem:s20], [sflag:$0x1] =	stream.indirect.gather [hbm4b:s3+s19], $0x8, s2, s19, $0xb8;
	[tilespmem:$0xDAC0] =	vst v63  }
0x23: {  	_ = 	snop  }
0x24: {  	[tilespmem:s21], [sflag:$0x2] =	stream.indirect.gather [hbm4b:s3+s19], $0x8, s18, s19, $0xb8;
	[tilespmem:$0xDAC0] =	vst v63  }
0x25: {  	s12 =	smulhi.u32 $0x10624DD3, s7;
	_ =	swait.ge [sflag:s22], $0x1F40  }
0x26: {  	[sflag:s22] =	ssyncset.done $0x0  }
0x27: {  	s1 =	sshrl.u32 s12, $0xA;
	[sflag:s22] =	ssyncadd.s32 $0xFFFFE0C0  }
0x28: {  	s1 =	smul.u32 $0x1F400, s1;
	_ =	swait.ge [sflag:s23], $0x1F40  }
0x29: {  	s9 =	sand.u32 $0x78, s6;
	[sflag:s23] =	ssyncset.done $0x0  }
0x2a: {  	s15 =	simm.s32 $0x3E8;
	s1 =	sor.u32 s1, s9;
	[sflag:s23] =	ssyncadd.s32 $0xFFFFE0C0  }
0x2b: {  	[tilespmem:s24], [sflag:$0x3] =	stream.indirect.gather [hbm4b:s3+s19], $0x8, s15, s19, $0xb8;
	[tilespmem:$0xDAC0] =	vst v63  }
0x2c: {  	s13 =	simm.s32 $0x32C8;
	s1 =	sshrl.u32 s1, $0x3  }
0x2d: {  	[tilespmem:s25], [sflag:$0x4] =	stream.indirect.gather [hbm4b:s3+s19], $0x8, s13, s19, $0xb8;
	[tilespmem:$0xDAC0] =	vst v63  }
0x2e: {  	s8 =	sadd.s32 s4, s1  }
0x2f: {  	[hbm4b:s8+s26] =	stream.strided.scatter [tilespmem:s20], [sflag:$0x5], $0x1F40, s28, s26, $0x38;
	[tilespmem:$0xDAC0] =	vst v63  }
0x30: {  	_ =	swait.ge [sflag:s17], $0x1F40  }
0x31: {  	[sflag:s17] =	ssyncset.done $0x0  }
0x32: {  	s1 =	sadd.s32 s5, s1;
	[sflag:s17] =	ssyncadd.s32 $0xFFFFE0C0  }
0x33: {  	[hbm4b:s1+s26] =	stream.strided.scatter [tilespmem:s21], [sflag:$0x5], $0x1F40, s28, s26, $0x38;
	[tilespmem:$0xDAC0] =	vst v63  }
0x34: {  	_ =	swait.ge [sflag:s17], $0x1F40  }
0x35: {  	[sflag:s17] =	ssyncset.done $0x0  }
0x36: {  	[sflag:s17] =	ssyncadd.s32 $0xFFFFE0C0  }
0x37: {  	s9 =	smulhi.u32 $0x10624DD3, s10;
	_ =	swait.ge [sflag:s29], $0x1F40  }
0x38: {  	[sflag:s29] =	ssyncset.done $0x0  }
0x39: {  	s1 =	sshrl.u32 s9, $0xA;
	[sflag:s29] =	ssyncadd.s32 $0xFFFFE0C0  }
0x3a: {  	s1 =	smul.u32 $0x1F400, s1;
	_ =	swait.ge [sflag:s30], $0x1F40  }
0x3b: {  	s11 =	sand.u32 $0x78, s16;
	[sflag:s30] =	ssyncset.done $0x0  }
0x3c: {  	s12 =	simm.s32 $0x7D0;
	s1 =	sor.u32 s1, s11;
	[sflag:s30] =	ssyncadd.s32 $0xFFFFE0C0  }
0x3d: {  	[tilespmem:s20], [sflag:$0x1] =	stream.indirect.gather [hbm4b:s3+s19], $0x8, s12, s19, $0xb8;
	[tilespmem:$0xDAC0] =	vst v63  }
0x3e: {  	s13 =	simm.s32 $0x36B0;
	s1 =	sshrl.u32 s1, $0x3  }
0x3f: {  	[tilespmem:s21], [sflag:$0x2] =	stream.indirect.gather [hbm4b:s3+s19], $0x8, s13, s19, $0xb8;
	[tilespmem:$0xDAC0] =	vst v63  }
0x40: {  	s15 =	sadd.s32 s4, s1  }
0x41: {  	[hbm4b:s15+s26] =	stream.strided.scatter [tilespmem:s24], [sflag:$0x5], $0x1F40, s28, s26, $0x38;
	[tilespmem:$0xDAC0] =	vst v63  }
0x42: {  	_ =	swait.ge [sflag:s17], $0x1F40  }
0x43: {  	[sflag:s17] =	ssyncset.done $0x0  }
0x44: {  	s31 =	simm.s32 $0x1F40;
	s1 =	sadd.s32 s5, s1;
	[sflag:s17] =	ssyncadd.s32 $0xFFFFE0C0  }
0x45: {  	[hbm4b:s1+s26] =	stream.strided.scatter [tilespmem:s25], [sflag:$0x5], $0x1F40, s28, s26, $0x38;
	[tilespmem:$0xDAC0] =	vst v63  }
0x46: {  	s9 =	smov.u32 s7;
	s15 =	smov.u32 s6;
	s1 =	sadd.s32 $0x10, s16  }
.LBB2_2:
0x47: {  	_ =	swait.ge [sflag:s17], $0x1F40  }
0x48: {  	s15 =	sadd.s32 $0x10, s15;
	s9 =	sadd.s32 $0x7D0, s9;
	s8 =	smov.u32 s31  }
0x49: {  	p0 =	sne.s32 s31, $0x7D00;
	s31 =	sadd.s32 $0x1F40, s31;
	[sflag:s17] =	ssyncset.done $0x0  }
0x4a: {  	[sflag:s17] =	ssyncadd.s32 $0xFFFFE0C0  }
0x4b: {  	_ =	swait.ge [sflag:s22], $0x1F40  }
0x4c: {  	s11 =	smulhi.u32 $0x10624DD3, s9;
	[sflag:s22] =	ssyncset.done $0x0  }
0x4d: {  	s12 =	sand.u32 $0x78, s15;
	[sflag:s22] =	ssyncadd.s32 $0xFFFFE0C0  }
0x4e: {  	s8 =	sshra.s32 s8, $0x2;
	s11 =	sshrl.u32 s11, $0xA;
	_ =	swait.ge [sflag:s23], $0x1F40  }
0x4f: {  	s13 =	sadd.s32 $0x3E8, s8;
	s11 =	smul.u32 $0x1F400, s11;
	[sflag:s23] =	ssyncset.done $0x0  }
0x50: {  	[sflag:s23] =	ssyncadd.s32 $0xFFFFE0C0  }
0x51: {  	[tilespmem:s24], [sflag:$0x3] =	stream.indirect.gather [hbm4b:s3+s19], $0x8, s13, s19, $0xb8;
	[tilespmem:$0xDAC0] =	vst v63  }
0x52: {  	s11 =	sor.u32 s11, s12;
	s13 =	sadd.s32 $0x32C8, s8  }
0x53: {  	[tilespmem:s25], [sflag:$0x4] =	stream.indirect.gather [hbm4b:s3+s19], $0x8, s13, s19, $0xb8;
	[tilespmem:$0xDAC0] =	vst v63  }
0x54: {  	s11 =	sshrl.u32 s11, $0x3  }
0x55: {  	s12 =	sadd.s32 s4, s11  }
0x56: {  	[hbm4b:s12+s26] =	stream.strided.scatter [tilespmem:s20], [sflag:$0x5], $0x1F40, s28, s26, $0x38;
	[tilespmem:$0xDAC0] =	vst v63  }
0x57: {  	_ =	swait.ge [sflag:s17], $0x1F40  }
0x58: {  	[sflag:s17] =	ssyncset.done $0x0  }
0x59: {  	s11 =	sadd.s32 s5, s11;
	[sflag:s17] =	ssyncadd.s32 $0xFFFFE0C0  }
0x5a: {  	[hbm4b:s11+s26] =	stream.strided.scatter [tilespmem:s21], [sflag:$0x5], $0x1F40, s28, s26, $0x38;
	[tilespmem:$0xDAC0] =	vst v63  }
0x5b: {  	_ =	swait.ge [sflag:s17], $0x1F40  }
0x5c: {  	[sflag:s17] =	ssyncset.done $0x0  }
0x5d: {  	s11 =	sadd.s32 $0x3E8, s9;
	[sflag:s17] =	ssyncadd.s32 $0xFFFFE0C0  }
0x5e: {  	s11 =	smulhi.u32 $0x10624DD3, s11;
	_ =	swait.ge [sflag:s29], $0x1F40  }
0x5f: {  	[sflag:s29] =	ssyncset.done $0x0  }
0x60: {  	s11 =	sshrl.u32 s11, $0xA;
	[sflag:s29] =	ssyncadd.s32 $0xFFFFE0C0  }
0x61: {  	s11 =	smul.u32 $0x1F400, s11;
	_ =	swait.ge [sflag:s30], $0x1F40  }
0x62: {  	s12 =	sand.u32 $0x78, s1;
	[sflag:s30] =	ssyncset.done $0x0  }
0x63: {  	s13 =	sadd.s32 $0x7D0, s8;
	s11 =	sor.u32 s11, s12;
	[sflag:s30] =	ssyncadd.s32 $0xFFFFE0C0  }
0x64: {  	[tilespmem:s20], [sflag:$0x1] =	stream.indirect.gather [hbm4b:s3+s19], $0x8, s13, s19, $0xb8;
	[tilespmem:$0xDAC0] =	vst v63  }
0x65: {  	s8 =	sadd.s32 $0x36B0, s8;
	s11 =	sshrl.u32 s11, $0x3  }
0x66: {  	[tilespmem:s21], [sflag:$0x2] =	stream.indirect.gather [hbm4b:s3+s19], $0x8, s8, s19, $0xb8;
	[tilespmem:$0xDAC0] =	vst v63  }
0x67: {  	s8 =	sadd.s32 s4, s11  }
0x68: {  	[hbm4b:s8+s26] =	stream.strided.scatter [tilespmem:s24], [sflag:$0x5], $0x1F40, s28, s26, $0x38;
	[tilespmem:$0xDAC0] =	vst v63  }
.Ltmp0:
0x69: {  	_ = 	snop;
	(pc) =	sbr.rel @p0 .LBB2_2-.Ltmp0, $4  }
0x6a: {  	_ =	swait.ge [sflag:s17], $0x1F40  }
0x6b: {  	[sflag:s17] =	ssyncset.done $0x0  }
0x6c: {  	s1 =	sadd.s32 $0x10, s1;
	s8 =	sadd.s32 s5, s11;
	[sflag:s17] =	ssyncadd.s32 $0xFFFFE0C0  }
0x6d: {  	[hbm4b:s8+s26] =	stream.strided.scatter [tilespmem:s25], [sflag:$0x5], $0x1F40, s28, s26, $0x38;
	[tilespmem:$0xDAC0] =	vst v63  }
0x6e: {  	_ =	swait.ge [sflag:s17], $0x1F40  }
0x6f: {  	[sflag:s17] =	ssyncset.done $0x0  }
0x70: {  	[sflag:s17] =	ssyncadd.s32 $0xFFFFE0C0  }
0x71: {  	_ =	swait.ge [sflag:s22], $0x1F40  }
0x72: {  	[sflag:s22] =	ssyncset.done $0x0  }
0x73: {  	[sflag:s22] =	ssyncadd.s32 $0xFFFFE0C0  }
0x74: {  	_ =	swait.ge [sflag:s23], $0x1F40  }
0x75: {  	[sflag:s23] =	ssyncset.done $0x0  }
0x76: {  	s1 =	simm.s32 $0x2AF8;
	[sflag:s23] =	ssyncadd.s32 $0xFFFFE0C0  }
0x77: {  	[tilespmem:s24], [sflag:$0x3] =	stream.indirect.gather [hbm4b:s3+s19], $0x8, s1, s19, $0xb8;
	[tilespmem:$0xDAC0] =	vst v63  }
0x78: {  	s11 =	simm.s32 $0x59D8  }
0x79: {  	[tilespmem:s25], [sflag:$0x4] =	stream.indirect.gather [hbm4b:s3+s19], $0x8, s11, s19, $0xb8;
	[tilespmem:$0xDAC0] =	vst v63  }
0x7a: {  	s12 =	rddreg [dreg:$0x4]  }
0x7b: {  	[hbm4b:s12+s26] =	stream.strided.scatter [tilespmem:s20], [sflag:$0x5], $0x1F40, s28, s26, $0x38;
	[tilespmem:$0xDAC0] =	vst v63  }
0x7c: {  	_ =	swait.ge [sflag:s17], $0x1F40  }
0x7d: {  	[sflag:s17] =	ssyncset.done $0x0  }
0x7e: {  	s13 =	rddreg [dreg:$0x5];
	[sflag:s17] =	ssyncadd.s32 $0xFFFFE0C0  }
0x7f: {  	[hbm4b:s13+s26] =	stream.strided.scatter [tilespmem:s21], [sflag:$0x5], $0x1F40, s28, s26, $0x38;
	[tilespmem:$0xDAC0] =	vst v63  }
0x80: {  	_ =	swait.ge [sflag:s17], $0x1F40  }
0x81: {  	[sflag:s17] =	ssyncset.done $0x0  }
0x82: {  	[sflag:s17] =	ssyncadd.s32 $0xFFFFE0C0  }
0x83: {  	_ =	swait.ge [sflag:s29], $0x1F40  }
0x84: {  	[sflag:s29] =	ssyncset.done $0x0  }
0x85: {  	[sflag:s29] =	ssyncadd.s32 $0xFFFFE0C0  }
0x86: {  	_ =	swait.ge [sflag:s30], $0x1F40  }
0x87: {  	[sflag:s30] =	ssyncset.done $0x0  }
0x88: {  	s15 =	rddreg [dreg:$0x6];
	[sflag:s30] =	ssyncadd.s32 $0xFFFFE0C0  }
0x89: {  	[hbm4b:s15+s26] =	stream.strided.scatter [tilespmem:s24], [sflag:$0x5], $0x1F40, s28, s26, $0x38;
	[tilespmem:$0xDAC0] =	vst v63  }
0x8a: {  	s0 =	sadd.s32 $0x1, s0;
	_ =	swait.ge [sflag:s17], $0x1F40  }
0x8b: {  	p0 =	sne.s32 s0, s14;
	[sflag:s17] =	ssyncset.done $0x0  }
.Ltmp1:
0x8c: {  	s31 =	rddreg [dreg:$0x7];
	[sflag:s17] =	ssyncadd.s32 $0xFFFFE0C0;
	(pc) =	sbr.rel @p0 .LBB2_1-.Ltmp1, $4  }
0x8d: {  	[hbm4b:s31+s26] =	stream.strided.scatter [tilespmem:s25], [sflag:$0x5], $0x1F40, s28, s26, $0x38;
	[tilespmem:$0xDAC0] =	vst v63  }
0x8e: {  	_ =	swait.ge [sflag:s17], $0x1F40  }
0x8f: {  	[sflag:s17] =	ssyncset.done $0x0  }
0x90: {  	[sflag:s17] =	ssyncadd.s32 $0xFFFFE0C0  }
0x91: {  	_ =	sfence.sel $0x180000  }
0x92: {  	[bflag:$0x0] =	sbarrier.arrive $0xFFFF  }
0x93: {  	_ =	strace $0x9000004A  }
0x94: {  	s0 =	stileid.u32;
	[bflag:$0x2] =	sbarrier.arrive $0xFFFF  }
0x95: {  	p0 =	sne.s32 s0, $0x0;
	s0 =	rddreg [dreg:$0x1]  }
0x96: {  	s0 =	sadd.s32 @!p0 $0x100000, s0  }
0x97: {  	[sflag:s0] =	ssyncadd.tile.s32 @!p0 $0x1;
	_ =	shalt  }
.Lfunc_end2:
_tile_overlayer_lowered:
.L_overlay_start_2:
0x98: {  	(tag) =	ssettag $0x2  }
0x99: {  	s0 =	rddreg [dreg:$0x0];
	s2 =	stileid.u32  }
0x9a: {  	s1 =	rddreg [dreg:$0x1];
	p0 =	sne.s32 s2, $0x0  }
0x9b: {  	s3 =	rddreg [dreg:$0x2];
	[bflag:$0x3] =	sbarrier.arrive $0xFFFF;
	s2 =	simm.s32 @!p0 $0x1C05  }
0x9c: {  	[timem:s3], [sflag:s2] =	dma.local @!p0 [hbm:s0], s1  }
0x9d: {  	s0 =	simm.s32 @!p0 $0x5  }
0x9e: {  	_ =	swait.ge @!p0 [sflag:s0], s1  }
0x9f: {  	s1 =	ssub.s32 @!p0 $0x0, s1;
	[sflag:s0] =	ssyncset.done @!p0 $0x0  }
0xa0: {  	[sflag:s0] =	ssyncadd.s32 @!p0 s1  }
0xa1: {  	[bflag:$0x3] =	sbarrier.arrive $0xFFFF  }
0xa2: {  	_ =	shalt  }

// kernel: kernel.7.cloned.1.call-start
scs
__scs_entry_jumppad:
0x0: {  	(pc) =	sbr.rel $0x88, $3  }
0x1: {  	(tag) =	ssettag $0x0;
	lr =	simm.s32 $0x1  }
0x2: {  	[smem:$0x3F82] =	sst lr;
	_ =	strace $0xD0000000  }
0x3: {  	_ = 	snop  }
0x4: {  	_ = 	snop  }
0x5: {  	_ = 	snop  }
0x6: {  	_ = 	snop  }
0x7: {  	_ = 	snop  }
__scs_overlays_trampoline_lowered:
0x8: {  	[smem:$0x3F91] =	sst s0  }
0x9: {  	[smem:$0x3F92] =	sst s1  }
0xa: {  	[smem:$0x3F93] =	sst s2  }
0xb: {  	[smem:$0x3F94] =	sst s3  }
0xc: {  	[smem:$0x3F95] =	sst s4  }
0xd: {  	[smem:$0x3F96] =	sst s5  }
0xe: {  	[smem:$0x3F97] =	sst s6  }
0xf: {  	[smem:$0x3F98] =	sst s7  }
0x10: {  	[smem:$0x3F99] =	sst s8  }
0x11: {  	[smem:$0x3F9A] =	sst s9;
	s0 =	simm.s32 @!p0 $0x0  }
0x12: {  	s1 =	sld [smem:$0x3F80];
	s0 =	simm.s32 @p0 $0x1  }
0x13: {  	[smem:$0x3F9B] =	sst s0;
	s0 =	simm.s32 @!p1 $0x0  }
0x14: {  	s2 =	sld [smem:$0x3F7F];
	s0 =	simm.s32 @p1 $0x1  }
0x15: {  	[smem:$0x3F9C] =	sst s0;
	s0 =	simm.s32 @!p2 $0x0  }
0x16: {  	s3 =	sld [smem:$0x3FDB];
	s0 =	simm.s32 @p2 $0x1  }
0x17: {  	s4 =	simm.s32 $0x1BF5;
	[smem:$0x3F9E] =	sst s0  }
0x18: {  	s0 =	sld [smem:$0x3F81];
	_ =	swait.ge [sflag:s4], $0x0  }
0x19: {  	s7 =	sld [smem:$0x3F82]  }
0x1a: {  	s8 =	sadd.s32 $0xFFFFE003, lr  }
0x1b: {  	s9 =	sadd.s32 $0xFFFFFEF7, lr;
	s5 =	simm.s32 $0xFFFFFFFF;
	p2 =	slt.u32 s8, $0xFFFFF086  }
0x1c: {  	p1 =	slt.u32 s9, $0xF7A;
	s5 =	simm.s32 @!p2 $0x0  }
0x1d: {  	s5 =	simm.s32 @p1 $0x1;
	p0 =	seq.s32 s7, s2  }
0x1e: {  	s7 =	smul.u32 @!p0 $0xF7A, s2;
	p2 =	seq.s32 @!p0 s5, $0x0  }
0x1f: {  	s9 =	smul.u32 $0xF7A, s1;
	s8 =	simm.s32 @!p0 $0x1BF5;
	p2 =	por !p2, p0  }
0x20: {  	[sflag:s8] =	ssyncset.s32 @!p0 $0xFFFFF086;
	s6 =	sadd.s32 @!p0 s3, s7;
	s7 =	simm.s32 @!p0 $0x108  }
0x21: {  	s3 =	sadd.s32 s3, s9;
	s6 =	sadd.s32 @!p0 $0x88, s6;
	s7 =	simm.s32 @p2 $0x1082  }
0x22: {  	[simem:s7], [sflag:s8] =	dma.local @!p0 [hbm:s6], $0xF7A  }
0x23: {  	s9 =	sor.u32 $0xD0000000, s2;
	s6 =	simm.s32 $0x108;
	_ =	swait.ge @!p0 [sflag:s8], $0x0  }
0x24: {  	s3 =	sadd.s32 $0x88, s3;
	s6 =	simm.s32 @!p1 $0x1082;
	[sflag:s4] =	ssyncset.s32 $0xFFFFF086  }
0x25: {  	[simem:s6], [sflag:s4] =	dma.local [hbm:s3], $0xF7A  }
0x26: {  	[smem:$0x3F82] =	sst s1;
	(tag) =	ssettag s2;
	_ =	strace s9  }
0x27: {  	s1 =	sld [smem:$0x3F92]  }
0x28: {  	s2 =	sld [smem:$0x3F93]  }
0x29: {  	s4 =	sld [smem:$0x3F95]  }
0x2a: {  	p0 =	seq.s32 s5, $0x0;
	s5 =	sld [smem:$0x3F96]  }
0x2b: {  	s6 =	sld [smem:$0x3F97]  }
0x2c: {  	s7 =	sld [smem:$0x3F98]  }
0x2d: {  	s3 =	simm.s32 $0x108;
	s8 =	sld [smem:$0x3F99]  }
0x2e: {  	s3 =	simm.s32 @!p0 $0x1082;
	s9 =	sld [smem:$0x3F9A]  }
0x2f: {  	lr =	sadd.s32 s0, s3;
	s0 =	sld [smem:$0x3F91]  }
0x30: {  	s3 =	sld [smem:$0x3F94]  }
0x31: {  	[smem:$0x3F9D] =	sst s10  }
0x32: {  	s10 =	sld [smem:$0x3F9B];
	_ =	sdelay $0x3  }
0x33: {  	p0 =	seq.s32 s10, $0x1;
	s10 =	sld [smem:$0x3F9D];
	_ =	sdelay $0x3  }
0x34: {  	[smem:$0x3F9D] =	sst s10  }
0x35: {  	s10 =	sld [smem:$0x3F9C];
	_ =	sdelay $0x3  }
0x36: {  	p1 =	seq.s32 s10, $0x1;
	s10 =	sld [smem:$0x3F9D];
	_ =	sdelay $0x3  }
0x37: {  	[smem:$0x3F9D] =	sst s10  }
0x38: {  	s10 =	sld [smem:$0x3F9E]  }
0x39: {  	_ = 	snop;
	(pc) =	sbr.ind lr, $3  }
0x3a: {  	_ = 	snop  }
0x3b: {  	_ = 	snop  }
0x3c: {  	p2 =	seq.s32 s10, $0x1;
	s10 =	sld [smem:$0x3F9D]  }
0x3d: {  	_ =	shalt  }
0x3e: {  	_ =	shalt  }
0x3f: {  	_ =	shalt  }
0x40: {  	_ =	shalt  }
0x41: {  	_ =	shalt  }
0x42: {  	_ =	shalt  }
0x43: {  	_ =	shalt  }
0x44: {  	_ =	shalt  }
0x45: {  	_ =	shalt  }
0x46: {  	_ =	shalt  }
0x47: {  	_ =	shalt  }
0x48: {  	_ =	shalt  }
0x49: {  	_ =	shalt  }
0x4a: {  	_ =	shalt  }
0x4b: {  	_ =	shalt  }
0x4c: {  	_ =	shalt  }
0x4d: {  	_ =	shalt  }
0x4e: {  	_ =	shalt  }
0x4f: {  	_ =	shalt  }
0x50: {  	_ =	shalt  }
0x51: {  	_ =	shalt  }
0x52: {  	_ =	shalt  }
0x53: {  	_ =	shalt  }
0x54: {  	_ =	shalt  }
0x55: {  	_ =	shalt  }
0x56: {  	_ =	shalt  }
0x57: {  	_ =	shalt  }
0x58: {  	_ =	shalt  }
0x59: {  	_ =	shalt  }
0x5a: {  	_ =	shalt  }
0x5b: {  	_ =	shalt  }
0x5c: {  	_ =	shalt  }
0x5d: {  	_ =	shalt  }
0x5e: {  	_ =	shalt  }
0x5f: {  	_ =	shalt  }
0x60: {  	_ =	shalt  }
0x61: {  	_ =	shalt  }
0x62: {  	_ =	shalt  }
0x63: {  	_ =	shalt  }
0x64: {  	_ =	shalt  }
0x65: {  	_ =	shalt  }
0x66: {  	_ =	shalt  }
0x67: {  	_ =	shalt  }
0x68: {  	_ =	shalt  }
0x69: {  	_ =	shalt  }
0x6a: {  	_ =	shalt  }
0x6b: {  	_ =	shalt  }
0x6c: {  	_ =	shalt  }
0x6d: {  	_ =	shalt  }
0x6e: {  	_ =	shalt  }
0x6f: {  	_ =	shalt  }
0x70: {  	_ =	shalt  }
0x71: {  	_ =	shalt  }
0x72: {  	_ =	shalt  }
0x73: {  	_ =	shalt  }
0x74: {  	_ =	shalt  }
0x75: {  	_ =	shalt  }
0x76: {  	_ =	shalt  }
0x77: {  	_ =	shalt  }
0x78: {  	_ =	shalt  }
0x79: {  	_ =	shalt  }
0x7a: {  	_ =	shalt  }
0x7b: {  	_ =	shalt  }
0x7c: {  	_ =	shalt  }
0x7d: {  	_ =	shalt  }
0x7e: {  	_ =	shalt  }
0x7f: {  	_ =	shalt  }
0x80: {  	_ =	shalt  }
0x81: {  	_ =	shalt  }
0x82: {  	_ =	shalt  }
0x83: {  	_ =	shalt  }
0x84: {  	_ =	shalt  }
0x85: {  	_ =	shalt  }
0x86: {  	_ =	shalt  }
0x87: {  	_ =	shalt  }
.Lfunc_end0:
.L_simem_size_0:
called_computation_lowered:
.L_overlay_start_0:
0x88: {  	s2 =	sld [smem:$0x3FD9]  }
0x89: {  	s3 =	sld [smem:$0x3FFE];
	_ =	sdelay $0x1  }
0x8a: {  	s1 =	srdreg.scid  }
0x8b: {  	s0 =	sand.u32 $0x1, s1  }
0x8c: {  	s16 =	sshll.u32 s0, $0xA;
	s2 =	sadd.s32 s3, s2  }
0x8d: {  	s2 =	sadd.s32 s2, s16  }
0x8e: {  	[smem:$0x3FA9] =	sst s2  }
0x8f: {  	_ = 	snop  }
0x90: {  	(tm) =	ssettm $0x1  }
0x91: {  	s17 =	sld [smem:$0x3FFB];
	_ =	sdelay $0x3  }
0x92: {  	_ =	strace s17  }
0x93: {  	s2 =	sld [smem:$0x3FFC];
	_ =	sdelay $0x3  }
0x94: {  	_ =	strace s2  }
0x95: {  	s2 =	sld [smem:$0x3FFD];
	_ =	sdelay $0x3  }
0x96: {  	_ =	strace s2  }
0x97: {  	_ =	strace $0x8FFFFFFF  }
0x98: {  	s18 =	sld [smem:$0x3FDB];
	_ =	sdelay $0x1  }
0x99: {  	s19 =	simm.s32 $_scs_section_size  }
0x9a: {  	s4 =	simm.s32 $_size__tile_overlayer_lowered;
	s5 =	simm.s32 $_tile_overlayer_lowered  }
0x9b: {  	s22 =	simm.s32 $0x1BFF;
	s21 =	sshll.u32 s5, $0x1;
	s2 =	sadd.s32 s19, s18  }
0x9c: {  	s6 =	simm.s32 $0x0;
	s20 =	sshll.u32 s4, $0x1;
	s4 =	sadd.s32 s21, s2  }
0x9d: {  	[timem:s6], [sflag:s22] =	dma.local [hbm:s4], s20  }
0x9e: {  	_ =	swait.ge [sflag:s22], s20  }
0x9f: {  	s3 =	ssub.s32 $0x0, s20;
	[sflag:s22] =	ssyncset.done $0x0  }
0xa0: {  	[sflag:s22] =	ssyncadd.s32 s3;
	_ =	sdelay $0x1  }
0xa1: {  	s23 =	simm.s32 $0x1B8B  }
0xa2: {  	_ =	swait.ge [sflag:s23], $0x1  }
0xa3: {  	[sflag:s23] =	ssyncset.done $0x0  }
0xa4: {  	s25 =	simm.s32 $0x1B8E;
	s24 =	sld [smem:$0x3FFE];
	[sflag:s23] =	ssyncadd.s32 $0xFFFFFFFF  }
0xa5: {  	s26 =	simm.s32 $execute0_lowered;
	[smem:$0x3FD2] =	sst s25  }
0xa6: {  	s4 =	sshll.u32 s26, $0x1;
	_ =	strace $0x80000046;
	[dreg:$0x1] =	wrdreg $0xFFFFFFFF  }
0xa7: {  	s28 =	simm.s32 $_size_execute0_lowered;
	s2 =	sadd.s32 s2, s4;
	[dreg:$0x0] =	wrdreg $0x0  }
0xa8: {  	s4 =	sshll.u32 s28, $0x1;
	[dreg:$0x2] =	wrdreg s2  }
0xa9: {  	[dreg:$0x3] =	wrdreg s4  }
0xaa: {  	[dreg:$0x4] =	wrdreg $0xC0  }
0xab: {  	_ =	task [dreg:s6], $0x5FFFF  }
0xac: {  	[dreg:$0x1] =	wrdreg $0xFFFFFFFF  }
0xad: {  	[dreg:$0x0] =	wrdreg $0x60  }
0xae: {  	[dreg:$0x2] =	wrdreg s24  }
0xaf: {  	[dreg:$0x3] =	wrdreg $0x9  }
0xb0: {  	_ =	task.clear_ibuf [dreg:s6], $0x4FFFF;
	_ =	strace $0x90000046  }
0xb1: {  	s29 =	simm.s32 $0x9;
	_ =	strace $0x80000048  }
0xb2: {  	_ =	swait.ge [sflag:s29], $0x1  }
0xb3: {  	[sflag:s29] =	ssyncadd.s32 $0xFFFFFFFF  }
0xb4: {  	_ =	strace $0x90000048  }
0xb5: {  	_ =	sfence  }
0xb6: {  	s30 =	sld [smem:$0x0];
	_ =	sdelay $0x2  }
0xb7: {  	s31 =	sshll.u32 s1, $0xD;
	s1 =	sshrl.u32 s1, $0x2  }
0xb8: {  	s3 =	sand.u32 $0x4000, s31;
	s1 =	sadd.s32 s1, s30  }
0xb9: {  	s0 =	sor.u32 s3, s0;
	s1 =	sshll.u32 s1, $0x11  }
0xba: {  	s0 =	sor.u32 s1, s0  }
0xbb: {  	s0 =	sadd.s32 $0x8F2B, s0  }
0xbc: {  	[sflag:s0] =	ssyncadd.remote.s32 $0x1  }
0xbd: {  	_ =	sfence.sel $0xFFFF  }
0xbe: {  	[dreg:$0x0] =	wrdreg $0xFFFFFFFF;
	(pc) =	sbr.abs _section_cstart, $3  }
0xbf: {  	[dreg:$0x1] =	wrdreg $0xFFFFFFFF  }
0xc0: {  	_ =	task.clear_ibuf [dreg:s6], $0x2FFFF;
	_ =	strace $0x9FFFFFFF  }
0xc1: {  	(tm) =	ssettm $0x7FFFFFFF  }
tec
execute0_lowered:
.L_overlay_start_1:
0x0: {  	(tag) =	ssettag $0x1  }
0x1: {  	s0 =	srdreg.scid  }
0x2: {  	s9 =	stileid.u32;
	s5 =	rddreg [dreg:$0x0];
	s2 =	simm.s32 $0x0  }
0x3: {  	s15 =	simm.s32 $0x5;
	s16 =	simm.s32 $0x32C8;
	s17 =	simm.s32 $0x3E8  }
0x4: {  	s18 =	simm.s32 $0x6590;
	s19 =	simm.s32 $0x84D0;
	s20 =	simm.s32 $0x1  }
0x5: {  	s21 =	simm.s32 $0x2;
	s22 =	simm.s32 $0xA410;
	s23 =	simm.s32 $0xC350  }
0x6: {  	s0 =	sand.u32 $0x1, s0;
	s1 =	sshll.u32 s9, $0x1;
	s9 =	smul.u32 $0x6590, s9  }
0x7: {  	s1 =	sor.u32 s0, s1;
	s8 =	ssub.s32 $0x2, s0;
	s0 =	smul.u32 $0x32C8, s0  }
0x8: {  	s24 =	simm.s32 $0x8;
	s28 =	simm.s32 $0x4;
	s1 =	smul.u32 $0x32C8, s1  }
0x9: {  	s29 =	simm.s32 $0x0;
	[smem:$0x7FF] =	sst s2;
	s0 =	sadd.s32 s0, s9  }
0xa: {  	s10 =	sshrl.u32 s8, $0x1;
	s4 =	sadd.s32 $0x2EE0, s1;
	s13 =	smulhi.u32 $0x418938, s0  }
0xb: {  	_ =	strace $0x80000047;
	s12 =	ssub.s32 s8, s10;
	s3 =	smulhi.u32 $0x83127, s4  }
0xc: {  	s1 =	sshrl.u32 s1, $0x3;
	s8 =	sadd.s32 $0x3E8, s0;
	s6 =	smulhi.u32 $0x418938, s4  }
0xd: {  	s12 =	smax.u32 s12, $0x1;
	s1 =	sadd.s32 s1, s5;
	s3 =	sshrl.u32 s3, $0x1  }
0xe: {  	s4 =	sadd.s32 $0x106200, s5;
	s6 =	sshll.u32 s6, $0x3;
	s7 =	smul.u32 $0x1F400, s3  }
0xf: {  	s14 =	smulhi.u32 $0x418938, s8;
	s26 =	sadd.s32 $0xEDA00, s1;
	s25 =	sand.u32 $0x78, s6  }
0x10: {  	s1 =	sadd.s32 $0xD5200, s1;
	[dreg:$0x2] =	wrdreg s26;
	s7 =	sor.u32 s7, s25  }
0x11: {  	[dreg:$0x3] =	wrdreg s1;
	s1 =	sshll.u32 s13, $0x3;
	s7 =	sshrl.u32 s7, $0x3  }
0x12: {  	s3 =	sadd.s32 $0xC8E00, s5;
	s5 =	sadd.s32 $0x16BC00, s5;
	s30 =	sadd.s32 s4, s7  }
0x13: {  	s14 =	sshll.u32 s14, $0x3;
	s31 =	sadd.s32 s5, s7;
	[dreg:$0x4] =	wrdreg s30  }
0x14: {  	s26 =	simm.s32 $0x3;
	s25 =	simm.s32 $0x80;
	[dreg:$0x5] =	wrdreg s31  }
.LBB2_1:
0x15: {  	s6 =	rddreg [dreg:$0x2]  }
0x16: {  	[tilespmem:s2], [sflag:$0x5] =	stream.linear.gather [hbm4b:s6+s2], $0x32C8, $0x38;
	[tilespmem:$0xE290] =	vst v63  }
0x17: {  	_ =	swait.ge [sflag:s15], $0x32C8  }
0x18: {  	[sflag:s15] =	ssyncset.done $0x0  }
0x19: {  	s10 =	rddreg [dreg:$0x3];
	[sflag:s15] =	ssyncadd.s32 $0xFFFFCD38  }
0x1a: {  	[tilespmem:s16], [sflag:$0x5] =	stream.linear.gather [hbm4b:s10+s2], $0x32C8, $0x38;
	[tilespmem:$0xE290] =	vst v63  }
0x1b: {  	_ =	swait.ge [sflag:s15], $0x32C8  }
0x1c: {  	[sflag:s15] =	ssyncset.done $0x0  }
0x1d: {  	[sflag:s15] =	ssyncadd.s32 $0xFFFFCD38  }
0x1e: {  	[tilespmem:s18], [sflag:$0x1] =	stream.indirect.gather [hbm4b:s3+s17], $0x8, s2, s17, $0xb8;
	[tilespmem:$0xE290] =	vst v63  }
0x1f: {  	_ = 	snop  }
0x20: {  	[tilespmem:s19], [sflag:$0x2] =	stream.indirect.gather [hbm4b:s3+s17], $0x8, s16, s17, $0xb8;
	[tilespmem:$0xE290] =	vst v63  }
0x21: {  	s7 =	smulhi.u32 $0x10624DD3, s0;
	_ =	swait.ge [sflag:s20], $0x1F40  }
0x22: {  	[sflag:s20] =	ssyncset.done $0x0  }
0x23: {  	s7 =	sshrl.u32 s7, $0xA;
	[sflag:s20] =	ssyncadd.s32 $0xFFFFE0C0  }
0x24: {  	s7 =	smul.u32 $0x1F400, s7;
	_ =	swait.ge [sflag:s21], $0x1F40  }
0x25: {  	s13 =	sand.u32 $0x78, s1;
	[sflag:s21] =	ssyncset.done $0x0  }
0x26: {  	s30 =	simm.s32 $0x3E8;
	s7 =	sor.u32 s7, s13;
	[sflag:s21] =	ssyncadd.s32 $0xFFFFE0C0  }
0x27: {  	[tilespmem:s22], [sflag:$0x3] =	stream.indirect.gather [hbm4b:s3+s17], $0x8, s30, s17, $0xb8;
	[tilespmem:$0xE290] =	vst v63  }
0x28: {  	s7 =	sshrl.u32 s7, $0x3;
	s30 =	simm.s32 $0x36B0  }
0x29: {  	[tilespmem:s23], [sflag:$0x4] =	stream.indirect.gather [hbm4b:s3+s17], $0x8, s30, s17, $0xb8;
	[tilespmem:$0xE290] =	vst v63  }
0x2a: {  	s11 =	sadd.s32 s4, s7  }
0x2b: {  	[hbm4b:s11+s24] =	stream.strided.scatter [tilespmem:s18], [sflag:$0x5], $0x1F40, s25, s24, $0x38;
	[tilespmem:$0xE290] =	vst v63  }
0x2c: {  	_ =	swait.ge [sflag:s15], $0x1F40  }
0x2d: {  	[sflag:s15] =	ssyncset.done $0x0  }
0x2e: {  	s7 =	sadd.s32 s5, s7;
	[sflag:s15] =	ssyncadd.s32 $0xFFFFE0C0  }
0x2f: {  	[hbm4b:s7+s24] =	stream.strided.scatter [tilespmem:s19], [sflag:$0x5], $0x1F40, s25, s24, $0x38;
	[tilespmem:$0xE290] =	vst v63  }
0x30: {  	_ =	swait.ge [sflag:s15], $0x1F40  }
0x31: {  	[sflag:s15] =	ssyncset.done $0x0  }
0x32: {  	[sflag:s15] =	ssyncadd.s32 $0xFFFFE0C0  }
0x33: {  	s6 =	smulhi.u32 $0x10624DD3, s8;
	_ =	swait.ge [sflag:s26], $0x1F40  }
0x34: {  	[sflag:s26] =	ssyncset.done $0x0  }
0x35: {  	s7 =	sshrl.u32 s6, $0xA;
	[sflag:s26] =	ssyncadd.s32 $0xFFFFE0C0  }
0x36: {  	s7 =	smul.u32 $0x1F400, s7;
	_ =	swait.ge [sflag:s28], $0x1F40  }
0x37: {  	s9 =	sand.u32 $0x78, s14;
	[sflag:s28] =	ssyncset.done $0x0  }
0x38: {  	s30 =	simm.s32 $0x7D0;
	s7 =	sor.u32 s7, s9;
	[sflag:s28] =	ssyncadd.s32 $0xFFFFE0C0  }
0x39: {  	[tilespmem:s18], [sflag:$0x1] =	stream.indirect.gather [hbm4b:s3+s17], $0x8, s30, s17, $0xb8;
	[tilespmem:$0xE290] =	vst v63  }
0x3a: {  	s10 =	simm.s32 $0x3A98;
	s7 =	sshrl.u32 s7, $0x3  }
0x3b: {  	[tilespmem:s19], [sflag:$0x2] =	stream.indirect.gather [hbm4b:s3+s17], $0x8, s10, s17, $0xb8;
	[tilespmem:$0xE290] =	vst v63  }
0x3c: {  	s11 =	sadd.s32 s4, s7  }
0x3d: {  	[hbm4b:s11+s24] =	stream.strided.scatter [tilespmem:s22], [sflag:$0x5], $0x1F40, s25, s24, $0x38;
	[tilespmem:$0xE290] =	vst v63  }
0x3e: {  	_ =	swait.ge [sflag:s15], $0x1F40  }
0x3f: {  	[sflag:s15] =	ssyncset.done $0x0  }
0x40: {  	s31 =	sadd.s32 $0x10, s14;
	s7 =	sadd.s32 s5, s7;
	[sflag:s15] =	ssyncadd.s32 $0xFFFFE0C0  }
0x41: {  	[hbm4b:s7+s24] =	stream.strided.scatter [tilespmem:s23], [sflag:$0x5], $0x1F40, s25, s24, $0x38;
	[tilespmem:$0xE290] =	vst v63  }
0x42: {  	s13 =	smov.u32 s1;
	s30 =	simm.s32 $0x1F40;
	s7 =	smov.u32 s0  }
.LBB2_2:
0x43: {  	_ =	swait.ge [sflag:s15], $0x1F40  }
0x44: {  	s13 =	sadd.s32 $0x10, s13;
	s7 =	sadd.s32 $0x7D0, s7;
	s6 =	smov.u32 s30  }
0x45: {  	p0 =	sne.s32 s30, $0x9C40;
	s30 =	sadd.s32 $0x1F40, s30;
	[sflag:s15] =	ssyncset.done $0x0  }
0x46: {  	[sflag:s15] =	ssyncadd.s32 $0xFFFFE0C0  }
0x47: {  	_ =	swait.ge [sflag:s20], $0x1F40  }
0x48: {  	s9 =	smulhi.u32 $0x10624DD3, s7;
	[sflag:s20] =	ssyncset.done $0x0  }
0x49: {  	s10 =	sand.u32 $0x78, s13;
	[sflag:s20] =	ssyncadd.s32 $0xFFFFE0C0  }
0x4a: {  	s6 =	sshra.s32 s6, $0x2;
	s9 =	sshrl.u32 s9, $0xA;
	_ =	swait.ge [sflag:s21], $0x1F40  }
0x4b: {  	s11 =	sadd.s32 $0x3E8, s6;
	s9 =	smul.u32 $0x1F400, s9;
	[sflag:s21] =	ssyncset.done $0x0  }
0x4c: {  	[sflag:s21] =	ssyncadd.s32 $0xFFFFE0C0  }
0x4d: {  	[tilespmem:s22], [sflag:$0x3] =	stream.indirect.gather [hbm4b:s3+s17], $0x8, s11, s17, $0xb8;
	[tilespmem:$0xE290] =	vst v63  }
0x4e: {  	s9 =	sor.u32 s9, s10;
	s11 =	sadd.s32 $0x36B0, s6  }
0x4f: {  	[tilespmem:s23], [sflag:$0x4] =	stream.indirect.gather [hbm4b:s3+s17], $0x8, s11, s17, $0xb8;
	[tilespmem:$0xE290] =	vst v63  }
0x50: {  	s9 =	sshrl.u32 s9, $0x3  }
0x51: {  	s10 =	sadd.s32 s4, s9  }
0x52: {  	[hbm4b:s10+s24] =	stream.strided.scatter [tilespmem:s18], [sflag:$0x5], $0x1F40, s25, s24, $0x38;
	[tilespmem:$0xE290] =	vst v63  }
0x53: {  	_ =	swait.ge [sflag:s15], $0x1F40  }
0x54: {  	[sflag:s15] =	ssyncset.done $0x0  }
0x55: {  	s9 =	sadd.s32 s5, s9;
	[sflag:s15] =	ssyncadd.s32 $0xFFFFE0C0  }
0x56: {  	[hbm4b:s9+s24] =	stream.strided.scatter [tilespmem:s19], [sflag:$0x5], $0x1F40, s25, s24, $0x38;
	[tilespmem:$0xE290] =	vst v63  }
0x57: {  	_ =	swait.ge [sflag:s15], $0x1F40  }
0x58: {  	[sflag:s15] =	ssyncset.done $0x0  }
0x59: {  	s9 =	sadd.s32 $0x3E8, s7;
	[sflag:s15] =	ssyncadd.s32 $0xFFFFE0C0  }
0x5a: {  	s9 =	smulhi.u32 $0x10624DD3, s9;
	_ =	swait.ge [sflag:s26], $0x1F40  }
0x5b: {  	[sflag:s26] =	ssyncset.done $0x0  }
0x5c: {  	s9 =	sshrl.u32 s9, $0xA;
	[sflag:s26] =	ssyncadd.s32 $0xFFFFE0C0  }
0x5d: {  	s9 =	smul.u32 $0x1F400, s9;
	_ =	swait.ge [sflag:s28], $0x1F40  }
0x5e: {  	s10 =	sand.u32 $0x78, s31;
	[sflag:s28] =	ssyncset.done $0x0  }
0x5f: {  	s11 =	sadd.s32 $0x7D0, s6;
	s9 =	sor.u32 s9, s10;
	[sflag:s28] =	ssyncadd.s32 $0xFFFFE0C0  }
0x60: {  	[tilespmem:s18], [sflag:$0x1] =	stream.indirect.gather [hbm4b:s3+s17], $0x8, s11, s17, $0xb8;
	[tilespmem:$0xE290] =	vst v63  }
0x61: {  	s6 =	sadd.s32 $0x3A98, s6;
	s9 =	sshrl.u32 s9, $0x3  }
0x62: {  	[tilespmem:s19], [sflag:$0x2] =	stream.indirect.gather [hbm4b:s3+s17], $0x8, s6, s17, $0xb8;
	[tilespmem:$0xE290] =	vst v63  }
0x63: {  	s6 =	sadd.s32 s4, s9  }
0x64: {  	[hbm4b:s6+s24] =	stream.strided.scatter [tilespmem:s22], [sflag:$0x5], $0x1F40, s25, s24, $0x38;
	[tilespmem:$0xE290] =	vst v63  }
.Ltmp0:
0x65: {  	_ = 	snop;
	(pc) =	sbr.rel @p0 .LBB2_2-.Ltmp0, $4  }
0x66: {  	_ =	swait.ge [sflag:s15], $0x1F40  }
0x67: {  	[sflag:s15] =	ssyncset.done $0x0  }
0x68: {  	s31 =	sadd.s32 $0x10, s31;
	s6 =	sadd.s32 s5, s9;
	[sflag:s15] =	ssyncadd.s32 $0xFFFFE0C0  }
0x69: {  	[hbm4b:s6+s24] =	stream.strided.scatter [tilespmem:s23], [sflag:$0x5], $0x1F40, s25, s24, $0x38;
	[tilespmem:$0xE290] =	vst v63  }
0x6a: {  	_ =	swait.ge [sflag:s15], $0x1F40  }
0x6b: {  	[sflag:s15] =	ssyncset.done $0x0  }
0x6c: {  	[sflag:s15] =	ssyncadd.s32 $0xFFFFE0C0  }
0x6d: {  	_ =	swait.ge [sflag:s20], $0x1F40  }
0x6e: {  	[sflag:s20] =	ssyncset.done $0x0  }
0x6f: {  	[sflag:s20] =	ssyncadd.s32 $0xFFFFE0C0  }
0x70: {  	_ =	swait.ge [sflag:s21], $0x1F40  }
0x71: {  	[sflag:s21] =	ssyncset.done $0x0  }
0x72: {  	s6 =	rddreg [dreg:$0x4];
	[sflag:s21] =	ssyncadd.s32 $0xFFFFE0C0  }
0x73: {  	[hbm4b:s6+s24] =	stream.strided.scatter [tilespmem:s18], [sflag:$0x5], $0x1F40, s25, s24, $0x38;
	[tilespmem:$0xE290] =	vst v63  }
0x74: {  	s29 =	sadd.s32 $0x1, s29;
	_ =	swait.ge [sflag:s15], $0x1F40  }
0x75: {  	p0 =	sne.s32 s29, s12;
	[sflag:s15] =	ssyncset.done $0x0  }
.Ltmp1:
0x76: {  	s31 =	rddreg [dreg:$0x5];
	[sflag:s15] =	ssyncadd.s32 $0xFFFFE0C0;
	(pc) =	sbr.rel @p0 .LBB2_1-.Ltmp1, $4  }
0x77: {  	[hbm4b:s31+s24] =	stream.strided.scatter [tilespmem:s19], [sflag:$0x5], $0x1F40, s25, s24, $0x38;
	[tilespmem:$0xE290] =	vst v63  }
0x78: {  	_ =	swait.ge [sflag:s15], $0x1F40  }
0x79: {  	[sflag:s15] =	ssyncset.done $0x0  }
0x7a: {  	[sflag:s15] =	ssyncadd.s32 $0xFFFFE0C0  }
0x7b: {  	_ =	sfence.sel $0x180000  }
0x7c: {  	[bflag:$0x0] =	sbarrier.arrive $0xFFFF  }
0x7d: {  	_ =	strace $0x90000047  }
0x7e: {  	s0 =	stileid.u32;
	[bflag:$0x2] =	sbarrier.arrive $0xFFFF  }
0x7f: {  	p0 =	sne.s32 s0, $0x0;
	s0 =	rddreg [dreg:$0x1]  }
0x80: {  	s0 =	sadd.s32 @!p0 $0x100000, s0  }
0x81: {  	[sflag:s0] =	ssyncadd.tile.s32 @!p0 $0x1;
	_ =	shalt  }
.Lfunc_end2:
_tile_overlayer_lowered:
.L_overlay_start_2:
0x82: {  	(tag) =	ssettag $0x2  }
0x83: {  	s0 =	rddreg [dreg:$0x0];
	s2 =	stileid.u32  }
0x84: {  	s1 =	rddreg [dreg:$0x1];
	p0 =	sne.s32 s2, $0x0  }
0x85: {  	s3 =	rddreg [dreg:$0x2];
	[bflag:$0x3] =	sbarrier.arrive $0xFFFF;
	s2 =	simm.s32 @!p0 $0x1C05  }
0x86: {  	[timem:s3], [sflag:s2] =	dma.local @!p0 [hbm:s0], s1  }
0x87: {  	s0 =	simm.s32 @!p0 $0x5  }
0x88: {  	_ =	swait.ge @!p0 [sflag:s0], s1  }
0x89: {  	s1 =	ssub.s32 @!p0 $0x0, s1;
	[sflag:s0] =	ssyncset.done @!p0 $0x0  }
0x8a: {  	[sflag:s0] =	ssyncadd.s32 @!p0 s1  }
0x8b: {  	[bflag:$0x3] =	sbarrier.arrive $0xFFFF  }
0x8c: {  	_ =	shalt  }

</sc_bundles>
